<compile_context>
chip_gen: v7x
topology: tpu7x:2x2x1
jax: 0.10.2.dev20260603
libtpu: 0.0.44.dev20260713+nightly
codegen_flags: <defaults>
</compile_context>

<pallas_src>
import functools

import jax
import jax.numpy as jnp
from jax import lax
from jax.experimental import pallas as pl
from jax.experimental.pallas import tpu as pltpu
from jax.experimental.pallas import tpu_sc as plsc

N = 10000
E = 320000
D = 128
G = 16

NC = 2
NS = 16
EPW = E // (NC * NS)
W = 64
NCHUNK = EPW // W
ETAIL = EPW - NCHUNK * W
NBUF = 6
RPT = (N // NS) // 8 * 8
RTAIL = N - NS * RPT

BLK = 2000
GRID = N // BLK


def _vmesh():
    return plsc.VectorSubcoreMesh(core_axis_name="c", subcore_axis_name="s")


NW = NC * NS


def _sc_degree(dst):

    @functools.partial(
        pl.kernel,
        out_type=jax.ShapeDtypeStruct((NW * N,), jnp.float32),
        mesh=_vmesh(),
        scratch_types=[
            pltpu.VMEM((EPW,), jnp.int32),
            pltpu.VMEM((N,), jnp.float32),
        ],
        compiler_params=pltpu.CompilerParams(needs_layout_passes=False),
    )
    def deg_kernel(dst_hbm, out_hbm, didx_all, hist):
        cid = lax.axis_index("c")
        sid = lax.axis_index("s")
        wid = cid * NS + sid
        pltpu.sync_copy(dst_hbm.at[pl.ds(wid * EPW, EPW)], didx_all)

        zeros16 = jnp.zeros((16,), jnp.float32)

        @pl.loop(0, N // 16, unroll=5)
        def _(i):
            hist[pl.ds(i * 16, 16)] = zeros16

        ones16 = jnp.full((16,), 1.0, jnp.float32)

        @pl.loop(0, EPW // 16, unroll=5)
        def _(i):
            idx = didx_all[pl.ds(i * 16, 16)]
            plsc.addupdate_scatter(hist, [idx], ones16)

        pltpu.sync_copy(hist, out_hbm.at[pl.ds(wid * N, N)])

    return deg_kernel(dst)


def _sc_aggregate(y, src, dst):

    @functools.partial(
        pl.kernel,
        out_type=jax.ShapeDtypeStruct((NC, N, D), jnp.float32),
        mesh=_vmesh(),
        scratch_types=[
            [pltpu.VMEM((W,), jnp.int32)] * NBUF,
            [pltpu.VMEM((W,), jnp.int32)] * NBUF,
            [pltpu.VMEM((W, D), jnp.float32)] * NBUF,
            pltpu.VMEM((ETAIL,), jnp.int32),
            pltpu.VMEM((ETAIL,), jnp.int32),
            pltpu.VMEM_SHARED((N, D), jnp.float32),
            [pltpu.SemaphoreType.DMA] * NBUF,
            [pltpu.SemaphoreType.DMA] * NBUF,
            [pltpu.SemaphoreType.DMA] * NBUF,
            [pltpu.SemaphoreType.DMA] * NBUF,
        ],
    )
    def agg_kernel(y_hbm, src_hbm, dst_hbm, out_hbm,
                   sidx_r, didx_r, rows_r, tsidx, tdidx, z_sh,
                   sisem, disem, gsem, ssem):
        cid = lax.axis_index("c")
        sid = lax.axis_index("s")
        r0 = sid * RPT
        pltpu.sync_copy(y_hbm.at[pl.ds(r0, RPT)], z_sh.at[pl.ds(r0, RPT)])

        @pl.when(sid == 0)
        def _():
            pltpu.sync_copy(y_hbm.at[pl.ds(NS * RPT, RTAIL)],
                            z_sh.at[pl.ds(NS * RPT, RTAIL)])

        base = (cid * NS + sid) * EPW
        plsc.subcore_barrier()

        def idx_start(q, b):
            pltpu.async_copy(src_hbm.at[pl.ds(base + q * W, W)],
                             sidx_r[b], sisem[b])
            pltpu.async_copy(dst_hbm.at[pl.ds(base + q * W, W)],
                             didx_r[b], disem[b])

        def idx_wait(q, b):
            pltpu.make_async_copy(src_hbm.at[pl.ds(base + q * W, W)],
                                  sidx_r[b], sisem[b]).wait()
            pltpu.make_async_copy(dst_hbm.at[pl.ds(base + q * W, W)],
                                  didx_r[b], disem[b]).wait()

        def gather_start(b):
            pltpu.async_copy(y_hbm.at[sidx_r[b]], rows_r[b], gsem[b])

        def gather_wait(b):
            pltpu.make_async_copy(y_hbm.at[sidx_r[b]], rows_r[b],
                                  gsem[b]).wait()

        def scatter_start(b):
            pltpu.async_copy(rows_r[b], z_sh.at[didx_r[b]], ssem[b], add=True)

        def scatter_wait(b):
            pltpu.make_async_copy(rows_r[b], z_sh.at[didx_r[b]],
                                  ssem[b]).wait()

        for b in range(NBUF):
            idx_start(b, b)

        @pl.loop(0, NCHUNK, step=NBUF)
        def _(j):
            for b in range(NBUF):
                idx_wait(j + b, b)
                gather_start(b)
            for b in range(NBUF):
                gather_wait(b)
                scatter_start(b)
            for b in range(NBUF):
                scatter_wait(b)
                pl.when(j + b + NBUF < NCHUNK)(
                    functools.partial(idx_start, j + b + NBUF, b))

        tb = base + NCHUNK * W
        pltpu.sync_copy(src_hbm.at[pl.ds(tb, ETAIL)], tsidx)
        pltpu.sync_copy(dst_hbm.at[pl.ds(tb, ETAIL)], tdidx)
        trows = rows_r[0].at[pl.ds(0, ETAIL)]
        pltpu.sync_copy(y_hbm.at[tsidx], trows)
        pltpu.sync_copy(trows, z_sh.at[tdidx], add=True)

        plsc.subcore_barrier()
        pltpu.sync_copy(z_sh.at[pl.ds(r0, RPT)], out_hbm.at[cid, pl.ds(r0, RPT)])

        @pl.when(sid == 0)
        def _():
            pltpu.sync_copy(z_sh.at[pl.ds(NS * RPT, RTAIL)],
                            out_hbm.at[cid, pl.ds(NS * RPT, RTAIL)])

    return agg_kernel(y, src, dst)


def _dis_block(degt_blk):
    deg = jnp.sum(degt_blk, axis=1, keepdims=True) + 1.0
    return lax.rsqrt(deg)


def _tc_scale_matmul(x, w, degt):

    def body(x_ref, w_ref, d_ref, o_ref):
        dis = _dis_block(d_ref[...])
        o_ref[...] = dis * jnp.dot(x_ref[...], w_ref[...],
                                   preferred_element_type=jnp.float32)

    return pl.pallas_call(
        body,
        grid=(GRID,),
        in_specs=[
            pl.BlockSpec((BLK, D), lambda i: (i, 0)),
            pl.BlockSpec((D, D), lambda i: (0, 0)),
            pl.BlockSpec((BLK, NW), lambda i: (i, 0)),
        ],
        out_specs=pl.BlockSpec((BLK, D), lambda i: (i, 0)),
        out_shape=jax.ShapeDtypeStruct((N, D), jnp.float32),
    )(x, w, degt)


def _tc_mid(z, y, degt, b, w):

    def body(z_ref, y_ref, d_ref, b_ref, w_ref, o_ref):
        dis = _dis_block(d_ref[...])
        zs = z_ref[0] + z_ref[1] - y_ref[...]
        h = jnp.maximum(dis * zs + b_ref[...], 0.0)
        o_ref[...] = dis * jnp.dot(h, w_ref[...],
                                   preferred_element_type=jnp.float32)

    return pl.pallas_call(
        body,
        grid=(GRID,),
        in_specs=[
            pl.BlockSpec((NC, BLK, D), lambda i: (0, i, 0)),
            pl.BlockSpec((BLK, D), lambda i: (i, 0)),
            pl.BlockSpec((BLK, NW), lambda i: (i, 0)),
            pl.BlockSpec((D,), lambda i: (0,)),
            pl.BlockSpec((D, D), lambda i: (0, 0)),
        ],
        out_specs=pl.BlockSpec((BLK, D), lambda i: (i, 0)),
        out_shape=jax.ShapeDtypeStruct((N, D), jnp.float32),
    )(z, y, degt, b, w)


def _tc_final(z, y, degt, b, batch2, wfc, bfc):
    dout = wfc.shape[1]

    def body(z_ref, y_ref, d_ref, b_ref, bat_ref, wfc_ref, bfc_ref, o_ref,
             acc_ref, cnt_ref):
        i = pl.program_id(0)
        dis = _dis_block(d_ref[...])
        h = jnp.maximum(dis * (z_ref[0] + z_ref[1] - y_ref[...]) + b_ref[...], 0.0)
        gids = lax.broadcasted_iota(jnp.int32, (BLK, G), 1)
        oh = (bat_ref[...] == gids).astype(jnp.float32)
        pacc = lax.dot_general(oh, h, (((0,), (0,)), ((), ())),
                               preferred_element_type=jnp.float32)
        pcnt = lax.dot_general(oh, jnp.ones((BLK, D), jnp.float32),
                               (((0,), (0,)), ((), ())),
                               preferred_element_type=jnp.float32)

        @pl.when(i == 0)
        def _():
            acc_ref[...] = jnp.zeros_like(acc_ref)
            cnt_ref[...] = jnp.zeros_like(cnt_ref)

        acc_ref[...] += pacc
        cnt_ref[...] += pcnt

        @pl.when(i == GRID - 1)
        def _():
            pooled = acc_ref[...] / jnp.maximum(cnt_ref[...], 1.0)
            o_ref[...] = (jnp.dot(pooled, wfc_ref[...],
                                  preferred_element_type=jnp.float32)
                          + bfc_ref[...])

    return pl.pallas_call(
        body,
        grid=(GRID,),
        in_specs=[
            pl.BlockSpec((NC, BLK, D), lambda i: (0, i, 0)),
            pl.BlockSpec((BLK, D), lambda i: (i, 0)),
            pl.BlockSpec((BLK, NW), lambda i: (i, 0)),
            pl.BlockSpec((D,), lambda i: (0,)),
            pl.BlockSpec((BLK, 1), lambda i: (i, 0)),
            pl.BlockSpec((D, dout), lambda i: (0, 0)),
            pl.BlockSpec((dout,), lambda i: (0,)),
        ],
        out_specs=pl.BlockSpec((G, dout), lambda i: (0, 0)),
        out_shape=jax.ShapeDtypeStruct((G, dout), jnp.float32),
        scratch_shapes=[
            pltpu.VMEM((G, D), jnp.float32),
            pltpu.VMEM((G, D), jnp.float32),
        ],
    )(z, y, degt, b, batch2, wfc, bfc)


def kernel(x, edge_index, batch, W1, b1, W2, b2, Wfc, bfc):
    src = edge_index[0].astype(jnp.int32)
    dst = edge_index[1].astype(jnp.int32)

    degp = _sc_degree(dst).reshape(NW, N)
    degt = degp.T

    y1 = _tc_scale_matmul(x, W1, degt)
    z1 = _sc_aggregate(y1, src, dst)
    y2 = _tc_mid(z1, y1, degt, b1, W2)
    z2 = _sc_aggregate(y2, src, dst)
    batch2 = batch.astype(jnp.int32).reshape(N, 1)
    return _tc_final(z2, y2, degt, b2, batch2, Wfc, bfc)

# --- scband reference (transcript-rebuilt; emitter-appended) ---
"""Pipeline reference for scband-simple-gcn-7550552507130 (READ-ONLY COPY).

The authoritative reference and input builder live on the scoring server;
editing this copy changes nothing except your own understanding.
"""

import jax, jax.numpy as jnp
import numpy as np

N = 10000
E = 320000
D_IN = 128
D_H = 128
D_OUT = 64
G = 16


def setup_inputs(seed: int = 0) -> dict:
    key = jax.random.key(seed)
    ks = jax.random.split(key, 10)
    x = jax.random.normal(ks[0], (N, D_IN), dtype=jnp.float32)
    edge_index = jax.random.randint(ks[1], (2, E), 0, N)
    batch = jnp.sort(jax.random.randint(ks[2], (N,), 0, G))
    W1 = jax.random.normal(ks[3], (D_IN, D_H), dtype=jnp.float32) * (1.0 / np.sqrt(D_IN))
    b1 = jnp.zeros((D_H,), dtype=jnp.float32)
    W2 = jax.random.normal(ks[4], (D_H, D_H), dtype=jnp.float32) * (1.0 / np.sqrt(D_H))
    b2 = jnp.zeros((D_H,), dtype=jnp.float32)
    Wfc = jax.random.normal(ks[5], (D_H, D_OUT), dtype=jnp.float32) * (1.0 / np.sqrt(D_H))
    bfc = jnp.zeros((D_OUT,), dtype=jnp.float32)
    return {"x": x, "edge_index": edge_index, "batch": batch,
            "W1": W1, "b1": b1, "W2": W2, "b2": b2, "Wfc": Wfc, "bfc": bfc}


def _gcn_conv(x, edge_index, W, b, num_nodes):
    # GCNConv: x' = D^{-1/2} (A + I) D^{-1/2} (X W) + b
    loop = jnp.arange(num_nodes, dtype=edge_index.dtype)
    src = jnp.concatenate([edge_index[0], loop])
    dst = jnp.concatenate([edge_index[1], loop])
    deg = jnp.zeros((num_nodes,), dtype=jnp.float32).at[dst].add(1.0)
    deg_inv_sqrt = jnp.where(deg > 0, jax.lax.rsqrt(jnp.maximum(deg, 1e-12)), 0.0)
    norm = deg_inv_sqrt[src] * deg_inv_sqrt[dst]
    xw = x @ W
    msg = xw[src] * norm[:, None]
    out = jnp.zeros((num_nodes, W.shape[1]), dtype=jnp.float32).at[dst].add(msg)
    return out + b


def _global_mean_pool(x, batch, num_graphs):
    sums = jax.ops.segment_sum(x, batch, num_segments=num_graphs)
    cnts = jax.ops.segment_sum(jnp.ones((x.shape[0],), dtype=jnp.float32), batch, num_segments=num_graphs)
    return sums / jnp.maximum(cnts, 1.0)[:, None]


def reference(x, edge_index, batch, W1, b1, W2, b2, Wfc, bfc):
    h = jax.nn.relu(_gcn_conv(x, edge_index, W1, b1, N))
    h = jax.nn.relu(_gcn_conv(h, edge_index, W2, b2, N))
    p = _global_mean_pool(h, batch, G)
    return p @ Wfc + bfc

if __name__ == "__main__":
    import jax
    _d = setup_inputs()
    print(jax.jit(kernel)(*tuple(_d.values())))

</pallas_src>

<mosaic_0001>
#map = affine_map<(d0, d1) -> (0, 0)>
#map1 = affine_map<(d0, d1) -> (0)>
#map2 = affine_map<(d0, d1) -> (0, 0, 0)>
module attributes {stable_mosaic.version = 14 : i64} {
  func.func @agg_kernel(%arg0: i32, %arg1: i32, %arg2: memref<10000x128xf32, #tpu.memory_space<hbm>>, %arg3: memref<320000xi32, #tpu.memory_space<hbm>>, %arg4: memref<320000xi32, #tpu.memory_space<hbm>>, %arg5: memref<2x10000x128xf32, #tpu.memory_space<hbm>>, %arg6: memref<64xi32, #tpu.memory_space<vmem>>, %arg7: memref<64xi32, #tpu.memory_space<vmem>>, %arg8: memref<64xi32, #tpu.memory_space<vmem>>, %arg9: memref<64xi32, #tpu.memory_space<vmem>>, %arg10: memref<64xi32, #tpu.memory_space<vmem>>, %arg11: memref<64xi32, #tpu.memory_space<vmem>>, %arg12: memref<64xi32, #tpu.memory_space<vmem>>, %arg13: memref<64xi32, #tpu.memory_space<vmem>>, %arg14: memref<64xi32, #tpu.memory_space<vmem>>, %arg15: memref<64xi32, #tpu.memory_space<vmem>>, %arg16: memref<64xi32, #tpu.memory_space<vmem>>, %arg17: memref<64xi32, #tpu.memory_space<vmem>>, %arg18: memref<64x128xf32, #tpu.memory_space<vmem>>, %arg19: memref<64x128xf32, #tpu.memory_space<vmem>>, %arg20: memref<64x128xf32, #tpu.memory_space<vmem>>, %arg21: memref<64x128xf32, #tpu.memory_space<vmem>>, %arg22: memref<64x128xf32, #tpu.memory_space<vmem>>, %arg23: memref<64x128xf32, #tpu.memory_space<vmem>>, %arg24: memref<16xi32, #tpu.memory_space<vmem>>, %arg25: memref<16xi32, #tpu.memory_space<vmem>>, %arg26: memref<10000x128xf32, #tpu.memory_space<vmem_shared>>, %arg27: memref<!tpu.dma_semaphore, #tpu.memory_space<semaphore_mem>>, %arg28: memref<!tpu.dma_semaphore, #tpu.memory_space<semaphore_mem>>, %arg29: memref<!tpu.dma_semaphore, #tpu.memory_space<semaphore_mem>>, %arg30: memref<!tpu.dma_semaphore, #tpu.memory_space<semaphore_mem>>, %arg31: memref<!tpu.dma_semaphore, #tpu.memory_space<semaphore_mem>>, %arg32: memref<!tpu.dma_semaphore, #tpu.memory_space<semaphore_mem>>, %arg33: memref<!tpu.dma_semaphore, #tpu.memory_space<semaphore_mem>>, %arg34: memref<!tpu.dma_semaphore, #tpu.memory_space<semaphore_mem>>, %arg35: memref<!tpu.dma_semaphore, #tpu.memory_space<semaphore_mem>>, %arg36: memref<!tpu.dma_semaphore, #tpu.memory_space<semaphore_mem>>, %arg37: memref<!tpu.dma_semaphore, #tpu.memory_space<semaphore_mem>>, %arg38: memref<!tpu.dma_semaphore, #tpu.memory_space<semaphore_mem>>, %arg39: memref<!tpu.dma_semaphore, #tpu.memory_space<semaphore_mem>>, %arg40: memref<!tpu.dma_semaphore, #tpu.memory_space<semaphore_mem>>, %arg41: memref<!tpu.dma_semaphore, #tpu.memory_space<semaphore_mem>>, %arg42: memref<!tpu.dma_semaphore, #tpu.memory_space<semaphore_mem>>, %arg43: memref<!tpu.dma_semaphore, #tpu.memory_space<semaphore_mem>>, %arg44: memref<!tpu.dma_semaphore, #tpu.memory_space<semaphore_mem>>, %arg45: memref<!tpu.dma_semaphore, #tpu.memory_space<semaphore_mem>>, %arg46: memref<!tpu.dma_semaphore, #tpu.memory_space<semaphore_mem>>, %arg47: memref<!tpu.dma_semaphore, #tpu.memory_space<semaphore_mem>>, %arg48: memref<!tpu.dma_semaphore, #tpu.memory_space<semaphore_mem>>, %arg49: memref<!tpu.dma_semaphore, #tpu.memory_space<semaphore_mem>>, %arg50: memref<!tpu.dma_semaphore, #tpu.memory_space<semaphore_mem>>) attributes {dimension_semantics = [#tpu.dimension_semantics<core_parallel>, #tpu.dimension_semantics<subcore_parallel>], iteration_bounds = array<i64: 2, 16>, scalar_prefetch = 0 : i64, scratch_operands = 45 : i64, tpu.core_type = #tpu.core_type<sc_vector_subcore>, window_params = [{transform_indices = #map}, {transform_indices = #map1}, {transform_indices = #map1}, {transform_indices = #map2}]} {
    %mul3A = arith.constant 624 : i32
    %mul3A_0 = arith.muli %arg1, %mul3A : i32
    "tpu.region"() ({
      %run_scoped3A = tpu.sem_alloc : memref<!tpu.dma_semaphore, #tpu.memory_space<semaphore_mem>>
      %dma_start3A_66 = arith.constant 0 : i32
      %dma_start3A_67 = tpu.memref_slice %arg26[%mul3A_0, %dma_start3A_66] : memref<10000x128xf32, #tpu.memory_space<vmem_shared>> -> memref<624x128xf32, #tpu.memory_space<vmem_shared>>
      %dma_start3A_68 = arith.constant 0 : i32
      %dma_start3A_69 = tpu.memref_slice %arg2[%mul3A_0, %dma_start3A_68] : memref<10000x128xf32, #tpu.memory_space<hbm>> -> memref<624x128xf32, #tpu.memory_space<hbm>>
      tpu.enqueue_dma source(%dma_start3A_69 : memref<624x128xf32, #tpu.memory_space<hbm>>) target(%dma_start3A_67 : memref<624x128xf32, #tpu.memory_space<vmem_shared>>) target_semaphore(%run_scoped3A : memref<!tpu.dma_semaphore, #tpu.memory_space<semaphore_mem>>)
      %dma_wait3A = arith.constant 0 : i32
      %dma_wait3A_70 = tpu.memref_slice %arg26[%mul3A_0, %dma_wait3A] : memref<10000x128xf32, #tpu.memory_space<vmem_shared>> -> memref<624x128xf32, #tpu.memory_space<vmem_shared>>
      %dma_wait3A_71 = arith.constant 0 : i32
      %dma_wait3A_72 = tpu.memref_slice %arg2[%mul3A_0, %dma_wait3A_71] : memref<10000x128xf32, #tpu.memory_space<hbm>> -> memref<624x128xf32, #tpu.memory_space<hbm>>
      tpu.wait_dma2 semaphore(%run_scoped3A : memref<!tpu.dma_semaphore, #tpu.memory_space<semaphore_mem>>) src(%dma_wait3A_72 : memref<624x128xf32, #tpu.memory_space<hbm>>) dst(%dma_wait3A_70 : memref<624x128xf32, #tpu.memory_space<vmem_shared>>)
      tpu.yield
    }) : () -> ()
    %eq3A = arith.constant 0 : i32
    %eq3A_1 = arith.cmpi eq, %arg1, %eq3A : i32
    %convert_element_type3A = arith.extui %eq3A_1 : i1 to i32
    %cond3A = arith.constant 0 : i32
    %cond3A_2 = arith.cmpi ne, %convert_element_type3A, %cond3A : i32
    scf.if %cond3A_2 {
      "tpu.region"() ({
        %run_scoped3A = tpu.sem_alloc : memref<!tpu.dma_semaphore, #tpu.memory_space<semaphore_mem>>
        %dma_start3A_66 = arith.constant 9984 : i32
        %dma_start3A_67 = arith.constant 0 : i32
        %dma_start3A_68 = tpu.memref_slice %arg26[%dma_start3A_66, %dma_start3A_67] : memref<10000x128xf32, #tpu.memory_space<vmem_shared>> -> memref<16x128xf32, #tpu.memory_space<vmem_shared>>
        %dma_start3A_69 = arith.constant 9984 : i32
        %dma_start3A_70 = arith.constant 0 : i32
        %dma_start3A_71 = tpu.memref_slice %arg2[%dma_start3A_69, %dma_start3A_70] : memref<10000x128xf32, #tpu.memory_space<hbm>> -> memref<16x128xf32, #tpu.memory_space<hbm>>
        tpu.enqueue_dma source(%dma_start3A_71 : memref<16x128xf32, #tpu.memory_space<hbm>>) target(%dma_start3A_68 : memref<16x128xf32, #tpu.memory_space<vmem_shared>>) target_semaphore(%run_scoped3A : memref<!tpu.dma_semaphore, #tpu.memory_space<semaphore_mem>>)
        %dma_wait3A = arith.constant 9984 : i32
        %dma_wait3A_72 = arith.constant 0 : i32
        %dma_wait3A_73 = tpu.memref_slice %arg26[%dma_wait3A, %dma_wait3A_72] : memref<10000x128xf32, #tpu.memory_space<vmem_shared>> -> memref<16x128xf32, #tpu.memory_space<vmem_shared>>
        %dma_wait3A_74 = arith.constant 9984 : i32
        %dma_wait3A_75 = arith.constant 0 : i32
        %dma_wait3A_76 = tpu.memref_slice %arg2[%dma_wait3A_74, %dma_wait3A_75] : memref<10000x128xf32, #tpu.memory_space<hbm>> -> memref<16x128xf32, #tpu.memory_space<hbm>>
        tpu.wait_dma2 semaphore(%run_scoped3A : memref<!tpu.dma_semaphore, #tpu.memory_space<semaphore_mem>>) src(%dma_wait3A_76 : memref<16x128xf32, #tpu.memory_space<hbm>>) dst(%dma_wait3A_73 : memref<16x128xf32, #tpu.memory_space<vmem_shared>>)
        tpu.yield
      }) : () -> ()
    } else {
    }
    %mul3A_3 = arith.constant 16 : i32
    %mul3A_4 = arith.muli %arg0, %mul3A_3 : i32
    %add3A = arith.addi %mul3A_4, %arg1 : i32
    %mul3A_5 = arith.constant 10000 : i32
    %mul3A_6 = arith.muli %add3A, %mul3A_5 : i32
    %barrier3A = arith.constant 0 : index
    tpu.barrier barrier_id(%barrier3A)
    %add3A_7 = arith.constant 0 : i32
    %add3A_8 = arith.addi %mul3A_6, %add3A_7 : i32
    %dma_start3A = tpu.memref_slice %arg3[%add3A_8] : memref<320000xi32, #tpu.memory_space<hbm>> -> memref<64xi32, #tpu.memory_space<hbm>>
    %dma_start3A_9 = tpu.memref_slice %arg3[%add3A_8] : memref<320000xi32, #tpu.memory_space<hbm>> -> memref<64xi32, #tpu.memory_space<hbm>>
    tpu.enqueue_dma source(%dma_start3A_9 : memref<64xi32, #tpu.memory_space<hbm>>) target(%arg6 : memref<64xi32, #tpu.memory_space<vmem>>) target_semaphore(%arg27 : memref<!tpu.dma_semaphore, #tpu.memory_space<semaphore_mem>>)
    %add3A_10 = arith.constant 0 : i32
    %add3A_11 = arith.addi %mul3A_6, %add3A_10 : i32
    %dma_start3A_12 = tpu.memref_slice %arg4[%add3A_11] : memref<320000xi32, #tpu.memory_space<hbm>> -> memref<64xi32, #tpu.memory_space<hbm>>
    %dma_start3A_13 = tpu.memref_slice %arg4[%add3A_11] : memref<320000xi32, #tpu.memory_space<hbm>> -> memref<64xi32, #tpu.memory_space<hbm>>
    tpu.enqueue_dma source(%dma_start3A_13 : memref<64xi32, #tpu.memory_space<hbm>>) target(%arg12 : memref<64xi32, #tpu.memory_space<vmem>>) target_semaphore(%arg33 : memref<!tpu.dma_semaphore, #tpu.memory_space<semaphore_mem>>)
    %add3A_14 = arith.constant 64 : i32
    %add3A_15 = arith.addi %mul3A_6, %add3A_14 : i32
    %dma_start3A_16 = tpu.memref_slice %arg3[%add3A_15] : memref<320000xi32, #tpu.memory_space<hbm>> -> memref<64xi32, #tpu.memory_space<hbm>>
    %dma_start3A_17 = tpu.memref_slice %arg3[%add3A_15] : memref<320000xi32, #tpu.memory_space<hbm>> -> memref<64xi32, #tpu.memory_space<hbm>>
    tpu.enqueue_dma source(%dma_start3A_17 : memref<64xi32, #tpu.memory_space<hbm>>) target(%arg7 : memref<64xi32, #tpu.memory_space<vmem>>) target_semaphore(%arg28 : memref<!tpu.dma_semaphore, #tpu.memory_space<semaphore_mem>>)
    %add3A_18 = arith.constant 64 : i32
    %add3A_19 = arith.addi %mul3A_6, %add3A_18 : i32
    %dma_start3A_20 = tpu.memref_slice %arg4[%add3A_19] : memref<320000xi32, #tpu.memory_space<hbm>> -> memref<64xi32, #tpu.memory_space<hbm>>
    %dma_start3A_21 = tpu.memref_slice %arg4[%add3A_19] : memref<320000xi32, #tpu.memory_space<hbm>> -> memref<64xi32, #tpu.memory_space<hbm>>
    tpu.enqueue_dma source(%dma_start3A_21 : memref<64xi32, #tpu.memory_space<hbm>>) target(%arg13 : memref<64xi32, #tpu.memory_space<vmem>>) target_semaphore(%arg34 : memref<!tpu.dma_semaphore, #tpu.memory_space<semaphore_mem>>)
    %add3A_22 = arith.constant 128 : i32
    %add3A_23 = arith.addi %mul3A_6, %add3A_22 : i32
    %dma_start3A_24 = tpu.memref_slice %arg3[%add3A_23] : memref<320000xi32, #tpu.memory_space<hbm>> -> memref<64xi32, #tpu.memory_space<hbm>>
    %dma_start3A_25 = tpu.memref_slice %arg3[%add3A_23] : memref<320000xi32, #tpu.memory_space<hbm>> -> memref<64xi32, #tpu.memory_space<hbm>>
    tpu.enqueue_dma source(%dma_start3A_25 : memref<64xi32, #tpu.memory_space<hbm>>) target(%arg8 : memref<64xi32, #tpu.memory_space<vmem>>) target_semaphore(%arg29 : memref<!tpu.dma_semaphore, #tpu.memory_space<semaphore_mem>>)
    %add3A_26 = arith.constant 128 : i32
    %add3A_27 = arith.addi %mul3A_6, %add3A_26 : i32
    %dma_start3A_28 = tpu.memref_slice %arg4[%add3A_27] : memref<320000xi32, #tpu.memory_space<hbm>> -> memref<64xi32, #tpu.memory_space<hbm>>
    %dma_start3A_29 = tpu.memref_slice %arg4[%add3A_27] : memref<320000xi32, #tpu.memory_space<hbm>> -> memref<64xi32, #tpu.memory_space<hbm>>
    tpu.enqueue_dma source(%dma_start3A_29 : memref<64xi32, #tpu.memory_space<hbm>>) target(%arg14 : memref<64xi32, #tpu.memory_space<vmem>>) target_semaphore(%arg35 : memref<!tpu.dma_semaphore, #tpu.memory_space<semaphore_mem>>)
    %add3A_30 = arith.constant 192 : i32
    %add3A_31 = arith.addi %mul3A_6, %add3A_30 : i32
    %dma_start3A_32 = tpu.memref_slice %arg3[%add3A_31] : memref<320000xi32, #tpu.memory_space<hbm>> -> memref<64xi32, #tpu.memory_space<hbm>>
    %dma_start3A_33 = tpu.memref_slice %arg3[%add3A_31] : memref<320000xi32, #tpu.memory_space<hbm>> -> memref<64xi32, #tpu.memory_space<hbm>>
    tpu.enqueue_dma source(%dma_start3A_33 : memref<64xi32, #tpu.memory_space<hbm>>) target(%arg9 : memref<64xi32, #tpu.memory_space<vmem>>) target_semaphore(%arg30 : memref<!tpu.dma_semaphore, #tpu.memory_space<semaphore_mem>>)
    %add3A_34 = arith.constant 192 : i32
    %add3A_35 = arith.addi %mul3A_6, %add3A_34 : i32
    %dma_start3A_36 = tpu.memref_slice %arg4[%add3A_35] : memref<320000xi32, #tpu.memory_space<hbm>> -> memref<64xi32, #tpu.memory_space<hbm>>
    %dma_start3A_37 = tpu.memref_slice %arg4[%add3A_35] : memref<320000xi32, #tpu.memory_space<hbm>> -> memref<64xi32, #tpu.memory_space<hbm>>
    tpu.enqueue_dma source(%dma_start3A_37 : memref<64xi32, #tpu.memory_space<hbm>>) target(%arg15 : memref<64xi32, #tpu.memory_space<vmem>>) target_semaphore(%arg36 : memref<!tpu.dma_semaphore, #tpu.memory_space<semaphore_mem>>)
    %add3A_38 = arith.constant 256 : i32
    %add3A_39 = arith.addi %mul3A_6, %add3A_38 : i32
    %dma_start3A_40 = tpu.memref_slice %arg3[%add3A_39] : memref<320000xi32, #tpu.memory_space<hbm>> -> memref<64xi32, #tpu.memory_space<hbm>>
    %dma_start3A_41 = tpu.memref_slice %arg3[%add3A_39] : memref<320000xi32, #tpu.memory_space<hbm>> -> memref<64xi32, #tpu.memory_space<hbm>>
    tpu.enqueue_dma source(%dma_start3A_41 : memref<64xi32, #tpu.memory_space<hbm>>) target(%arg10 : memref<64xi32, #tpu.memory_space<vmem>>) target_semaphore(%arg31 : memref<!tpu.dma_semaphore, #tpu.memory_space<semaphore_mem>>)
    %add3A_42 = arith.constant 256 : i32
    %add3A_43 = arith.addi %mul3A_6, %add3A_42 : i32
    %dma_start3A_44 = tpu.memref_slice %arg4[%add3A_43] : memref<320000xi32, #tpu.memory_space<hbm>> -> memref<64xi32, #tpu.memory_space<hbm>>
    %dma_start3A_45 = tpu.memref_slice %arg4[%add3A_43] : memref<320000xi32, #tpu.memory_space<hbm>> -> memref<64xi32, #tpu.memory_space<hbm>>
    tpu.enqueue_dma source(%dma_start3A_45 : memref<64xi32, #tpu.memory_space<hbm>>) target(%arg16 : memref<64xi32, #tpu.memory_space<vmem>>) target_semaphore(%arg37 : memref<!tpu.dma_semaphore, #tpu.memory_space<semaphore_mem>>)
    %add3A_46 = arith.constant 320 : i32
    %add3A_47 = arith.addi %mul3A_6, %add3A_46 : i32
    %dma_start3A_48 = tpu.memref_slice %arg3[%add3A_47] : memref<320000xi32, #tpu.memory_space<hbm>> -> memref<64xi32, #tpu.memory_space<hbm>>
    %dma_start3A_49 = tpu.memref_slice %arg3[%add3A_47] : memref<320000xi32, #tpu.memory_space<hbm>> -> memref<64xi32, #tpu.memory_space<hbm>>
    tpu.enqueue_dma source(%dma_start3A_49 : memref<64xi32, #tpu.memory_space<hbm>>) target(%arg11 : memref<64xi32, #tpu.memory_space<vmem>>) target_semaphore(%arg32 : memref<!tpu.dma_semaphore, #tpu.memory_space<semaphore_mem>>)
    %add3A_50 = arith.constant 320 : i32
    %add3A_51 = arith.addi %mul3A_6, %add3A_50 : i32
    %dma_start3A_52 = tpu.memref_slice %arg4[%add3A_51] : memref<320000xi32, #tpu.memory_space<hbm>> -> memref<64xi32, #tpu.memory_space<hbm>>
    %dma_start3A_53 = tpu.memref_slice %arg4[%add3A_51] : memref<320000xi32, #tpu.memory_space<hbm>> -> memref<64xi32, #tpu.memory_space<hbm>>
    tpu.enqueue_dma source(%dma_start3A_53 : memref<64xi32, #tpu.memory_space<hbm>>) target(%arg17 : memref<64xi32, #tpu.memory_space<vmem>>) target_semaphore(%arg38 : memref<!tpu.dma_semaphore, #tpu.memory_space<semaphore_mem>>)
    %scan3A = arith.constant 0 : i32
    %scan3A_54 = arith.constant 26 : i32
    %scan3A_55 = arith.addi %scan3A, %scan3A_54 : i32
    %scan3A_56 = arith.constant 1 : i32
    scf.for %scan3A_66 = %scan3A to %scan3A_55 step %scan3A_56  : i32 {
      %mul3A_67 = arith.constant 6 : i32
      %mul3A_68 = arith.muli %scan3A_66, %mul3A_67 : i32
      %add3A_69 = arith.constant 0 : i32
      %add3A_70 = arith.addi %add3A_69, %mul3A_68 : i32
      %add3A_71 = arith.constant 0 : i32
      %add3A_72 = arith.addi %add3A_70, %add3A_71 : i32
      %mul3A_73 = arith.constant 64 : i32
      %mul3A_74 = arith.muli %add3A_72, %mul3A_73 : i32
      %add3A_75 = arith.addi %mul3A_6, %mul3A_74 : i32
      %dma_wait3A = tpu.memref_slice %arg3[%add3A_75] : memref<320000xi32, #tpu.memory_space<hbm>> -> memref<64xi32, #tpu.memory_space<hbm>>
      %dma_wait3A_76 = tpu.memref_slice %arg3[%add3A_75] : memref<320000xi32, #tpu.memory_space<hbm>> -> memref<64xi32, #tpu.memory_space<hbm>>
      tpu.wait_dma2 semaphore(%arg27 : memref<!tpu.dma_semaphore, #tpu.memory_space<semaphore_mem>>) src(%dma_wait3A_76 : memref<64xi32, #tpu.memory_space<hbm>>) dst(%arg6 : memref<64xi32, #tpu.memory_space<vmem>>)
      %mul3A_77 = arith.constant 64 : i32
      %mul3A_78 = arith.muli %add3A_72, %mul3A_77 : i32
      %add3A_79 = arith.addi %mul3A_6, %mul3A_78 : i32
      %dma_wait3A_80 = tpu.memref_slice %arg4[%add3A_79] : memref<320000xi32, #tpu.memory_space<hbm>> -> memref<64xi32, #tpu.memory_space<hbm>>
      %dma_wait3A_81 = tpu.memref_slice %arg4[%add3A_79] : memref<320000xi32, #tpu.memory_space<hbm>> -> memref<64xi32, #tpu.memory_space<hbm>>
      tpu.wait_dma2 semaphore(%arg33 : memref<!tpu.dma_semaphore, #tpu.memory_space<semaphore_mem>>) src(%dma_wait3A_81 : memref<64xi32, #tpu.memory_space<hbm>>) dst(%arg12 : memref<64xi32, #tpu.memory_space<vmem>>)
      %dma_start3A_82 = arith.constant 0 : i32
      %dma_start3A_83 = arith.constant 0 : i32
      %dma_start3A_84 = tpu.memref_slice %arg2[%dma_start3A_82, %dma_start3A_83] : memref<10000x128xf32, #tpu.memory_space<hbm>> -> memref<10000x128xf32, #tpu.memory_space<hbm>>
      tpu.enqueue_indirect_dma source(%dma_start3A_84 : memref<10000x128xf32, #tpu.memory_space<hbm>>) target(%arg18 : memref<64x128xf32, #tpu.memory_space<vmem>>) offsets(%arg6 : memref<64xi32, #tpu.memory_space<vmem>>) semaphore(%arg39 : memref<!tpu.dma_semaphore, #tpu.memory_space<semaphore_mem>>)
      %add3A_85 = arith.constant 1 : i32
      %add3A_86 = arith.addi %add3A_70, %add3A_85 : i32
      %mul3A_87 = arith.constant 64 : i32
      %mul3A_88 = arith.muli %add3A_86, %mul3A_87 : i32
      %add3A_89 = arith.addi %mul3A_6, %mul3A_88 : i32
      %dma_wait3A_90 = tpu.memref_slice %arg3[%add3A_89] : memref<320000xi32, #tpu.memory_space<hbm>> -> memref<64xi32, #tpu.memory_space<hbm>>
      %dma_wait3A_91 = tpu.memref_slice %arg3[%add3A_89] : memref<320000xi32, #tpu.memory_space<hbm>> -> memref<64xi32, #tpu.memory_space<hbm>>
      tpu.wait_dma2 semaphore(%arg28 : memref<!tpu.dma_semaphore, #tpu.memory_space<semaphore_mem>>) src(%dma_wait3A_91 : memref<64xi32, #tpu.memory_space<hbm>>) dst(%arg7 : memref<64xi32, #tpu.memory_space<vmem>>)
      %mul3A_92 = arith.constant 64 : i32
      %mul3A_93 = arith.muli %add3A_86, %mul3A_92 : i32
      %add3A_94 = arith.addi %mul3A_6, %mul3A_93 : i32
      %dma_wait3A_95 = tpu.memref_slice %arg4[%add3A_94] : memref<320000xi32, #tpu.memory_space<hbm>> -> memref<64xi32, #tpu.memory_space<hbm>>
      %dma_wait3A_96 = tpu.memref_slice %arg4[%add3A_94] : memref<320000xi32, #tpu.memory_space<hbm>> -> memref<64xi32, #tpu.memory_space<hbm>>
      tpu.wait_dma2 semaphore(%arg34 : memref<!tpu.dma_semaphore, #tpu.memory_space<semaphore_mem>>) src(%dma_wait3A_96 : memref<64xi32, #tpu.memory_space<hbm>>) dst(%arg13 : memref<64xi32, #tpu.memory_space<vmem>>)
      %dma_start3A_97 = arith.constant 0 : i32
      %dma_start3A_98 = arith.constant 0 : i32
      %dma_start3A_99 = tpu.memref_slice %arg2[%dma_start3A_97, %dma_start3A_98] : memref<10000x128xf32, #tpu.memory_space<hbm>> -> memref<10000x128xf32, #tpu.memory_space<hbm>>
      tpu.enqueue_indirect_dma source(%dma_start3A_99 : memref<10000x128xf32, #tpu.memory_space<hbm>>) target(%arg19 : memref<64x128xf32, #tpu.memory_space<vmem>>) offsets(%arg7 : memref<64xi32, #tpu.memory_space<vmem>>) semaphore(%arg40 : memref<!tpu.dma_semaphore, #tpu.memory_space<semaphore_mem>>)
      %add3A_100 = arith.constant 2 : i32
      %add3A_101 = arith.addi %add3A_70, %add3A_100 : i32
      %mul3A_102 = arith.constant 64 : i32
      %mul3A_103 = arith.muli %add3A_101, %mul3A_102 : i32
      %add3A_104 = arith.addi %mul3A_6, %mul3A_103 : i32
      %dma_wait3A_105 = tpu.memref_slice %arg3[%add3A_104] : memref<320000xi32, #tpu.memory_space<hbm>> -> memref<64xi32, #tpu.memory_space<hbm>>
      %dma_wait3A_106 = tpu.memref_slice %arg3[%add3A_104] : memref<320000xi32, #tpu.memory_space<hbm>> -> memref<64xi32, #tpu.memory_space<hbm>>
      tpu.wait_dma2 semaphore(%arg29 : memref<!tpu.dma_semaphore, #tpu.memory_space<semaphore_mem>>) src(%dma_wait3A_106 : memref<64xi32, #tpu.memory_space<hbm>>) dst(%arg8 : memref<64xi32, #tpu.memory_space<vmem>>)
      %mul3A_107 = arith.constant 64 : i32
      %mul3A_108 = arith.muli %add3A_101, %mul3A_107 : i32
      %add3A_109 = arith.addi %mul3A_6, %mul3A_108 : i32
      %dma_wait3A_110 = tpu.memref_slice %arg4[%add3A_109] : memref<320000xi32, #tpu.memory_space<hbm>> -> memref<64xi32, #tpu.memory_space<hbm>>
      %dma_wait3A_111 = tpu.memref_slice %arg4[%add3A_109] : memref<320000xi32, #tpu.memory_space<hbm>> -> memref<64xi32, #tpu.memory_space<hbm>>
      tpu.wait_dma2 semaphore(%arg35 : memref<!tpu.dma_semaphore, #tpu.memory_space<semaphore_mem>>) src(%dma_wait3A_111 : memref<64xi32, #tpu.memory_space<hbm>>) dst(%arg14 : memref<64xi32, #tpu.memory_space<vmem>>)
      %dma_start3A_112 = arith.constant 0 : i32
      %dma_start3A_113 = arith.constant 0 : i32
      %dma_start3A_114 = tpu.memref_slice %arg2[%dma_start3A_112, %dma_start3A_113] : memref<10000x128xf32, #tpu.memory_space<hbm>> -> memref<10000x128xf32, #tpu.memory_space<hbm>>
      tpu.enqueue_indirect_dma source(%dma_start3A_114 : memref<10000x128xf32, #tpu.memory_space<hbm>>) target(%arg20 : memref<64x128xf32, #tpu.memory_space<vmem>>) offsets(%arg8 : memref<64xi32, #tpu.memory_space<vmem>>) semaphore(%arg41 : memref<!tpu.dma_semaphore, #tpu.memory_space<semaphore_mem>>)
      %add3A_115 = arith.constant 3 : i32
      %add3A_116 = arith.addi %add3A_70, %add3A_115 : i32
      %mul3A_117 = arith.constant 64 : i32
      %mul3A_118 = arith.muli %add3A_116, %mul3A_117 : i32
      %add3A_119 = arith.addi %mul3A_6, %mul3A_118 : i32
      %dma_wait3A_120 = tpu.memref_slice %arg3[%add3A_119] : memref<320000xi32, #tpu.memory_space<hbm>> -> memref<64xi32, #tpu.memory_space<hbm>>
      %dma_wait3A_121 = tpu.memref_slice %arg3[%add3A_119] : memref<320000xi32, #tpu.memory_space<hbm>> -> memref<64xi32, #tpu.memory_space<hbm>>
      tpu.wait_dma2 semaphore(%arg30 : memref<!tpu.dma_semaphore, #tpu.memory_space<semaphore_mem>>) src(%dma_wait3A_121 : memref<64xi32, #tpu.memory_space<hbm>>) dst(%arg9 : memref<64xi32, #tpu.memory_space<vmem>>)
      %mul3A_122 = arith.constant 64 : i32
      %mul3A_123 = arith.muli %add3A_116, %mul3A_122 : i32
      %add3A_124 = arith.addi %mul3A_6, %mul3A_123 : i32
      %dma_wait3A_125 = tpu.memref_slice %arg4[%add3A_124] : memref<320000xi32, #tpu.memory_space<hbm>> -> memref<64xi32, #tpu.memory_space<hbm>>
      %dma_wait3A_126 = tpu.memref_slice %arg4[%add3A_124] : memref<320000xi32, #tpu.memory_space<hbm>> -> memref<64xi32, #tpu.memory_space<hbm>>
      tpu.wait_dma2 semaphore(%arg36 : memref<!tpu.dma_semaphore, #tpu.memory_space<semaphore_mem>>) src(%dma_wait3A_126 : memref<64xi32, #tpu.memory_space<hbm>>) dst(%arg15 : memref<64xi32, #tpu.memory_space<vmem>>)
      %dma_start3A_127 = arith.constant 0 : i32
      %dma_start3A_128 = arith.constant 0 : i32
      %dma_start3A_129 = tpu.memref_slice %arg2[%dma_start3A_127, %dma_start3A_128] : memref<10000x128xf32, #tpu.memory_space<hbm>> -> memref<10000x128xf32, #tpu.memory_space<hbm>>
      tpu.enqueue_indirect_dma source(%dma_start3A_129 : memref<10000x128xf32, #tpu.memory_space<hbm>>) target(%arg21 : memref<64x128xf32, #tpu.memory_space<vmem>>) offsets(%arg9 : memref<64xi32, #tpu.memory_space<vmem>>) semaphore(%arg42 : memref<!tpu.dma_semaphore, #tpu.memory_space<semaphore_mem>>)
      %add3A_130 = arith.constant 4 : i32
      %add3A_131 = arith.addi %add3A_70, %add3A_130 : i32
      %mul3A_132 = arith.constant 64 : i32
      %mul3A_133 = arith.muli %add3A_131, %mul3A_132 : i32
      %add3A_134 = arith.addi %mul3A_6, %mul3A_133 : i32
      %dma_wait3A_135 = tpu.memref_slice %arg3[%add3A_134] : memref<320000xi32, #tpu.memory_space<hbm>> -> memref<64xi32, #tpu.memory_space<hbm>>
      %dma_wait3A_136 = tpu.memref_slice %arg3[%add3A_134] : memref<320000xi32, #tpu.memory_space<hbm>> -> memref<64xi32, #tpu.memory_space<hbm>>
      tpu.wait_dma2 semaphore(%arg31 : memref<!tpu.dma_semaphore, #tpu.memory_space<semaphore_mem>>) src(%dma_wait3A_136 : memref<64xi32, #tpu.memory_space<hbm>>) dst(%arg10 : memref<64xi32, #tpu.memory_space<vmem>>)
      %mul3A_137 = arith.constant 64 : i32
      %mul3A_138 = arith.muli %add3A_131, %mul3A_137 : i32
      %add3A_139 = arith.addi %mul3A_6, %mul3A_138 : i32
      %dma_wait3A_140 = tpu.memref_slice %arg4[%add3A_139] : memref<320000xi32, #tpu.memory_space<hbm>> -> memref<64xi32, #tpu.memory_space<hbm>>
      %dma_wait3A_141 = tpu.memref_slice %arg4[%add3A_139] : memref<320000xi32, #tpu.memory_space<hbm>> -> memref<64xi32, #tpu.memory_space<hbm>>
      tpu.wait_dma2 semaphore(%arg37 : memref<!tpu.dma_semaphore, #tpu.memory_space<semaphore_mem>>) src(%dma_wait3A_141 : memref<64xi32, #tpu.memory_space<hbm>>) dst(%arg16 : memref<64xi32, #tpu.memory_space<vmem>>)
      %dma_start3A_142 = arith.constant 0 : i32
      %dma_start3A_143 = arith.constant 0 : i32
      %dma_start3A_144 = tpu.memref_slice %arg2[%dma_start3A_142, %dma_start3A_143] : memref<10000x128xf32, #tpu.memory_space<hbm>> -> memref<10000x128xf32, #tpu.memory_space<hbm>>
      tpu.enqueue_indirect_dma source(%dma_start3A_144 : memref<10000x128xf32, #tpu.memory_space<hbm>>) target(%arg22 : memref<64x128xf32, #tpu.memory_space<vmem>>) offsets(%arg10 : memref<64xi32, #tpu.memory_space<vmem>>) semaphore(%arg43 : memref<!tpu.dma_semaphore, #tpu.memory_space<semaphore_mem>>)
      %add3A_145 = arith.constant 5 : i32
      %add3A_146 = arith.addi %add3A_70, %add3A_145 : i32
      %mul3A_147 = arith.constant 64 : i32
      %mul3A_148 = arith.muli %add3A_146, %mul3A_147 : i32
      %add3A_149 = arith.addi %mul3A_6, %mul3A_148 : i32
      %dma_wait3A_150 = tpu.memref_slice %arg3[%add3A_149] : memref<320000xi32, #tpu.memory_space<hbm>> -> memref<64xi32, #tpu.memory_space<hbm>>
      %dma_wait3A_151 = tpu.memref_slice %arg3[%add3A_149] : memref<320000xi32, #tpu.memory_space<hbm>> -> memref<64xi32, #tpu.memory_space<hbm>>
      tpu.wait_dma2 semaphore(%arg32 : memref<!tpu.dma_semaphore, #tpu.memory_space<semaphore_mem>>) src(%dma_wait3A_151 : memref<64xi32, #tpu.memory_space<hbm>>) dst(%arg11 : memref<64xi32, #tpu.memory_space<vmem>>)
      %mul3A_152 = arith.constant 64 : i32
      %mul3A_153 = arith.muli %add3A_146, %mul3A_152 : i32
      %add3A_154 = arith.addi %mul3A_6, %mul3A_153 : i32
      %dma_wait3A_155 = tpu.memref_slice %arg4[%add3A_154] : memref<320000xi32, #tpu.memory_space<hbm>> -> memref<64xi32, #tpu.memory_space<hbm>>
      %dma_wait3A_156 = tpu.memref_slice %arg4[%add3A_154] : memref<320000xi32, #tpu.memory_space<hbm>> -> memref<64xi32, #tpu.memory_space<hbm>>
      tpu.wait_dma2 semaphore(%arg38 : memref<!tpu.dma_semaphore, #tpu.memory_space<semaphore_mem>>) src(%dma_wait3A_156 : memref<64xi32, #tpu.memory_space<hbm>>) dst(%arg17 : memref<64xi32, #tpu.memory_space<vmem>>)
      %dma_start3A_157 = arith.constant 0 : i32
      %dma_start3A_158 = arith.constant 0 : i32
      %dma_start3A_159 = tpu.memref_slice %arg2[%dma_start3A_157, %dma_start3A_158] : memref<10000x128xf32, #tpu.memory_space<hbm>> -> memref<10000x128xf32, #tpu.memory_space<hbm>>
      tpu.enqueue_indirect_dma source(%dma_start3A_159 : memref<10000x128xf32, #tpu.memory_space<hbm>>) target(%arg23 : memref<64x128xf32, #tpu.memory_space<vmem>>) offsets(%arg11 : memref<64xi32, #tpu.memory_space<vmem>>) semaphore(%arg44 : memref<!tpu.dma_semaphore, #tpu.memory_space<semaphore_mem>>)
      %dma_wait3A_160 = arith.constant 0 : i32
      %dma_wait3A_161 = arith.constant 0 : i32
      %dma_wait3A_162 = tpu.memref_slice %arg2[%dma_wait3A_160, %dma_wait3A_161] : memref<10000x128xf32, #tpu.memory_space<hbm>> -> memref<10000x128xf32, #tpu.memory_space<hbm>>
      tpu.wait_indirect_dma semaphore(%arg39 : memref<!tpu.dma_semaphore, #tpu.memory_space<semaphore_mem>>) src(%dma_wait3A_162 : memref<10000x128xf32, #tpu.memory_space<hbm>>) dst(%arg18 : memref<64x128xf32, #tpu.memory_space<vmem>>)
      %dma_start3A_163 = arith.constant 0 : i32
      %dma_start3A_164 = arith.constant 0 : i32
      %dma_start3A_165 = tpu.memref_slice %arg26[%dma_start3A_163, %dma_start3A_164] : memref<10000x128xf32, #tpu.memory_space<vmem_shared>> -> memref<10000x128xf32, #tpu.memory_space<vmem_shared>>
      tpu.enqueue_indirect_dma source(%arg18 : memref<64x128xf32, #tpu.memory_space<vmem>>) target(%dma_start3A_165 : memref<10000x128xf32, #tpu.memory_space<vmem_shared>>) offsets(%arg12 : memref<64xi32, #tpu.memory_space<vmem>>) semaphore(%arg45 : memref<!tpu.dma_semaphore, #tpu.memory_space<semaphore_mem>>) {add = true}
      %dma_wait3A_166 = arith.constant 0 : i32
      %dma_wait3A_167 = arith.constant 0 : i32
      %dma_wait3A_168 = tpu.memref_slice %arg2[%dma_wait3A_166, %dma_wait3A_167] : memref<10000x128xf32, #tpu.memory_space<hbm>> -> memref<10000x128xf32, #tpu.memory_space<hbm>>
      tpu.wait_indirect_dma semaphore(%arg40 : memref<!tpu.dma_semaphore, #tpu.memory_space<semaphore_mem>>) src(%dma_wait3A_168 : memref<10000x128xf32, #tpu.memory_space<hbm>>) dst(%arg19 : memref<64x128xf32, #tpu.memory_space<vmem>>)
      %dma_start3A_169 = arith.constant 0 : i32
      %dma_start3A_170 = arith.constant 0 : i32
      %dma_start3A_171 = tpu.memref_slice %arg26[%dma_start3A_169, %dma_start3A_170] : memref<10000x128xf32, #tpu.memory_space<vmem_shared>> -> memref<10000x128xf32, #tpu.memory_space<vmem_shared>>
      tpu.enqueue_indirect_dma source(%arg19 : memref<64x128xf32, #tpu.memory_space<vmem>>) target(%dma_start3A_171 : memref<10000x128xf32, #tpu.memory_space<vmem_shared>>) offsets(%arg13 : memref<64xi32, #tpu.memory_space<vmem>>) semaphore(%arg46 : memref<!tpu.dma_semaphore, #tpu.memory_space<semaphore_mem>>) {add = true}
      %dma_wait3A_172 = arith.constant 0 : i32
      %dma_wait3A_173 = arith.constant 0 : i32
      %dma_wait3A_174 = tpu.memref_slice %arg2[%dma_wait3A_172, %dma_wait3A_173] : memref<10000x128xf32, #tpu.memory_space<hbm>> -> memref<10000x128xf32, #tpu.memory_space<hbm>>
      tpu.wait_indirect_dma semaphore(%arg41 : memref<!tpu.dma_semaphore, #tpu.memory_space<semaphore_mem>>) src(%dma_wait3A_174 : memref<10000x128xf32, #tpu.memory_space<hbm>>) dst(%arg20 : memref<64x128xf32, #tpu.memory_space<vmem>>)
      %dma_start3A_175 = arith.constant 0 : i32
      %dma_start3A_176 = arith.constant 0 : i32
      %dma_start3A_177 = tpu.memref_slice %arg26[%dma_start3A_175, %dma_start3A_176] : memref<10000x128xf32, #tpu.memory_space<vmem_shared>> -> memref<10000x128xf32, #tpu.memory_space<vmem_shared>>
      tpu.enqueue_indirect_dma source(%arg20 : memref<64x128xf32, #tpu.memory_space<vmem>>) target(%dma_start3A_177 : memref<10000x128xf32, #tpu.memory_space<vmem_shared>>) offsets(%arg14 : memref<64xi32, #tpu.memory_space<vmem>>) semaphore(%arg47 : memref<!tpu.dma_semaphore, #tpu.memory_space<semaphore_mem>>) {add = true}
      %dma_wait3A_178 = arith.constant 0 : i32
      %dma_wait3A_179 = arith.constant 0 : i32
      %dma_wait3A_180 = tpu.memref_slice %arg2[%dma_wait3A_178, %dma_wait3A_179] : memref<10000x128xf32, #tpu.memory_space<hbm>> -> memref<10000x128xf32, #tpu.memory_space<hbm>>
      tpu.wait_indirect_dma semaphore(%arg42 : memref<!tpu.dma_semaphore, #tpu.memory_space<semaphore_mem>>) src(%dma_wait3A_180 : memref<10000x128xf32, #tpu.memory_space<hbm>>) dst(%arg21 : memref<64x128xf32, #tpu.memory_space<vmem>>)
      %dma_start3A_181 = arith.constant 0 : i32
      %dma_start3A_182 = arith.constant 0 : i32
      %dma_start3A_183 = tpu.memref_slice %arg26[%dma_start3A_181, %dma_start3A_182] : memref<10000x128xf32, #tpu.memory_space<vmem_shared>> -> memref<10000x128xf32, #tpu.memory_space<vmem_shared>>
      tpu.enqueue_indirect_dma source(%arg21 : memref<64x128xf32, #tpu.memory_space<vmem>>) target(%dma_start3A_183 : memref<10000x128xf32, #tpu.memory_space<vmem_shared>>) offsets(%arg15 : memref<64xi32, #tpu.memory_space<vmem>>) semaphore(%arg48 : memref<!tpu.dma_semaphore, #tpu.memory_space<semaphore_mem>>) {add = true}
      %dma_wait3A_184 = arith.constant 0 : i32
      %dma_wait3A_185 = arith.constant 0 : i32
      %dma_wait3A_186 = tpu.memref_slice %arg2[%dma_wait3A_184, %dma_wait3A_185] : memref<10000x128xf32, #tpu.memory_space<hbm>> -> memref<10000x128xf32, #tpu.memory_space<hbm>>
      tpu.wait_indirect_dma semaphore(%arg43 : memref<!tpu.dma_semaphore, #tpu.memory_space<semaphore_mem>>) src(%dma_wait3A_186 : memref<10000x128xf32, #tpu.memory_space<hbm>>) dst(%arg22 : memref<64x128xf32, #tpu.memory_space<vmem>>)
      %dma_start3A_187 = arith.constant 0 : i32
      %dma_start3A_188 = arith.constant 0 : i32
      %dma_start3A_189 = tpu.memref_slice %arg26[%dma_start3A_187, %dma_start3A_188] : memref<10000x128xf32, #tpu.memory_space<vmem_shared>> -> memref<10000x128xf32, #tpu.memory_space<vmem_shared>>
      tpu.enqueue_indirect_dma source(%arg22 : memref<64x128xf32, #tpu.memory_space<vmem>>) target(%dma_start3A_189 : memref<10000x128xf32, #tpu.memory_space<vmem_shared>>) offsets(%arg16 : memref<64xi32, #tpu.memory_space<vmem>>) semaphore(%arg49 : memref<!tpu.dma_semaphore, #tpu.memory_space<semaphore_mem>>) {add = true}
      %dma_wait3A_190 = arith.constant 0 : i32
      %dma_wait3A_191 = arith.constant 0 : i32
      %dma_wait3A_192 = tpu.memref_slice %arg2[%dma_wait3A_190, %dma_wait3A_191] : memref<10000x128xf32, #tpu.memory_space<hbm>> -> memref<10000x128xf32, #tpu.memory_space<hbm>>
      tpu.wait_indirect_dma semaphore(%arg44 : memref<!tpu.dma_semaphore, #tpu.memory_space<semaphore_mem>>) src(%dma_wait3A_192 : memref<10000x128xf32, #tpu.memory_space<hbm>>) dst(%arg23 : memref<64x128xf32, #tpu.memory_space<vmem>>)
      %dma_start3A_193 = arith.constant 0 : i32
      %dma_start3A_194 = arith.constant 0 : i32
      %dma_start3A_195 = tpu.memref_slice %arg26[%dma_start3A_193, %dma_start3A_194] : memref<10000x128xf32, #tpu.memory_space<vmem_shared>> -> memref<10000x128xf32, #tpu.memory_space<vmem_shared>>
      tpu.enqueue_indirect_dma source(%arg23 : memref<64x128xf32, #tpu.memory_space<vmem>>) target(%dma_start3A_195 : memref<10000x128xf32, #tpu.memory_space<vmem_shared>>) offsets(%arg17 : memref<64xi32, #tpu.memory_space<vmem>>) semaphore(%arg50 : memref<!tpu.dma_semaphore, #tpu.memory_space<semaphore_mem>>) {add = true}
      %dma_wait3A_196 = arith.constant 0 : i32
      %dma_wait3A_197 = arith.constant 0 : i32
      %dma_wait3A_198 = tpu.memref_slice %arg26[%dma_wait3A_196, %dma_wait3A_197] : memref<10000x128xf32, #tpu.memory_space<vmem_shared>> -> memref<10000x128xf32, #tpu.memory_space<vmem_shared>>
      tpu.wait_indirect_dma semaphore(%arg45 : memref<!tpu.dma_semaphore, #tpu.memory_space<semaphore_mem>>) src(%arg18 : memref<64x128xf32, #tpu.memory_space<vmem>>) dst(%dma_wait3A_198 : memref<10000x128xf32, #tpu.memory_space<vmem_shared>>)
      %add3A_199 = arith.constant 0 : i32
      %add3A_200 = arith.addi %add3A_70, %add3A_199 : i32
      %add3A_201 = arith.constant 6 : i32
      %add3A_202 = arith.addi %add3A_200, %add3A_201 : i32
      %lt3A = arith.constant 156 : i32
      %lt3A_203 = arith.cmpi slt, %add3A_202, %lt3A : i32
      %add3A_204 = arith.constant 0 : i32
      %add3A_205 = arith.addi %add3A_70, %add3A_204 : i32
      %add3A_206 = arith.constant 6 : i32
      %add3A_207 = arith.addi %add3A_205, %add3A_206 : i32
      %convert_element_type3A_208 = arith.extui %lt3A_203 : i1 to i32
      %cond3A_209 = arith.constant 0 : i32
      %cond3A_210 = arith.cmpi ne, %convert_element_type3A_208, %cond3A_209 : i32
      scf.if %cond3A_210 {
        %mul3A_291 = arith.constant 64 : i32
        %mul3A_292 = arith.muli %add3A_207, %mul3A_291 : i32
        %add3A_293 = arith.addi %mul3A_6, %mul3A_292 : i32
        %dma_start3A_294 = tpu.memref_slice %arg3[%add3A_293] : memref<320000xi32, #tpu.memory_space<hbm>> -> memref<64xi32, #tpu.memory_space<hbm>>
        %dma_start3A_295 = tpu.memref_slice %arg3[%add3A_293] : memref<320000xi32, #tpu.memory_space<hbm>> -> memref<64xi32, #tpu.memory_space<hbm>>
        tpu.enqueue_dma source(%dma_start3A_295 : memref<64xi32, #tpu.memory_space<hbm>>) target(%arg6 : memref<64xi32, #tpu.memory_space<vmem>>) target_semaphore(%arg27 : memref<!tpu.dma_semaphore, #tpu.memory_space<semaphore_mem>>)
        %mul3A_296 = arith.constant 64 : i32
        %mul3A_297 = arith.muli %add3A_207, %mul3A_296 : i32
        %add3A_298 = arith.addi %mul3A_6, %mul3A_297 : i32
        %dma_start3A_299 = tpu.memref_slice %arg4[%add3A_298] : memref<320000xi32, #tpu.memory_space<hbm>> -> memref<64xi32, #tpu.memory_space<hbm>>
        %dma_start3A_300 = tpu.memref_slice %arg4[%add3A_298] : memref<320000xi32, #tpu.memory_space<hbm>> -> memref<64xi32, #tpu.memory_space<hbm>>
        tpu.enqueue_dma source(%dma_start3A_300 : memref<64xi32, #tpu.memory_space<hbm>>) target(%arg12 : memref<64xi32, #tpu.memory_space<vmem>>) target_semaphore(%arg33 : memref<!tpu.dma_semaphore, #tpu.memory_space<semaphore_mem>>)
      } else {
      }
      %dma_wait3A_211 = arith.constant 0 : i32
      %dma_wait3A_212 = arith.constant 0 : i32
      %dma_wait3A_213 = tpu.memref_slice %arg26[%dma_wait3A_211, %dma_wait3A_212] : memref<10000x128xf32, #tpu.memory_space<vmem_shared>> -> memref<10000x128xf32, #tpu.memory_space<vmem_shared>>
      tpu.wait_indirect_dma semaphore(%arg46 : memref<!tpu.dma_semaphore, #tpu.memory_space<semaphore_mem>>) src(%arg19 : memref<64x128xf32, #tpu.memory_space<vmem>>) dst(%dma_wait3A_213 : memref<10000x128xf32, #tpu.memory_space<vmem_shared>>)
      %add3A_214 = arith.constant 1 : i32
      %add3A_215 = arith.addi %add3A_70, %add3A_214 : i32
      %add3A_216 = arith.constant 6 : i32
      %add3A_217 = arith.addi %add3A_215, %add3A_216 : i32
      %lt3A_218 = arith.constant 156 : i32
      %lt3A_219 = arith.cmpi slt, %add3A_217, %lt3A_218 : i32
      %add3A_220 = arith.constant 1 : i32
      %add3A_221 = arith.addi %add3A_70, %add3A_220 : i32
      %add3A_222 = arith.constant 6 : i32
      %add3A_223 = arith.addi %add3A_221, %add3A_222 : i32
      %convert_element_type3A_224 = arith.extui %lt3A_219 : i1 to i32
      %cond3A_225 = arith.constant 0 : i32
      %cond3A_226 = arith.cmpi ne, %convert_element_type3A_224, %cond3A_225 : i32
      scf.if %cond3A_226 {
        %mul3A_291 = arith.constant 64 : i32
        %mul3A_292 = arith.muli %add3A_223, %mul3A_291 : i32
        %add3A_293 = arith.addi %mul3A_6, %mul3A_292 : i32
        %dma_start3A_294 = tpu.memref_slice %arg3[%add3A_293] : memref<320000xi32, #tpu.memory_space<hbm>> -> memref<64xi32, #tpu.memory_space<hbm>>
        %dma_start3A_295 = tpu.memref_slice %arg3[%add3A_293] : memref<320000xi32, #tpu.memory_space<hbm>> -> memref<64xi32, #tpu.memory_space<hbm>>
        tpu.enqueue_dma source(%dma_start3A_295 : memref<64xi32, #tpu.memory_space<hbm>>) target(%arg7 : memref<64xi32, #tpu.memory_space<vmem>>) target_semaphore(%arg28 : memref<!tpu.dma_semaphore, #tpu.memory_space<semaphore_mem>>)
        %mul3A_296 = arith.constant 64 : i32
        %mul3A_297 = arith.muli %add3A_223, %mul3A_296 : i32
        %add3A_298 = arith.addi %mul3A_6, %mul3A_297 : i32
        %dma_start3A_299 = tpu.memref_slice %arg4[%add3A_298] : memref<320000xi32, #tpu.memory_space<hbm>> -> memref<64xi32, #tpu.memory_space<hbm>>
        %dma_start3A_300 = tpu.memref_slice %arg4[%add3A_298] : memref<320000xi32, #tpu.memory_space<hbm>> -> memref<64xi32, #tpu.memory_space<hbm>>
        tpu.enqueue_dma source(%dma_start3A_300 : memref<64xi32, #tpu.memory_space<hbm>>) target(%arg13 : memref<64xi32, #tpu.memory_space<vmem>>) target_semaphore(%arg34 : memref<!tpu.dma_semaphore, #tpu.memory_space<semaphore_mem>>)
      } else {
      }
      %dma_wait3A_227 = arith.constant 0 : i32
      %dma_wait3A_228 = arith.constant 0 : i32
      %dma_wait3A_229 = tpu.memref_slice %arg26[%dma_wait3A_227, %dma_wait3A_228] : memref<10000x128xf32, #tpu.memory_space<vmem_shared>> -> memref<10000x128xf32, #tpu.memory_space<vmem_shared>>
      tpu.wait_indirect_dma semaphore(%arg47 : memref<!tpu.dma_semaphore, #tpu.memory_space<semaphore_mem>>) src(%arg20 : memref<64x128xf32, #tpu.memory_space<vmem>>) dst(%dma_wait3A_229 : memref<10000x128xf32, #tpu.memory_space<vmem_shared>>)
      %add3A_230 = arith.constant 2 : i32
      %add3A_231 = arith.addi %add3A_70, %add3A_230 : i32
      %add3A_232 = arith.constant 6 : i32
      %add3A_233 = arith.addi %add3A_231, %add3A_232 : i32
      %lt3A_234 = arith.constant 156 : i32
      %lt3A_235 = arith.cmpi slt, %add3A_233, %lt3A_234 : i32
      %add3A_236 = arith.constant 2 : i32
      %add3A_237 = arith.addi %add3A_70, %add3A_236 : i32
      %add3A_238 = arith.constant 6 : i32
      %add3A_239 = arith.addi %add3A_237, %add3A_238 : i32
      %convert_element_type3A_240 = arith.extui %lt3A_235 : i1 to i32
      %cond3A_241 = arith.constant 0 : i32
      %cond3A_242 = arith.cmpi ne, %convert_element_type3A_240, %cond3A_241 : i32
      scf.if %cond3A_242 {
        %mul3A_291 = arith.constant 64 : i32
        %mul3A_292 = arith.muli %add3A_239, %mul3A_291 : i32
        %add3A_293 = arith.addi %mul3A_6, %mul3A_292 : i32
        %dma_start3A_294 = tpu.memref_slice %arg3[%add3A_293] : memref<320000xi32, #tpu.memory_space<hbm>> -> memref<64xi32, #tpu.memory_space<hbm>>
        %dma_start3A_295 = tpu.memref_slice %arg3[%add3A_293] : memref<320000xi32, #tpu.memory_space<hbm>> -> memref<64xi32, #tpu.memory_space<hbm>>
        tpu.enqueue_dma source(%dma_start3A_295 : memref<64xi32, #tpu.memory_space<hbm>>) target(%arg8 : memref<64xi32, #tpu.memory_space<vmem>>) target_semaphore(%arg29 : memref<!tpu.dma_semaphore, #tpu.memory_space<semaphore_mem>>)
        %mul3A_296 = arith.constant 64 : i32
        %mul3A_297 = arith.muli %add3A_239, %mul3A_296 : i32
        %add3A_298 = arith.addi %mul3A_6, %mul3A_297 : i32
        %dma_start3A_299 = tpu.memref_slice %arg4[%add3A_298] : memref<320000xi32, #tpu.memory_space<hbm>> -> memref<64xi32, #tpu.memory_space<hbm>>
        %dma_start3A_300 = tpu.memref_slice %arg4[%add3A_298] : memref<320000xi32, #tpu.memory_space<hbm>> -> memref<64xi32, #tpu.memory_space<hbm>>
        tpu.enqueue_dma source(%dma_start3A_300 : memref<64xi32, #tpu.memory_space<hbm>>) target(%arg14 : memref<64xi32, #tpu.memory_space<vmem>>) target_semaphore(%arg35 : memref<!tpu.dma_semaphore, #tpu.memory_space<semaphore_mem>>)
      } else {
      }
      %dma_wait3A_243 = arith.constant 0 : i32
      %dma_wait3A_244 = arith.constant 0 : i32
      %dma_wait3A_245 = tpu.memref_slice %arg26[%dma_wait3A_243, %dma_wait3A_244] : memref<10000x128xf32, #tpu.memory_space<vmem_shared>> -> memref<10000x128xf32, #tpu.memory_space<vmem_shared>>
      tpu.wait_indirect_dma semaphore(%arg48 : memref<!tpu.dma_semaphore, #tpu.memory_space<semaphore_mem>>) src(%arg21 : memref<64x128xf32, #tpu.memory_space<vmem>>) dst(%dma_wait3A_245 : memref<10000x128xf32, #tpu.memory_space<vmem_shared>>)
      %add3A_246 = arith.constant 3 : i32
      %add3A_247 = arith.addi %add3A_70, %add3A_246 : i32
      %add3A_248 = arith.constant 6 : i32
      %add3A_249 = arith.addi %add3A_247, %add3A_248 : i32
      %lt3A_250 = arith.constant 156 : i32
      %lt3A_251 = arith.cmpi slt, %add3A_249, %lt3A_250 : i32
      %add3A_252 = arith.constant 3 : i32
      %add3A_253 = arith.addi %add3A_70, %add3A_252 : i32
      %add3A_254 = arith.constant 6 : i32
      %add3A_255 = arith.addi %add3A_253, %add3A_254 : i32
      %convert_element_type3A_256 = arith.extui %lt3A_251 : i1 to i32
      %cond3A_257 = arith.constant 0 : i32
      %cond3A_258 = arith.cmpi ne, %convert_element_type3A_256, %cond3A_257 : i32
      scf.if %cond3A_258 {
        %mul3A_291 = arith.constant 64 : i32
        %mul3A_292 = arith.muli %add3A_255, %mul3A_291 : i32
        %add3A_293 = arith.addi %mul3A_6, %mul3A_292 : i32
        %dma_start3A_294 = tpu.memref_slice %arg3[%add3A_293] : memref<320000xi32, #tpu.memory_space<hbm>> -> memref<64xi32, #tpu.memory_space<hbm>>
        %dma_start3A_295 = tpu.memref_slice %arg3[%add3A_293] : memref<320000xi32, #tpu.memory_space<hbm>> -> memref<64xi32, #tpu.memory_space<hbm>>
        tpu.enqueue_dma source(%dma_start3A_295 : memref<64xi32, #tpu.memory_space<hbm>>) target(%arg9 : memref<64xi32, #tpu.memory_space<vmem>>) target_semaphore(%arg30 : memref<!tpu.dma_semaphore, #tpu.memory_space<semaphore_mem>>)
        %mul3A_296 = arith.constant 64 : i32
        %mul3A_297 = arith.muli %add3A_255, %mul3A_296 : i32
        %add3A_298 = arith.addi %mul3A_6, %mul3A_297 : i32
        %dma_start3A_299 = tpu.memref_slice %arg4[%add3A_298] : memref<320000xi32, #tpu.memory_space<hbm>> -> memref<64xi32, #tpu.memory_space<hbm>>
        %dma_start3A_300 = tpu.memref_slice %arg4[%add3A_298] : memref<320000xi32, #tpu.memory_space<hbm>> -> memref<64xi32, #tpu.memory_space<hbm>>
        tpu.enqueue_dma source(%dma_start3A_300 : memref<64xi32, #tpu.memory_space<hbm>>) target(%arg15 : memref<64xi32, #tpu.memory_space<vmem>>) target_semaphore(%arg36 : memref<!tpu.dma_semaphore, #tpu.memory_space<semaphore_mem>>)
      } else {
      }
      %dma_wait3A_259 = arith.constant 0 : i32
      %dma_wait3A_260 = arith.constant 0 : i32
      %dma_wait3A_261 = tpu.memref_slice %arg26[%dma_wait3A_259, %dma_wait3A_260] : memref<10000x128xf32, #tpu.memory_space<vmem_shared>> -> memref<10000x128xf32, #tpu.memory_space<vmem_shared>>
      tpu.wait_indirect_dma semaphore(%arg49 : memref<!tpu.dma_semaphore, #tpu.memory_space<semaphore_mem>>) src(%arg22 : memref<64x128xf32, #tpu.memory_space<vmem>>) dst(%dma_wait3A_261 : memref<10000x128xf32, #tpu.memory_space<vmem_shared>>)
      %add3A_262 = arith.constant 4 : i32
      %add3A_263 = arith.addi %add3A_70, %add3A_262 : i32
      %add3A_264 = arith.constant 6 : i32
      %add3A_265 = arith.addi %add3A_263, %add3A_264 : i32
      %lt3A_266 = arith.constant 156 : i32
      %lt3A_267 = arith.cmpi slt, %add3A_265, %lt3A_266 : i32
      %add3A_268 = arith.constant 4 : i32
      %add3A_269 = arith.addi %add3A_70, %add3A_268 : i32
      %add3A_270 = arith.constant 6 : i32
      %add3A_271 = arith.addi %add3A_269, %add3A_270 : i32
      %convert_element_type3A_272 = arith.extui %lt3A_267 : i1 to i32
      %cond3A_273 = arith.constant 0 : i32
      %cond3A_274 = arith.cmpi ne, %convert_element_type3A_272, %cond3A_273 : i32
      scf.if %cond3A_274 {
        %mul3A_291 = arith.constant 64 : i32
        %mul3A_292 = arith.muli %add3A_271, %mul3A_291 : i32
        %add3A_293 = arith.addi %mul3A_6, %mul3A_292 : i32
        %dma_start3A_294 = tpu.memref_slice %arg3[%add3A_293] : memref<320000xi32, #tpu.memory_space<hbm>> -> memref<64xi32, #tpu.memory_space<hbm>>
        %dma_start3A_295 = tpu.memref_slice %arg3[%add3A_293] : memref<320000xi32, #tpu.memory_space<hbm>> -> memref<64xi32, #tpu.memory_space<hbm>>
        tpu.enqueue_dma source(%dma_start3A_295 : memref<64xi32, #tpu.memory_space<hbm>>) target(%arg10 : memref<64xi32, #tpu.memory_space<vmem>>) target_semaphore(%arg31 : memref<!tpu.dma_semaphore, #tpu.memory_space<semaphore_mem>>)
        %mul3A_296 = arith.constant 64 : i32
        %mul3A_297 = arith.muli %add3A_271, %mul3A_296 : i32
        %add3A_298 = arith.addi %mul3A_6, %mul3A_297 : i32
        %dma_start3A_299 = tpu.memref_slice %arg4[%add3A_298] : memref<320000xi32, #tpu.memory_space<hbm>> -> memref<64xi32, #tpu.memory_space<hbm>>
        %dma_start3A_300 = tpu.memref_slice %arg4[%add3A_298] : memref<320000xi32, #tpu.memory_space<hbm>> -> memref<64xi32, #tpu.memory_space<hbm>>
        tpu.enqueue_dma source(%dma_start3A_300 : memref<64xi32, #tpu.memory_space<hbm>>) target(%arg16 : memref<64xi32, #tpu.memory_space<vmem>>) target_semaphore(%arg37 : memref<!tpu.dma_semaphore, #tpu.memory_space<semaphore_mem>>)
      } else {
      }
      %dma_wait3A_275 = arith.constant 0 : i32
      %dma_wait3A_276 = arith.constant 0 : i32
      %dma_wait3A_277 = tpu.memref_slice %arg26[%dma_wait3A_275, %dma_wait3A_276] : memref<10000x128xf32, #tpu.memory_space<vmem_shared>> -> memref<10000x128xf32, #tpu.memory_space<vmem_shared>>
      tpu.wait_indirect_dma semaphore(%arg50 : memref<!tpu.dma_semaphore, #tpu.memory_space<semaphore_mem>>) src(%arg23 : memref<64x128xf32, #tpu.memory_space<vmem>>) dst(%dma_wait3A_277 : memref<10000x128xf32, #tpu.memory_space<vmem_shared>>)
      %add3A_278 = arith.constant 5 : i32
      %add3A_279 = arith.addi %add3A_70, %add3A_278 : i32
      %add3A_280 = arith.constant 6 : i32
      %add3A_281 = arith.addi %add3A_279, %add3A_280 : i32
      %lt3A_282 = arith.constant 156 : i32
      %lt3A_283 = arith.cmpi slt, %add3A_281, %lt3A_282 : i32
      %add3A_284 = arith.constant 5 : i32
      %add3A_285 = arith.addi %add3A_70, %add3A_284 : i32
      %add3A_286 = arith.constant 6 : i32
      %add3A_287 = arith.addi %add3A_285, %add3A_286 : i32
      %convert_element_type3A_288 = arith.extui %lt3A_283 : i1 to i32
      %cond3A_289 = arith.constant 0 : i32
      %cond3A_290 = arith.cmpi ne, %convert_element_type3A_288, %cond3A_289 : i32
      scf.if %cond3A_290 {
        %mul3A_291 = arith.constant 64 : i32
        %mul3A_292 = arith.muli %add3A_287, %mul3A_291 : i32
        %add3A_293 = arith.addi %mul3A_6, %mul3A_292 : i32
        %dma_start3A_294 = tpu.memref_slice %arg3[%add3A_293] : memref<320000xi32, #tpu.memory_space<hbm>> -> memref<64xi32, #tpu.memory_space<hbm>>
        %dma_start3A_295 = tpu.memref_slice %arg3[%add3A_293] : memref<320000xi32, #tpu.memory_space<hbm>> -> memref<64xi32, #tpu.memory_space<hbm>>
        tpu.enqueue_dma source(%dma_start3A_295 : memref<64xi32, #tpu.memory_space<hbm>>) target(%arg11 : memref<64xi32, #tpu.memory_space<vmem>>) target_semaphore(%arg32 : memref<!tpu.dma_semaphore, #tpu.memory_space<semaphore_mem>>)
        %mul3A_296 = arith.constant 64 : i32
        %mul3A_297 = arith.muli %add3A_287, %mul3A_296 : i32
        %add3A_298 = arith.addi %mul3A_6, %mul3A_297 : i32
        %dma_start3A_299 = tpu.memref_slice %arg4[%add3A_298] : memref<320000xi32, #tpu.memory_space<hbm>> -> memref<64xi32, #tpu.memory_space<hbm>>
        %dma_start3A_300 = tpu.memref_slice %arg4[%add3A_298] : memref<320000xi32, #tpu.memory_space<hbm>> -> memref<64xi32, #tpu.memory_space<hbm>>
        tpu.enqueue_dma source(%dma_start3A_300 : memref<64xi32, #tpu.memory_space<hbm>>) target(%arg17 : memref<64xi32, #tpu.memory_space<vmem>>) target_semaphore(%arg38 : memref<!tpu.dma_semaphore, #tpu.memory_space<semaphore_mem>>)
      } else {
      }
    }
    %scan3A_57 = arith.constant 26 : i32
    %add3A_58 = arith.constant 9984 : i32
    %add3A_59 = arith.addi %mul3A_6, %add3A_58 : i32
    "tpu.region"() ({
      %run_scoped3A = tpu.sem_alloc : memref<!tpu.dma_semaphore, #tpu.memory_space<semaphore_mem>>
      %dma_start3A_66 = tpu.memref_slice %arg3[%add3A_59] : memref<320000xi32, #tpu.memory_space<hbm>> -> memref<16xi32, #tpu.memory_space<hbm>>
      %dma_start3A_67 = tpu.memref_slice %arg3[%add3A_59] : memref<320000xi32, #tpu.memory_space<hbm>> -> memref<16xi32, #tpu.memory_space<hbm>>
      tpu.enqueue_dma source(%dma_start3A_67 : memref<16xi32, #tpu.memory_space<hbm>>) target(%arg24 : memref<16xi32, #tpu.memory_space<vmem>>) target_semaphore(%run_scoped3A : memref<!tpu.dma_semaphore, #tpu.memory_space<semaphore_mem>>)
      %dma_wait3A = tpu.memref_slice %arg3[%add3A_59] : memref<320000xi32, #tpu.memory_space<hbm>> -> memref<16xi32, #tpu.memory_space<hbm>>
      %dma_wait3A_68 = tpu.memref_slice %arg3[%add3A_59] : memref<320000xi32, #tpu.memory_space<hbm>> -> memref<16xi32, #tpu.memory_space<hbm>>
      tpu.wait_dma2 semaphore(%run_scoped3A : memref<!tpu.dma_semaphore, #tpu.memory_space<semaphore_mem>>) src(%dma_wait3A_68 : memref<16xi32, #tpu.memory_space<hbm>>) dst(%arg24 : memref<16xi32, #tpu.memory_space<vmem>>)
      tpu.yield
    }) : () -> ()
    "tpu.region"() ({
      %run_scoped3A = tpu.sem_alloc : memref<!tpu.dma_semaphore, #tpu.memory_space<semaphore_mem>>
      %dma_start3A_66 = tpu.memref_slice %arg4[%add3A_59] : memref<320000xi32, #tpu.memory_space<hbm>> -> memref<16xi32, #tpu.memory_space<hbm>>
      %dma_start3A_67 = tpu.memref_slice %arg4[%add3A_59] : memref<320000xi32, #tpu.memory_space<hbm>> -> memref<16xi32, #tpu.memory_space<hbm>>
      tpu.enqueue_dma source(%dma_start3A_67 : memref<16xi32, #tpu.memory_space<hbm>>) target(%arg25 : memref<16xi32, #tpu.memory_space<vmem>>) target_semaphore(%run_scoped3A : memref<!tpu.dma_semaphore, #tpu.memory_space<semaphore_mem>>)
      %dma_wait3A = tpu.memref_slice %arg4[%add3A_59] : memref<320000xi32, #tpu.memory_space<hbm>> -> memref<16xi32, #tpu.memory_space<hbm>>
      %dma_wait3A_68 = tpu.memref_slice %arg4[%add3A_59] : memref<320000xi32, #tpu.memory_space<hbm>> -> memref<16xi32, #tpu.memory_space<hbm>>
      tpu.wait_dma2 semaphore(%run_scoped3A : memref<!tpu.dma_semaphore, #tpu.memory_space<semaphore_mem>>) src(%dma_wait3A_68 : memref<16xi32, #tpu.memory_space<hbm>>) dst(%arg25 : memref<16xi32, #tpu.memory_space<vmem>>)
      tpu.yield
    }) : () -> ()
    "tpu.region"() ({
      %run_scoped3A = tpu.sem_alloc : memref<!tpu.dma_semaphore, #tpu.memory_space<semaphore_mem>>
      %dma_start3A_66 = arith.constant 0 : i32
      %dma_start3A_67 = arith.constant 0 : i32
      %dma_start3A_68 = tpu.memref_slice %arg18[%dma_start3A_66, %dma_start3A_67] : memref<64x128xf32, #tpu.memory_space<vmem>> -> memref<16x128xf32, #tpu.memory_space<vmem>>
      %dma_start3A_69 = arith.constant 0 : i32
      %dma_start3A_70 = arith.constant 0 : i32
      %dma_start3A_71 = tpu.memref_slice %arg2[%dma_start3A_69, %dma_start3A_70] : memref<10000x128xf32, #tpu.memory_space<hbm>> -> memref<10000x128xf32, #tpu.memory_space<hbm>>
      tpu.enqueue_indirect_dma source(%dma_start3A_71 : memref<10000x128xf32, #tpu.memory_space<hbm>>) target(%dma_start3A_68 : memref<16x128xf32, #tpu.memory_space<vmem>>) offsets(%arg24 : memref<16xi32, #tpu.memory_space<vmem>>) semaphore(%run_scoped3A : memref<!tpu.dma_semaphore, #tpu.memory_space<semaphore_mem>>)
      %dma_wait3A = arith.constant 0 : i32
      %dma_wait3A_72 = arith.constant 0 : i32
      %dma_wait3A_73 = tpu.memref_slice %arg18[%dma_wait3A, %dma_wait3A_72] : memref<64x128xf32, #tpu.memory_space<vmem>> -> memref<16x128xf32, #tpu.memory_space<vmem>>
      %dma_wait3A_74 = arith.constant 0 : i32
      %dma_wait3A_75 = arith.constant 0 : i32
      %dma_wait3A_76 = tpu.memref_slice %arg2[%dma_wait3A_74, %dma_wait3A_75] : memref<10000x128xf32, #tpu.memory_space<hbm>> -> memref<10000x128xf32, #tpu.memory_space<hbm>>
      tpu.wait_indirect_dma semaphore(%run_scoped3A : memref<!tpu.dma_semaphore, #tpu.memory_space<semaphore_mem>>) src(%dma_wait3A_76 : memref<10000x128xf32, #tpu.memory_space<hbm>>) dst(%dma_wait3A_73 : memref<16x128xf32, #tpu.memory_space<vmem>>)
      tpu.yield
    }) : () -> ()
    "tpu.region"() ({
      %run_scoped3A = tpu.sem_alloc : memref<!tpu.dma_semaphore, #tpu.memory_space<semaphore_mem>>
      %dma_start3A_66 = arith.constant 0 : i32
      %dma_start3A_67 = arith.constant 0 : i32
      %dma_start3A_68 = tpu.memref_slice %arg18[%dma_start3A_66, %dma_start3A_67] : memref<64x128xf32, #tpu.memory_space<vmem>> -> memref<16x128xf32, #tpu.memory_space<vmem>>
      %dma_start3A_69 = arith.constant 0 : i32
      %dma_start3A_70 = arith.constant 0 : i32
      %dma_start3A_71 = tpu.memref_slice %arg26[%dma_start3A_69, %dma_start3A_70] : memref<10000x128xf32, #tpu.memory_space<vmem_shared>> -> memref<10000x128xf32, #tpu.memory_space<vmem_shared>>
      tpu.enqueue_indirect_dma source(%dma_start3A_68 : memref<16x128xf32, #tpu.memory_space<vmem>>) target(%dma_start3A_71 : memref<10000x128xf32, #tpu.memory_space<vmem_shared>>) offsets(%arg25 : memref<16xi32, #tpu.memory_space<vmem>>) semaphore(%run_scoped3A : memref<!tpu.dma_semaphore, #tpu.memory_space<semaphore_mem>>) {add = true}
      %dma_wait3A = arith.constant 0 : i32
      %dma_wait3A_72 = arith.constant 0 : i32
      %dma_wait3A_73 = tpu.memref_slice %arg18[%dma_wait3A, %dma_wait3A_72] : memref<64x128xf32, #tpu.memory_space<vmem>> -> memref<16x128xf32, #tpu.memory_space<vmem>>
      %dma_wait3A_74 = arith.constant 0 : i32
      %dma_wait3A_75 = arith.constant 0 : i32
      %dma_wait3A_76 = tpu.memref_slice %arg26[%dma_wait3A_74, %dma_wait3A_75] : memref<10000x128xf32, #tpu.memory_space<vmem_shared>> -> memref<10000x128xf32, #tpu.memory_space<vmem_shared>>
      tpu.wait_indirect_dma semaphore(%run_scoped3A : memref<!tpu.dma_semaphore, #tpu.memory_space<semaphore_mem>>) src(%dma_wait3A_73 : memref<16x128xf32, #tpu.memory_space<vmem>>) dst(%dma_wait3A_76 : memref<10000x128xf32, #tpu.memory_space<vmem_shared>>)
      tpu.yield
    }) : () -> ()
    %barrier3A_60 = arith.constant 0 : index
    tpu.barrier barrier_id(%barrier3A_60)
    "tpu.region"() ({
      %run_scoped3A = tpu.sem_alloc : memref<!tpu.dma_semaphore, #tpu.memory_space<semaphore_mem>>
      %dma_start3A_66 = arith.constant 0 : i32
      %dma_start3A_67 = tpu.memref_slice %arg5[%arg0, %mul3A_0, %dma_start3A_66] : memref<2x10000x128xf32, #tpu.memory_space<hbm>> -> memref<1x624x128xf32, #tpu.memory_space<hbm>>
      %dma_start3A_68 = tpu.memref_squeeze %dma_start3A_67 : memref<1x624x128xf32, #tpu.memory_space<hbm>> -> memref<624x128xf32, #tpu.memory_space<hbm>>
      %dma_start3A_69 = arith.constant 0 : i32
      %dma_start3A_70 = tpu.memref_slice %arg26[%mul3A_0, %dma_start3A_69] : memref<10000x128xf32, #tpu.memory_space<vmem_shared>> -> memref<624x128xf32, #tpu.memory_space<vmem_shared>>
      tpu.enqueue_dma source(%dma_start3A_70 : memref<624x128xf32, #tpu.memory_space<vmem_shared>>) target(%dma_start3A_68 : memref<624x128xf32, #tpu.memory_space<hbm>>) target_semaphore(%run_scoped3A : memref<!tpu.dma_semaphore, #tpu.memory_space<semaphore_mem>>)
      %dma_wait3A = arith.constant 0 : i32
      %dma_wait3A_71 = tpu.memref_slice %arg5[%arg0, %mul3A_0, %dma_wait3A] : memref<2x10000x128xf32, #tpu.memory_space<hbm>> -> memref<1x624x128xf32, #tpu.memory_space<hbm>>
      %dma_wait3A_72 = tpu.memref_squeeze %dma_wait3A_71 : memref<1x624x128xf32, #tpu.memory_space<hbm>> -> memref<624x128xf32, #tpu.memory_space<hbm>>
      %dma_wait3A_73 = arith.constant 0 : i32
      %dma_wait3A_74 = tpu.memref_slice %arg26[%mul3A_0, %dma_wait3A_73] : memref<10000x128xf32, #tpu.memory_space<vmem_shared>> -> memref<624x128xf32, #tpu.memory_space<vmem_shared>>
      tpu.wait_dma2 semaphore(%run_scoped3A : memref<!tpu.dma_semaphore, #tpu.memory_space<semaphore_mem>>) src(%dma_wait3A_74 : memref<624x128xf32, #tpu.memory_space<vmem_shared>>) dst(%dma_wait3A_72 : memref<624x128xf32, #tpu.memory_space<hbm>>)
      tpu.yield
    }) : () -> ()
    %eq3A_61 = arith.constant 0 : i32
    %eq3A_62 = arith.cmpi eq, %arg1, %eq3A_61 : i32
    %convert_element_type3A_63 = arith.extui %eq3A_62 : i1 to i32
    %cond3A_64 = arith.constant 0 : i32
    %cond3A_65 = arith.cmpi ne, %convert_element_type3A_63, %cond3A_64 : i32
    scf.if %cond3A_65 {
      "tpu.region"() ({
        %run_scoped3A = tpu.sem_alloc : memref<!tpu.dma_semaphore, #tpu.memory_space<semaphore_mem>>
        %dma_start3A_66 = arith.constant 9984 : i32
        %dma_start3A_67 = arith.constant 0 : i32
        %dma_start3A_68 = tpu.memref_slice %arg5[%arg0, %dma_start3A_66, %dma_start3A_67] : memref<2x10000x128xf32, #tpu.memory_space<hbm>> -> memref<1x16x128xf32, #tpu.memory_space<hbm>>
        %dma_start3A_69 = tpu.memref_squeeze %dma_start3A_68 : memref<1x16x128xf32, #tpu.memory_space<hbm>> -> memref<16x128xf32, #tpu.memory_space<hbm>>
        %dma_start3A_70 = arith.constant 9984 : i32
        %dma_start3A_71 = arith.constant 0 : i32
        %dma_start3A_72 = tpu.memref_slice %arg26[%dma_start3A_70, %dma_start3A_71] : memref<10000x128xf32, #tpu.memory_space<vmem_shared>> -> memref<16x128xf32, #tpu.memory_space<vmem_shared>>
        tpu.enqueue_dma source(%dma_start3A_72 : memref<16x128xf32, #tpu.memory_space<vmem_shared>>) target(%dma_start3A_69 : memref<16x128xf32, #tpu.memory_space<hbm>>) target_semaphore(%run_scoped3A : memref<!tpu.dma_semaphore, #tpu.memory_space<semaphore_mem>>)
        %dma_wait3A = arith.constant 9984 : i32
        %dma_wait3A_73 = arith.constant 0 : i32
        %dma_wait3A_74 = tpu.memref_slice %arg5[%arg0, %dma_wait3A, %dma_wait3A_73] : memref<2x10000x128xf32, #tpu.memory_space<hbm>> -> memref<1x16x128xf32, #tpu.memory_space<hbm>>
        %dma_wait3A_75 = tpu.memref_squeeze %dma_wait3A_74 : memref<1x16x128xf32, #tpu.memory_space<hbm>> -> memref<16x128xf32, #tpu.memory_space<hbm>>
        %dma_wait3A_76 = arith.constant 9984 : i32
        %dma_wait3A_77 = arith.constant 0 : i32
        %dma_wait3A_78 = tpu.memref_slice %arg26[%dma_wait3A_76, %dma_wait3A_77] : memref<10000x128xf32, #tpu.memory_space<vmem_shared>> -> memref<16x128xf32, #tpu.memory_space<vmem_shared>>
        tpu.wait_dma2 semaphore(%run_scoped3A : memref<!tpu.dma_semaphore, #tpu.memory_space<semaphore_mem>>) src(%dma_wait3A_78 : memref<16x128xf32, #tpu.memory_space<vmem_shared>>) dst(%dma_wait3A_75 : memref<16x128xf32, #tpu.memory_space<hbm>>)
        tpu.yield
      }) : () -> ()
    } else {
    }
    return
  }
}

#map = affine_map<(d0, d1) -> (0)>
module attributes {stable_mosaic.version = 14 : i64} {
  func.func @deg_kernel(%arg0: i32, %arg1: i32, %arg2: memref<320000xi32, #tpu.memory_space<hbm>>, %arg3: memref<320000xf32, #tpu.memory_space<hbm>>, %arg4: memref<10000xi32, #tpu.memory_space<vmem>>, %arg5: memref<10000xf32, #tpu.memory_space<vmem>>) attributes {dimension_semantics = [#tpu.dimension_semantics<core_parallel>, #tpu.dimension_semantics<subcore_parallel>], iteration_bounds = array<i64: 2, 16>, scalar_prefetch = 0 : i64, scratch_operands = 2 : i64, tpu.core_type = #tpu.core_type<sc_vector_subcore>, window_params = [{transform_indices = #map}, {transform_indices = #map}]} {
    %mul3A = arith.constant 16 : i32
    %mul3A_0 = arith.muli %arg0, %mul3A : i32
    %add3A = arith.addi %mul3A_0, %arg1 : i32
    %mul3A_1 = arith.constant 10000 : i32
    %mul3A_2 = arith.muli %add3A, %mul3A_1 : i32
    "tpu.region"() ({
      %run_scoped3A = tpu.sem_alloc : memref<!tpu.dma_semaphore, #tpu.memory_space<semaphore_mem>>
      %dma_start3A = tpu.memref_slice %arg2[%mul3A_2] : memref<320000xi32, #tpu.memory_space<hbm>> -> memref<10000xi32, #tpu.memory_space<hbm>>
      %dma_start3A_17 = tpu.memref_slice %arg2[%mul3A_2] : memref<320000xi32, #tpu.memory_space<hbm>> -> memref<10000xi32, #tpu.memory_space<hbm>>
      tpu.enqueue_dma source(%dma_start3A_17 : memref<10000xi32, #tpu.memory_space<hbm>>) target(%arg4 : memref<10000xi32, #tpu.memory_space<vmem>>) target_semaphore(%run_scoped3A : memref<!tpu.dma_semaphore, #tpu.memory_space<semaphore_mem>>)
      %dma_wait3A = tpu.memref_slice %arg2[%mul3A_2] : memref<320000xi32, #tpu.memory_space<hbm>> -> memref<10000xi32, #tpu.memory_space<hbm>>
      %dma_wait3A_18 = tpu.memref_slice %arg2[%mul3A_2] : memref<320000xi32, #tpu.memory_space<hbm>> -> memref<10000xi32, #tpu.memory_space<hbm>>
      tpu.wait_dma2 semaphore(%run_scoped3A : memref<!tpu.dma_semaphore, #tpu.memory_space<semaphore_mem>>) src(%dma_wait3A_18 : memref<10000xi32, #tpu.memory_space<hbm>>) dst(%arg4 : memref<10000xi32, #tpu.memory_space<vmem>>)
      tpu.yield
    }) : () -> ()
    %broadcast_in_dim3A = arith.constant 0.000000e+00 : f32
    %broadcast_in_dim3A_3 = vector.broadcast %broadcast_in_dim3A : f32 to vector<16xf32>
    %scan3A = arith.constant 0 : i32
    %scan3A_4 = arith.constant 625 : i32
    %scan3A_5 = arith.addi %scan3A, %scan3A_4 : i32
    %scan3A_6 = arith.constant 5 : i32
    scf.for %scan3A_17 = %scan3A to %scan3A_5 step %scan3A_6  : i32 {
      %mul3A_18 = arith.constant 1 : i32
      %mul3A_19 = arith.muli %scan3A_17, %mul3A_18 : i32
      %add3A_20 = arith.constant 0 : i32
      %add3A_21 = arith.addi %add3A_20, %mul3A_19 : i32
      %mul3A_22 = arith.constant 16 : i32
      %mul3A_23 = arith.muli %add3A_21, %mul3A_22 : i32
      %swap3A = arith.index_cast %mul3A_23 : i32 to index
      %swap3A_24 = tpu.vector_load %arg5[%swap3A] {strides = array<i32>} : memref<10000xf32, #tpu.memory_space<vmem>>, vector<16xf32>,
      tpu.vector_store %arg5[%swap3A], %broadcast_in_dim3A_3 {strides = array<i32>} : memref<10000xf32, #tpu.memory_space<vmem>>, vector<16xf32>,
      %scan3A_25 = arith.constant 1 : i32
      %scan3A_26 = arith.addi %scan3A_17, %scan3A_25 : i32
      %mul3A_27 = arith.constant 1 : i32
      %mul3A_28 = arith.muli %scan3A_26, %mul3A_27 : i32
      %add3A_29 = arith.constant 0 : i32
      %add3A_30 = arith.addi %add3A_29, %mul3A_28 : i32
      %mul3A_31 = arith.constant 16 : i32
      %mul3A_32 = arith.muli %add3A_30, %mul3A_31 : i32
      %swap3A_33 = arith.index_cast %mul3A_32 : i32 to index
      %swap3A_34 = tpu.vector_load %arg5[%swap3A_33] {strides = array<i32>} : memref<10000xf32, #tpu.memory_space<vmem>>, vector<16xf32>,
      tpu.vector_store %arg5[%swap3A_33], %broadcast_in_dim3A_3 {strides = array<i32>} : memref<10000xf32, #tpu.memory_space<vmem>>, vector<16xf32>,
      %scan3A_35 = arith.constant 2 : i32
      %scan3A_36 = arith.addi %scan3A_17, %scan3A_35 : i32
      %mul3A_37 = arith.constant 1 : i32
      %mul3A_38 = arith.muli %scan3A_36, %mul3A_37 : i32
      %add3A_39 = arith.constant 0 : i32
      %add3A_40 = arith.addi %add3A_39, %mul3A_38 : i32
      %mul3A_41 = arith.constant 16 : i32
      %mul3A_42 = arith.muli %add3A_40, %mul3A_41 : i32
      %swap3A_43 = arith.index_cast %mul3A_42 : i32 to index
      %swap3A_44 = tpu.vector_load %arg5[%swap3A_43] {strides = array<i32>} : memref<10000xf32, #tpu.memory_space<vmem>>, vector<16xf32>,
      tpu.vector_store %arg5[%swap3A_43], %broadcast_in_dim3A_3 {strides = array<i32>} : memref<10000xf32, #tpu.memory_space<vmem>>, vector<16xf32>,
      %scan3A_45 = arith.constant 3 : i32
      %scan3A_46 = arith.addi %scan3A_17, %scan3A_45 : i32
      %mul3A_47 = arith.constant 1 : i32
      %mul3A_48 = arith.muli %scan3A_46, %mul3A_47 : i32
      %add3A_49 = arith.constant 0 : i32
      %add3A_50 = arith.addi %add3A_49, %mul3A_48 : i32
      %mul3A_51 = arith.constant 16 : i32
      %mul3A_52 = arith.muli %add3A_50, %mul3A_51 : i32
      %swap3A_53 = arith.index_cast %mul3A_52 : i32 to index
      %swap3A_54 = tpu.vector_load %arg5[%swap3A_53] {strides = array<i32>} : memref<10000xf32, #tpu.memory_space<vmem>>, vector<16xf32>,
      tpu.vector_store %arg5[%swap3A_53], %broadcast_in_dim3A_3 {strides = array<i32>} : memref<10000xf32, #tpu.memory_space<vmem>>, vector<16xf32>,
      %scan3A_55 = arith.constant 4 : i32
      %scan3A_56 = arith.addi %scan3A_17, %scan3A_55 : i32
      %mul3A_57 = arith.constant 1 : i32
      %mul3A_58 = arith.muli %scan3A_56, %mul3A_57 : i32
      %add3A_59 = arith.constant 0 : i32
      %add3A_60 = arith.addi %add3A_59, %mul3A_58 : i32
      %mul3A_61 = arith.constant 16 : i32
      %mul3A_62 = arith.muli %add3A_60, %mul3A_61 : i32
      %swap3A_63 = arith.index_cast %mul3A_62 : i32 to index
      %swap3A_64 = tpu.vector_load %arg5[%swap3A_63] {strides = array<i32>} : memref<10000xf32, #tpu.memory_space<vmem>>, vector<16xf32>,
      tpu.vector_store %arg5[%swap3A_63], %broadcast_in_dim3A_3 {strides = array<i32>} : memref<10000xf32, #tpu.memory_space<vmem>>, vector<16xf32>,
    }
    %scan3A_7 = arith.constant 625 : i32
    %broadcast_in_dim3A_8 = arith.constant 1.000000e+00 : f32
    %broadcast_in_dim3A_9 = vector.broadcast %broadcast_in_dim3A_8 : f32 to vector<16xf32>
    %scan3A_10 = arith.constant 0 : i32
    %scan3A_11 = arith.constant 625 : i32
    %scan3A_12 = arith.addi %scan3A_10, %scan3A_11 : i32
    %scan3A_13 = arith.constant 5 : i32
    scf.for %scan3A_17 = %scan3A_10 to %scan3A_12 step %scan3A_13  : i32 {
      %mul3A_18 = arith.constant 1 : i32
      %mul3A_19 = arith.muli %scan3A_17, %mul3A_18 : i32
      %add3A_20 = arith.constant 0 : i32
      %add3A_21 = arith.addi %add3A_20, %mul3A_19 : i32
      %mul3A_22 = arith.constant 16 : i32
      %mul3A_23 = arith.muli %add3A_21, %mul3A_22 : i32
      %get3A = arith.index_cast %mul3A_23 : i32 to index
      %get3A_24 = tpu.vector_load %arg4[%get3A] {strides = array<i32>} : memref<10000xi32, #tpu.memory_space<vmem>>, vector<16xi32>,
      tpu.vector_store_idx %arg5[%get3A_24], %broadcast_in_dim3A_9 {add = true} : memref<10000xf32, #tpu.memory_space<vmem>>[vector<16xi32>], vector<16xf32>,
      %scan3A_25 = arith.constant 1 : i32
      %scan3A_26 = arith.addi %scan3A_17, %scan3A_25 : i32
      %mul3A_27 = arith.constant 1 : i32
      %mul3A_28 = arith.muli %scan3A_26, %mul3A_27 : i32
      %add3A_29 = arith.constant 0 : i32
      %add3A_30 = arith.addi %add3A_29, %mul3A_28 : i32
      %mul3A_31 = arith.constant 16 : i32
      %mul3A_32 = arith.muli %add3A_30, %mul3A_31 : i32
      %get3A_33 = arith.index_cast %mul3A_32 : i32 to index
      %get3A_34 = tpu.vector_load %arg4[%get3A_33] {strides = array<i32>} : memref<10000xi32, #tpu.memory_space<vmem>>, vector<16xi32>,
      tpu.vector_store_idx %arg5[%get3A_34], %broadcast_in_dim3A_9 {add = true} : memref<10000xf32, #tpu.memory_space<vmem>>[vector<16xi32>], vector<16xf32>,
      %scan3A_35 = arith.constant 2 : i32
      %scan3A_36 = arith.addi %scan3A_17, %scan3A_35 : i32
      %mul3A_37 = arith.constant 1 : i32
      %mul3A_38 = arith.muli %scan3A_36, %mul3A_37 : i32
      %add3A_39 = arith.constant 0 : i32
      %add3A_40 = arith.addi %add3A_39, %mul3A_38 : i32
      %mul3A_41 = arith.constant 16 : i32
      %mul3A_42 = arith.muli %add3A_40, %mul3A_41 : i32
      %get3A_43 = arith.index_cast %mul3A_42 : i32 to index
      %get3A_44 = tpu.vector_load %arg4[%get3A_43] {strides = array<i32>} : memref<10000xi32, #tpu.memory_space<vmem>>, vector<16xi32>,
      tpu.vector_store_idx %arg5[%get3A_44], %broadcast_in_dim3A_9 {add = true} : memref<10000xf32, #tpu.memory_space<vmem>>[vector<16xi32>], vector<16xf32>,
      %scan3A_45 = arith.constant 3 : i32
      %scan3A_46 = arith.addi %scan3A_17, %scan3A_45 : i32
      %mul3A_47 = arith.constant 1 : i32
      %mul3A_48 = arith.muli %scan3A_46, %mul3A_47 : i32
      %add3A_49 = arith.constant 0 : i32
      %add3A_50 = arith.addi %add3A_49, %mul3A_48 : i32
      %mul3A_51 = arith.constant 16 : i32
      %mul3A_52 = arith.muli %add3A_50, %mul3A_51 : i32
      %get3A_53 = arith.index_cast %mul3A_52 : i32 to index
      %get3A_54 = tpu.vector_load %arg4[%get3A_53] {strides = array<i32>} : memref<10000xi32, #tpu.memory_space<vmem>>, vector<16xi32>,
      tpu.vector_store_idx %arg5[%get3A_54], %broadcast_in_dim3A_9 {add = true} : memref<10000xf32, #tpu.memory_space<vmem>>[vector<16xi32>], vector<16xf32>,
      %scan3A_55 = arith.constant 4 : i32
      %scan3A_56 = arith.addi %scan3A_17, %scan3A_55 : i32
      %mul3A_57 = arith.constant 1 : i32
      %mul3A_58 = arith.muli %scan3A_56, %mul3A_57 : i32
      %add3A_59 = arith.constant 0 : i32
      %add3A_60 = arith.addi %add3A_59, %mul3A_58 : i32
      %mul3A_61 = arith.constant 16 : i32
      %mul3A_62 = arith.muli %add3A_60, %mul3A_61 : i32
      %get3A_63 = arith.index_cast %mul3A_62 : i32 to index
      %get3A_64 = tpu.vector_load %arg4[%get3A_63] {strides = array<i32>} : memref<10000xi32, #tpu.memory_space<vmem>>, vector<16xi32>,
      tpu.vector_store_idx %arg5[%get3A_64], %broadcast_in_dim3A_9 {add = true} : memref<10000xf32, #tpu.memory_space<vmem>>[vector<16xi32>], vector<16xf32>,
    }
    %scan3A_14 = arith.constant 625 : i32
    %mul3A_15 = arith.constant 10000 : i32
    %mul3A_16 = arith.muli %add3A, %mul3A_15 : i32
    "tpu.region"() ({
      %run_scoped3A = tpu.sem_alloc : memref<!tpu.dma_semaphore, #tpu.memory_space<semaphore_mem>>
      %dma_start3A = tpu.memref_slice %arg3[%mul3A_16] : memref<320000xf32, #tpu.memory_space<hbm>> -> memref<10000xf32, #tpu.memory_space<hbm>>
      %dma_start3A_17 = tpu.memref_slice %arg3[%mul3A_16] : memref<320000xf32, #tpu.memory_space<hbm>> -> memref<10000xf32, #tpu.memory_space<hbm>>
      tpu.enqueue_dma source(%arg5 : memref<10000xf32, #tpu.memory_space<vmem>>) target(%dma_start3A_17 : memref<10000xf32, #tpu.memory_space<hbm>>) target_semaphore(%run_scoped3A : memref<!tpu.dma_semaphore, #tpu.memory_space<semaphore_mem>>)
      %dma_wait3A = tpu.memref_slice %arg3[%mul3A_16] : memref<320000xf32, #tpu.memory_space<hbm>> -> memref<10000xf32, #tpu.memory_space<hbm>>
      %dma_wait3A_18 = tpu.memref_slice %arg3[%mul3A_16] : memref<320000xf32, #tpu.memory_space<hbm>> -> memref<10000xf32, #tpu.memory_space<hbm>>
      tpu.wait_dma2 semaphore(%run_scoped3A : memref<!tpu.dma_semaphore, #tpu.memory_space<semaphore_mem>>) src(%arg5 : memref<10000xf32, #tpu.memory_space<vmem>>) dst(%dma_wait3A_18 : memref<10000xf32, #tpu.memory_space<hbm>>)
      tpu.yield
    }) : () -> ()
    return
  }
}

#map = affine_map<(d0, d1) -> (0, 0)>
#map1 = affine_map<(d0, d1) -> (0)>
#map2 = affine_map<(d0, d1) -> (0, 0, 0)>
module attributes {stable_mosaic.version = 14 : i64} {
  func.func @agg_kernel(%arg0: i32, %arg1: i32, %arg2: memref<10000x128xf32, #tpu.memory_space<hbm>>, %arg3: memref<320000xi32, #tpu.memory_space<hbm>>, %arg4: memref<320000xi32, #tpu.memory_space<hbm>>, %arg5: memref<2x10000x128xf32, #tpu.memory_space<hbm>>, %arg6: memref<64xi32, #tpu.memory_space<vmem>>, %arg7: memref<64xi32, #tpu.memory_space<vmem>>, %arg8: memref<64xi32, #tpu.memory_space<vmem>>, %arg9: memref<64xi32, #tpu.memory_space<vmem>>, %arg10: memref<64xi32, #tpu.memory_space<vmem>>, %arg11: memref<64xi32, #tpu.memory_space<vmem>>, %arg12: memref<64xi32, #tpu.memory_space<vmem>>, %arg13: memref<64xi32, #tpu.memory_space<vmem>>, %arg14: memref<64xi32, #tpu.memory_space<vmem>>, %arg15: memref<64xi32, #tpu.memory_space<vmem>>, %arg16: memref<64xi32, #tpu.memory_space<vmem>>, %arg17: memref<64xi32, #tpu.memory_space<vmem>>, %arg18: memref<64x128xf32, #tpu.memory_space<vmem>>, %arg19: memref<64x128xf32, #tpu.memory_space<vmem>>, %arg20: memref<64x128xf32, #tpu.memory_space<vmem>>, %arg21: memref<64x128xf32, #tpu.memory_space<vmem>>, %arg22: memref<64x128xf32, #tpu.memory_space<vmem>>, %arg23: memref<64x128xf32, #tpu.memory_space<vmem>>, %arg24: memref<16xi32, #tpu.memory_space<vmem>>, %arg25: memref<16xi32, #tpu.memory_space<vmem>>, %arg26: memref<10000x128xf32, #tpu.memory_space<vmem_shared>>, %arg27: memref<!tpu.dma_semaphore, #tpu.memory_space<semaphore_mem>>, %arg28: memref<!tpu.dma_semaphore, #tpu.memory_space<semaphore_mem>>, %arg29: memref<!tpu.dma_semaphore, #tpu.memory_space<semaphore_mem>>, %arg30: memref<!tpu.dma_semaphore, #tpu.memory_space<semaphore_mem>>, %arg31: memref<!tpu.dma_semaphore, #tpu.memory_space<semaphore_mem>>, %arg32: memref<!tpu.dma_semaphore, #tpu.memory_space<semaphore_mem>>, %arg33: memref<!tpu.dma_semaphore, #tpu.memory_space<semaphore_mem>>, %arg34: memref<!tpu.dma_semaphore, #tpu.memory_space<semaphore_mem>>, %arg35: memref<!tpu.dma_semaphore, #tpu.memory_space<semaphore_mem>>, %arg36: memref<!tpu.dma_semaphore, #tpu.memory_space<semaphore_mem>>, %arg37: memref<!tpu.dma_semaphore, #tpu.memory_space<semaphore_mem>>, %arg38: memref<!tpu.dma_semaphore, #tpu.memory_space<semaphore_mem>>, %arg39: memref<!tpu.dma_semaphore, #tpu.memory_space<semaphore_mem>>, %arg40: memref<!tpu.dma_semaphore, #tpu.memory_space<semaphore_mem>>, %arg41: memref<!tpu.dma_semaphore, #tpu.memory_space<semaphore_mem>>, %arg42: memref<!tpu.dma_semaphore, #tpu.memory_space<semaphore_mem>>, %arg43: memref<!tpu.dma_semaphore, #tpu.memory_space<semaphore_mem>>, %arg44: memref<!tpu.dma_semaphore, #tpu.memory_space<semaphore_mem>>, %arg45: memref<!tpu.dma_semaphore, #tpu.memory_space<semaphore_mem>>, %arg46: memref<!tpu.dma_semaphore, #tpu.memory_space<semaphore_mem>>, %arg47: memref<!tpu.dma_semaphore, #tpu.memory_space<semaphore_mem>>, %arg48: memref<!tpu.dma_semaphore, #tpu.memory_space<semaphore_mem>>, %arg49: memref<!tpu.dma_semaphore, #tpu.memory_space<semaphore_mem>>, %arg50: memref<!tpu.dma_semaphore, #tpu.memory_space<semaphore_mem>>) attributes {dimension_semantics = [#tpu.dimension_semantics<core_parallel>, #tpu.dimension_semantics<subcore_parallel>], iteration_bounds = array<i64: 2, 16>, scalar_prefetch = 0 : i64, scratch_operands = 45 : i64, tpu.core_type = #tpu.core_type<sc_vector_subcore>, window_params = [{transform_indices = #map}, {transform_indices = #map1}, {transform_indices = #map1}, {transform_indices = #map2}]} {
    %mul3A = arith.constant 624 : i32
    %mul3A_0 = arith.muli %arg1, %mul3A : i32
    "tpu.region"() ({
      %run_scoped3A = tpu.sem_alloc : memref<!tpu.dma_semaphore, #tpu.memory_space<semaphore_mem>>
      %dma_start3A_66 = arith.constant 0 : i32
      %dma_start3A_67 = tpu.memref_slice %arg26[%mul3A_0, %dma_start3A_66] : memref<10000x128xf32, #tpu.memory_space<vmem_shared>> -> memref<624x128xf32, #tpu.memory_space<vmem_shared>>
      %dma_start3A_68 = arith.constant 0 : i32
      %dma_start3A_69 = tpu.memref_slice %arg2[%mul3A_0, %dma_start3A_68] : memref<10000x128xf32, #tpu.memory_space<hbm>> -> memref<624x128xf32, #tpu.memory_space<hbm>>
      tpu.enqueue_dma source(%dma_start3A_69 : memref<624x128xf32, #tpu.memory_space<hbm>>) target(%dma_start3A_67 : memref<624x128xf32, #tpu.memory_space<vmem_shared>>) target_semaphore(%run_scoped3A : memref<!tpu.dma_semaphore, #tpu.memory_space<semaphore_mem>>)
      %dma_wait3A = arith.constant 0 : i32
      %dma_wait3A_70 = tpu.memref_slice %arg26[%mul3A_0, %dma_wait3A] : memref<10000x128xf32, #tpu.memory_space<vmem_shared>> -> memref<624x128xf32, #tpu.memory_space<vmem_shared>>
      %dma_wait3A_71 = arith.constant 0 : i32
      %dma_wait3A_72 = tpu.memref_slice %arg2[%mul3A_0, %dma_wait3A_71] : memref<10000x128xf32, #tpu.memory_space<hbm>> -> memref<624x128xf32, #tpu.memory_space<hbm>>
      tpu.wait_dma2 semaphore(%run_scoped3A : memref<!tpu.dma_semaphore, #tpu.memory_space<semaphore_mem>>) src(%dma_wait3A_72 : memref<624x128xf32, #tpu.memory_space<hbm>>) dst(%dma_wait3A_70 : memref<624x128xf32, #tpu.memory_space<vmem_shared>>)
      tpu.yield
    }) : () -> ()
    %eq3A = arith.constant 0 : i32
    %eq3A_1 = arith.cmpi eq, %arg1, %eq3A : i32
    %convert_element_type3A = arith.extui %eq3A_1 : i1 to i32
    %cond3A = arith.constant 0 : i32
    %cond3A_2 = arith.cmpi ne, %convert_element_type3A, %cond3A : i32
    scf.if %cond3A_2 {
      "tpu.region"() ({
        %run_scoped3A = tpu.sem_alloc : memref<!tpu.dma_semaphore, #tpu.memory_space<semaphore_mem>>
        %dma_start3A_66 = arith.constant 9984 : i32
        %dma_start3A_67 = arith.constant 0 : i32
        %dma_start3A_68 = tpu.memref_slice %arg26[%dma_start3A_66, %dma_start3A_67] : memref<10000x128xf32, #tpu.memory_space<vmem_shared>> -> memref<16x128xf32, #tpu.memory_space<vmem_shared>>
        %dma_start3A_69 = arith.constant 9984 : i32
        %dma_start3A_70 = arith.constant 0 : i32
        %dma_start3A_71 = tpu.memref_slice %arg2[%dma_start3A_69, %dma_start3A_70] : memref<10000x128xf32, #tpu.memory_space<hbm>> -> memref<16x128xf32, #tpu.memory_space<hbm>>
        tpu.enqueue_dma source(%dma_start3A_71 : memref<16x128xf32, #tpu.memory_space<hbm>>) target(%dma_start3A_68 : memref<16x128xf32, #tpu.memory_space<vmem_shared>>) target_semaphore(%run_scoped3A : memref<!tpu.dma_semaphore, #tpu.memory_space<semaphore_mem>>)
        %dma_wait3A = arith.constant 9984 : i32
        %dma_wait3A_72 = arith.constant 0 : i32
        %dma_wait3A_73 = tpu.memref_slice %arg26[%dma_wait3A, %dma_wait3A_72] : memref<10000x128xf32, #tpu.memory_space<vmem_shared>> -> memref<16x128xf32, #tpu.memory_space<vmem_shared>>
        %dma_wait3A_74 = arith.constant 9984 : i32
        %dma_wait3A_75 = arith.constant 0 : i32
        %dma_wait3A_76 = tpu.memref_slice %arg2[%dma_wait3A_74, %dma_wait3A_75] : memref<10000x128xf32, #tpu.memory_space<hbm>> -> memref<16x128xf32, #tpu.memory_space<hbm>>
        tpu.wait_dma2 semaphore(%run_scoped3A : memref<!tpu.dma_semaphore, #tpu.memory_space<semaphore_mem>>) src(%dma_wait3A_76 : memref<16x128xf32, #tpu.memory_space<hbm>>) dst(%dma_wait3A_73 : memref<16x128xf32, #tpu.memory_space<vmem_shared>>)
        tpu.yield
      }) : () -> ()
    } else {
    }
    %mul3A_3 = arith.constant 16 : i32
    %mul3A_4 = arith.muli %arg0, %mul3A_3 : i32
    %add3A = arith.addi %mul3A_4, %arg1 : i32
    %mul3A_5 = arith.constant 10000 : i32
    %mul3A_6 = arith.muli %add3A, %mul3A_5 : i32
    %barrier3A = arith.constant 0 : index
    tpu.barrier barrier_id(%barrier3A)
    %add3A_7 = arith.constant 0 : i32
    %add3A_8 = arith.addi %mul3A_6, %add3A_7 : i32
    %dma_start3A = tpu.memref_slice %arg3[%add3A_8] : memref<320000xi32, #tpu.memory_space<hbm>> -> memref<64xi32, #tpu.memory_space<hbm>>
    %dma_start3A_9 = tpu.memref_slice %arg3[%add3A_8] : memref<320000xi32, #tpu.memory_space<hbm>> -> memref<64xi32, #tpu.memory_space<hbm>>
    tpu.enqueue_dma source(%dma_start3A_9 : memref<64xi32, #tpu.memory_space<hbm>>) target(%arg6 : memref<64xi32, #tpu.memory_space<vmem>>) target_semaphore(%arg27 : memref<!tpu.dma_semaphore, #tpu.memory_space<semaphore_mem>>)
    %add3A_10 = arith.constant 0 : i32
    %add3A_11 = arith.addi %mul3A_6, %add3A_10 : i32
    %dma_start3A_12 = tpu.memref_slice %arg4[%add3A_11] : memref<320000xi32, #tpu.memory_space<hbm>> -> memref<64xi32, #tpu.memory_space<hbm>>
    %dma_start3A_13 = tpu.memref_slice %arg4[%add3A_11] : memref<320000xi32, #tpu.memory_space<hbm>> -> memref<64xi32, #tpu.memory_space<hbm>>
    tpu.enqueue_dma source(%dma_start3A_13 : memref<64xi32, #tpu.memory_space<hbm>>) target(%arg12 : memref<64xi32, #tpu.memory_space<vmem>>) target_semaphore(%arg33 : memref<!tpu.dma_semaphore, #tpu.memory_space<semaphore_mem>>)
    %add3A_14 = arith.constant 64 : i32
    %add3A_15 = arith.addi %mul3A_6, %add3A_14 : i32
    %dma_start3A_16 = tpu.memref_slice %arg3[%add3A_15] : memref<320000xi32, #tpu.memory_space<hbm>> -> memref<64xi32, #tpu.memory_space<hbm>>
    %dma_start3A_17 = tpu.memref_slice %arg3[%add3A_15] : memref<320000xi32, #tpu.memory_space<hbm>> -> memref<64xi32, #tpu.memory_space<hbm>>
    tpu.enqueue_dma source(%dma_start3A_17 : memref<64xi32, #tpu.memory_space<hbm>>) target(%arg7 : memref<64xi32, #tpu.memory_space<vmem>>) target_semaphore(%arg28 : memref<!tpu.dma_semaphore, #tpu.memory_space<semaphore_mem>>)
    %add3A_18 = arith.constant 64 : i32
    %add3A_19 = arith.addi %mul3A_6, %add3A_18 : i32
    %dma_start3A_20 = tpu.memref_slice %arg4[%add3A_19] : memref<320000xi32, #tpu.memory_space<hbm>> -> memref<64xi32, #tpu.memory_space<hbm>>
    %dma_start3A_21 = tpu.memref_slice %arg4[%add3A_19] : memref<320000xi32, #tpu.memory_space<hbm>> -> memref<64xi32, #tpu.memory_space<hbm>>
    tpu.enqueue_dma source(%dma_start3A_21 : memref<64xi32, #tpu.memory_space<hbm>>) target(%arg13 : memref<64xi32, #tpu.memory_space<vmem>>) target_semaphore(%arg34 : memref<!tpu.dma_semaphore, #tpu.memory_space<semaphore_mem>>)
    %add3A_22 = arith.constant 128 : i32
    %add3A_23 = arith.addi %mul3A_6, %add3A_22 : i32
    %dma_start3A_24 = tpu.memref_slice %arg3[%add3A_23] : memref<320000xi32, #tpu.memory_space<hbm>> -> memref<64xi32, #tpu.memory_space<hbm>>
    %dma_start3A_25 = tpu.memref_slice %arg3[%add3A_23] : memref<320000xi32, #tpu.memory_space<hbm>> -> memref<64xi32, #tpu.memory_space<hbm>>
    tpu.enqueue_dma source(%dma_start3A_25 : memref<64xi32, #tpu.memory_space<hbm>>) target(%arg8 : memref<64xi32, #tpu.memory_space<vmem>>) target_semaphore(%arg29 : memref<!tpu.dma_semaphore, #tpu.memory_space<semaphore_mem>>)
    %add3A_26 = arith.constant 128 : i32
    %add3A_27 = arith.addi %mul3A_6, %add3A_26 : i32
    %dma_start3A_28 = tpu.memref_slice %arg4[%add3A_27] : memref<320000xi32, #tpu.memory_space<hbm>> -> memref<64xi32, #tpu.memory_space<hbm>>
    %dma_start3A_29 = tpu.memref_slice %arg4[%add3A_27] : memref<320000xi32, #tpu.memory_space<hbm>> -> memref<64xi32, #tpu.memory_space<hbm>>
    tpu.enqueue_dma source(%dma_start3A_29 : memref<64xi32, #tpu.memory_space<hbm>>) target(%arg14 : memref<64xi32, #tpu.memory_space<vmem>>) target_semaphore(%arg35 : memref<!tpu.dma_semaphore, #tpu.memory_space<semaphore_mem>>)
    %add3A_30 = arith.constant 192 : i32
    %add3A_31 = arith.addi %mul3A_6, %add3A_30 : i32
    %dma_start3A_32 = tpu.memref_slice %arg3[%add3A_31] : memref<320000xi32, #tpu.memory_space<hbm>> -> memref<64xi32, #tpu.memory_space<hbm>>
    %dma_start3A_33 = tpu.memref_slice %arg3[%add3A_31] : memref<320000xi32, #tpu.memory_space<hbm>> -> memref<64xi32, #tpu.memory_space<hbm>>
    tpu.enqueue_dma source(%dma_start3A_33 : memref<64xi32, #tpu.memory_space<hbm>>) target(%arg9 : memref<64xi32, #tpu.memory_space<vmem>>) target_semaphore(%arg30 : memref<!tpu.dma_semaphore, #tpu.memory_space<semaphore_mem>>)
    %add3A_34 = arith.constant 192 : i32
    %add3A_35 = arith.addi %mul3A_6, %add3A_34 : i32
    %dma_start3A_36 = tpu.memref_slice %arg4[%add3A_35] : memref<320000xi32, #tpu.memory_space<hbm>> -> memref<64xi32, #tpu.memory_space<hbm>>
    %dma_start3A_37 = tpu.memref_slice %arg4[%add3A_35] : memref<320000xi32, #tpu.memory_space<hbm>> -> memref<64xi32, #tpu.memory_space<hbm>>
    tpu.enqueue_dma source(%dma_start3A_37 : memref<64xi32, #tpu.memory_space<hbm>>) target(%arg15 : memref<64xi32, #tpu.memory_space<vmem>>) target_semaphore(%arg36 : memref<!tpu.dma_semaphore, #tpu.memory_space<semaphore_mem>>)
    %add3A_38 = arith.constant 256 : i32
    %add3A_39 = arith.addi %mul3A_6, %add3A_38 : i32
    %dma_start3A_40 = tpu.memref_slice %arg3[%add3A_39] : memref<320000xi32, #tpu.memory_space<hbm>> -> memref<64xi32, #tpu.memory_space<hbm>>
    %dma_start3A_41 = tpu.memref_slice %arg3[%add3A_39] : memref<320000xi32, #tpu.memory_space<hbm>> -> memref<64xi32, #tpu.memory_space<hbm>>
    tpu.enqueue_dma source(%dma_start3A_41 : memref<64xi32, #tpu.memory_space<hbm>>) target(%arg10 : memref<64xi32, #tpu.memory_space<vmem>>) target_semaphore(%arg31 : memref<!tpu.dma_semaphore, #tpu.memory_space<semaphore_mem>>)
    %add3A_42 = arith.constant 256 : i32
    %add3A_43 = arith.addi %mul3A_6, %add3A_42 : i32
    %dma_start3A_44 = tpu.memref_slice %arg4[%add3A_43] : memref<320000xi32, #tpu.memory_space<hbm>> -> memref<64xi32, #tpu.memory_space<hbm>>
    %dma_start3A_45 = tpu.memref_slice %arg4[%add3A_43] : memref<320000xi32, #tpu.memory_space<hbm>> -> memref<64xi32, #tpu.memory_space<hbm>>
    tpu.enqueue_dma source(%dma_start3A_45 : memref<64xi32, #tpu.memory_space<hbm>>) target(%arg16 : memref<64xi32, #tpu.memory_space<vmem>>) target_semaphore(%arg37 : memref<!tpu.dma_semaphore, #tpu.memory_space<semaphore_mem>>)
    %add3A_46 = arith.constant 320 : i32
    %add3A_47 = arith.addi %mul3A_6, %add3A_46 : i32
    %dma_start3A_48 = tpu.memref_slice %arg3[%add3A_47] : memref<320000xi32, #tpu.memory_space<hbm>> -> memref<64xi32, #tpu.memory_space<hbm>>
    %dma_start3A_49 = tpu.memref_slice %arg3[%add3A_47] : memref<320000xi32, #tpu.memory_space<hbm>> -> memref<64xi32, #tpu.memory_space<hbm>>
    tpu.enqueue_dma source(%dma_start3A_49 : memref<64xi32, #tpu.memory_space<hbm>>) target(%arg11 : memref<64xi32, #tpu.memory_space<vmem>>) target_semaphore(%arg32 : memref<!tpu.dma_semaphore, #tpu.memory_space<semaphore_mem>>)
    %add3A_50 = arith.constant 320 : i32
    %add3A_51 = arith.addi %mul3A_6, %add3A_50 : i32
    %dma_start3A_52 = tpu.memref_slice %arg4[%add3A_51] : memref<320000xi32, #tpu.memory_space<hbm>> -> memref<64xi32, #tpu.memory_space<hbm>>
    %dma_start3A_53 = tpu.memref_slice %arg4[%add3A_51] : memref<320000xi32, #tpu.memory_space<hbm>> -> memref<64xi32, #tpu.memory_space<hbm>>
    tpu.enqueue_dma source(%dma_start3A_53 : memref<64xi32, #tpu.memory_space<hbm>>) target(%arg17 : memref<64xi32, #tpu.memory_space<vmem>>) target_semaphore(%arg38 : memref<!tpu.dma_semaphore, #tpu.memory_space<semaphore_mem>>)
    %scan3A = arith.constant 0 : i32
    %scan3A_54 = arith.constant 26 : i32
    %scan3A_55 = arith.addi %scan3A, %scan3A_54 : i32
    %scan3A_56 = arith.constant 1 : i32
    scf.for %scan3A_66 = %scan3A to %scan3A_55 step %scan3A_56  : i32 {
      %mul3A_67 = arith.constant 6 : i32
      %mul3A_68 = arith.muli %scan3A_66, %mul3A_67 : i32
      %add3A_69 = arith.constant 0 : i32
      %add3A_70 = arith.addi %add3A_69, %mul3A_68 : i32
      %add3A_71 = arith.constant 0 : i32
      %add3A_72 = arith.addi %add3A_70, %add3A_71 : i32
      %mul3A_73 = arith.constant 64 : i32
      %mul3A_74 = arith.muli %add3A_72, %mul3A_73 : i32
      %add3A_75 = arith.addi %mul3A_6, %mul3A_74 : i32
      %dma_wait3A = tpu.memref_slice %arg3[%add3A_75] : memref<320000xi32, #tpu.memory_space<hbm>> -> memref<64xi32, #tpu.memory_space<hbm>>
      %dma_wait3A_76 = tpu.memref_slice %arg3[%add3A_75] : memref<320000xi32, #tpu.memory_space<hbm>> -> memref<64xi32, #tpu.memory_space<hbm>>
      tpu.wait_dma2 semaphore(%arg27 : memref<!tpu.dma_semaphore, #tpu.memory_space<semaphore_mem>>) src(%dma_wait3A_76 : memref<64xi32, #tpu.memory_space<hbm>>) dst(%arg6 : memref<64xi32, #tpu.memory_space<vmem>>)
      %mul3A_77 = arith.constant 64 : i32
      %mul3A_78 = arith.muli %add3A_72, %mul3A_77 : i32
      %add3A_79 = arith.addi %mul3A_6, %mul3A_78 : i32
      %dma_wait3A_80 = tpu.memref_slice %arg4[%add3A_79] : memref<320000xi32, #tpu.memory_space<hbm>> -> memref<64xi32, #tpu.memory_space<hbm>>
      %dma_wait3A_81 = tpu.memref_slice %arg4[%add3A_79] : memref<320000xi32, #tpu.memory_space<hbm>> -> memref<64xi32, #tpu.memory_space<hbm>>
      tpu.wait_dma2 semaphore(%arg33 : memref<!tpu.dma_semaphore, #tpu.memory_space<semaphore_mem>>) src(%dma_wait3A_81 : memref<64xi32, #tpu.memory_space<hbm>>) dst(%arg12 : memref<64xi32, #tpu.memory_space<vmem>>)
      %dma_start3A_82 = arith.constant 0 : i32
      %dma_start3A_83 = arith.constant 0 : i32
      %dma_start3A_84 = tpu.memref_slice %arg2[%dma_start3A_82, %dma_start3A_83] : memref<10000x128xf32, #tpu.memory_space<hbm>> -> memref<10000x128xf32, #tpu.memory_space<hbm>>
      tpu.enqueue_indirect_dma source(%dma_start3A_84 : memref<10000x128xf32, #tpu.memory_space<hbm>>) target(%arg18 : memref<64x128xf32, #tpu.memory_space<vmem>>) offsets(%arg6 : memref<64xi32, #tpu.memory_space<vmem>>) semaphore(%arg39 : memref<!tpu.dma_semaphore, #tpu.memory_space<semaphore_mem>>)
      %add3A_85 = arith.constant 1 : i32
      %add3A_86 = arith.addi %add3A_70, %add3A_85 : i32
      %mul3A_87 = arith.constant 64 : i32
      %mul3A_88 = arith.muli %add3A_86, %mul3A_87 : i32
      %add3A_89 = arith.addi %mul3A_6, %mul3A_88 : i32
      %dma_wait3A_90 = tpu.memref_slice %arg3[%add3A_89] : memref<320000xi32, #tpu.memory_space<hbm>> -> memref<64xi32, #tpu.memory_space<hbm>>
      %dma_wait3A_91 = tpu.memref_slice %arg3[%add3A_89] : memref<320000xi32, #tpu.memory_space<hbm>> -> memref<64xi32, #tpu.memory_space<hbm>>
      tpu.wait_dma2 semaphore(%arg28 : memref<!tpu.dma_semaphore, #tpu.memory_space<semaphore_mem>>) src(%dma_wait3A_91 : memref<64xi32, #tpu.memory_space<hbm>>) dst(%arg7 : memref<64xi32, #tpu.memory_space<vmem>>)
      %mul3A_92 = arith.constant 64 : i32
      %mul3A_93 = arith.muli %add3A_86, %mul3A_92 : i32
      %add3A_94 = arith.addi %mul3A_6, %mul3A_93 : i32
      %dma_wait3A_95 = tpu.memref_slice %arg4[%add3A_94] : memref<320000xi32, #tpu.memory_space<hbm>> -> memref<64xi32, #tpu.memory_space<hbm>>
      %dma_wait3A_96 = tpu.memref_slice %arg4[%add3A_94] : memref<320000xi32, #tpu.memory_space<hbm>> -> memref<64xi32, #tpu.memory_space<hbm>>
      tpu.wait_dma2 semaphore(%arg34 : memref<!tpu.dma_semaphore, #tpu.memory_space<semaphore_mem>>) src(%dma_wait3A_96 : memref<64xi32, #tpu.memory_space<hbm>>) dst(%arg13 : memref<64xi32, #tpu.memory_space<vmem>>)
      %dma_start3A_97 = arith.constant 0 : i32
      %dma_start3A_98 = arith.constant 0 : i32
      %dma_start3A_99 = tpu.memref_slice %arg2[%dma_start3A_97, %dma_start3A_98] : memref<10000x128xf32, #tpu.memory_space<hbm>> -> memref<10000x128xf32, #tpu.memory_space<hbm>>
      tpu.enqueue_indirect_dma source(%dma_start3A_99 : memref<10000x128xf32, #tpu.memory_space<hbm>>) target(%arg19 : memref<64x128xf32, #tpu.memory_space<vmem>>) offsets(%arg7 : memref<64xi32, #tpu.memory_space<vmem>>) semaphore(%arg40 : memref<!tpu.dma_semaphore, #tpu.memory_space<semaphore_mem>>)
      %add3A_100 = arith.constant 2 : i32
      %add3A_101 = arith.addi %add3A_70, %add3A_100 : i32
      %mul3A_102 = arith.constant 64 : i32
      %mul3A_103 = arith.muli %add3A_101, %mul3A_102 : i32
      %add3A_104 = arith.addi %mul3A_6, %mul3A_103 : i32
      %dma_wait3A_105 = tpu.memref_slice %arg3[%add3A_104] : memref<320000xi32, #tpu.memory_space<hbm>> -> memref<64xi32, #tpu.memory_space<hbm>>
      %dma_wait3A_106 = tpu.memref_slice %arg3[%add3A_104] : memref<320000xi32, #tpu.memory_space<hbm>> -> memref<64xi32, #tpu.memory_space<hbm>>
      tpu.wait_dma2 semaphore(%arg29 : memref<!tpu.dma_semaphore, #tpu.memory_space<semaphore_mem>>) src(%dma_wait3A_106 : memref<64xi32, #tpu.memory_space<hbm>>) dst(%arg8 : memref<64xi32, #tpu.memory_space<vmem>>)
      %mul3A_107 = arith.constant 64 : i32
      %mul3A_108 = arith.muli %add3A_101, %mul3A_107 : i32
      %add3A_109 = arith.addi %mul3A_6, %mul3A_108 : i32
      %dma_wait3A_110 = tpu.memref_slice %arg4[%add3A_109] : memref<320000xi32, #tpu.memory_space<hbm>> -> memref<64xi32, #tpu.memory_space<hbm>>
      %dma_wait3A_111 = tpu.memref_slice %arg4[%add3A_109] : memref<320000xi32, #tpu.memory_space<hbm>> -> memref<64xi32, #tpu.memory_space<hbm>>
      tpu.wait_dma2 semaphore(%arg35 : memref<!tpu.dma_semaphore, #tpu.memory_space<semaphore_mem>>) src(%dma_wait3A_111 : memref<64xi32, #tpu.memory_space<hbm>>) dst(%arg14 : memref<64xi32, #tpu.memory_space<vmem>>)
      %dma_start3A_112 = arith.constant 0 : i32
      %dma_start3A_113 = arith.constant 0 : i32
      %dma_start3A_114 = tpu.memref_slice %arg2[%dma_start3A_112, %dma_start3A_113] : memref<10000x128xf32, #tpu.memory_space<hbm>> -> memref<10000x128xf32, #tpu.memory_space<hbm>>
      tpu.enqueue_indirect_dma source(%dma_start3A_114 : memref<10000x128xf32, #tpu.memory_space<hbm>>) target(%arg20 : memref<64x128xf32, #tpu.memory_space<vmem>>) offsets(%arg8 : memref<64xi32, #tpu.memory_space<vmem>>) semaphore(%arg41 : memref<!tpu.dma_semaphore, #tpu.memory_space<semaphore_mem>>)
      %add3A_115 = arith.constant 3 : i32
      %add3A_116 = arith.addi %add3A_70, %add3A_115 : i32
      %mul3A_117 = arith.constant 64 : i32
      %mul3A_118 = arith.muli %add3A_116, %mul3A_117 : i32
      %add3A_119 = arith.addi %mul3A_6, %mul3A_118 : i32
      %dma_wait3A_120 = tpu.memref_slice %arg3[%add3A_119] : memref<320000xi32, #tpu.memory_space<hbm>> -> memref<64xi32, #tpu.memory_space<hbm>>
      %dma_wait3A_121 = tpu.memref_slice %arg3[%add3A_119] : memref<320000xi32, #tpu.memory_space<hbm>> -> memref<64xi32, #tpu.memory_space<hbm>>
      tpu.wait_dma2 semaphore(%arg30 : memref<!tpu.dma_semaphore, #tpu.memory_space<semaphore_mem>>) src(%dma_wait3A_121 : memref<64xi32, #tpu.memory_space<hbm>>) dst(%arg9 : memref<64xi32, #tpu.memory_space<vmem>>)
      %mul3A_122 = arith.constant 64 : i32
      %mul3A_123 = arith.muli %add3A_116, %mul3A_122 : i32
      %add3A_124 = arith.addi %mul3A_6, %mul3A_123 : i32
      %dma_wait3A_125 = tpu.memref_slice %arg4[%add3A_124] : memref<320000xi32, #tpu.memory_space<hbm>> -> memref<64xi32, #tpu.memory_space<hbm>>
      %dma_wait3A_126 = tpu.memref_slice %arg4[%add3A_124] : memref<320000xi32, #tpu.memory_space<hbm>> -> memref<64xi32, #tpu.memory_space<hbm>>
      tpu.wait_dma2 semaphore(%arg36 : memref<!tpu.dma_semaphore, #tpu.memory_space<semaphore_mem>>) src(%dma_wait3A_126 : memref<64xi32, #tpu.memory_space<hbm>>) dst(%arg15 : memref<64xi32, #tpu.memory_space<vmem>>)
      %dma_start3A_127 = arith.constant 0 : i32
      %dma_start3A_128 = arith.constant 0 : i32
      %dma_start3A_129 = tpu.memref_slice %arg2[%dma_start3A_127, %dma_start3A_128] : memref<10000x128xf32, #tpu.memory_space<hbm>> -> memref<10000x128xf32, #tpu.memory_space<hbm>>
      tpu.enqueue_indirect_dma source(%dma_start3A_129 : memref<10000x128xf32, #tpu.memory_space<hbm>>) target(%arg21 : memref<64x128xf32, #tpu.memory_space<vmem>>) offsets(%arg9 : memref<64xi32, #tpu.memory_space<vmem>>) semaphore(%arg42 : memref<!tpu.dma_semaphore, #tpu.memory_space<semaphore_mem>>)
      %add3A_130 = arith.constant 4 : i32
      %add3A_131 = arith.addi %add3A_70, %add3A_130 : i32
      %mul3A_132 = arith.constant 64 : i32
      %mul3A_133 = arith.muli %add3A_131, %mul3A_132 : i32
      %add3A_134 = arith.addi %mul3A_6, %mul3A_133 : i32
      %dma_wait3A_135 = tpu.memref_slice %arg3[%add3A_134] : memref<320000xi32, #tpu.memory_space<hbm>> -> memref<64xi32, #tpu.memory_space<hbm>>
      %dma_wait3A_136 = tpu.memref_slice %arg3[%add3A_134] : memref<320000xi32, #tpu.memory_space<hbm>> -> memref<64xi32, #tpu.memory_space<hbm>>
      tpu.wait_dma2 semaphore(%arg31 : memref<!tpu.dma_semaphore, #tpu.memory_space<semaphore_mem>>) src(%dma_wait3A_136 : memref<64xi32, #tpu.memory_space<hbm>>) dst(%arg10 : memref<64xi32, #tpu.memory_space<vmem>>)
      %mul3A_137 = arith.constant 64 : i32
      %mul3A_138 = arith.muli %add3A_131, %mul3A_137 : i32
      %add3A_139 = arith.addi %mul3A_6, %mul3A_138 : i32
      %dma_wait3A_140 = tpu.memref_slice %arg4[%add3A_139] : memref<320000xi32, #tpu.memory_space<hbm>> -> memref<64xi32, #tpu.memory_space<hbm>>
      %dma_wait3A_141 = tpu.memref_slice %arg4[%add3A_139] : memref<320000xi32, #tpu.memory_space<hbm>> -> memref<64xi32, #tpu.memory_space<hbm>>
      tpu.wait_dma2 semaphore(%arg37 : memref<!tpu.dma_semaphore, #tpu.memory_space<semaphore_mem>>) src(%dma_wait3A_141 : memref<64xi32, #tpu.memory_space<hbm>>) dst(%arg16 : memref<64xi32, #tpu.memory_space<vmem>>)
      %dma_start3A_142 = arith.constant 0 : i32
      %dma_start3A_143 = arith.constant 0 : i32
      %dma_start3A_144 = tpu.memref_slice %arg2[%dma_start3A_142, %dma_start3A_143] : memref<10000x128xf32, #tpu.memory_space<hbm>> -> memref<10000x128xf32, #tpu.memory_space<hbm>>
      tpu.enqueue_indirect_dma source(%dma_start3A_144 : memref<10000x128xf32, #tpu.memory_space<hbm>>) target(%arg22 : memref<64x128xf32, #tpu.memory_space<vmem>>) offsets(%arg10 : memref<64xi32, #tpu.memory_space<vmem>>) semaphore(%arg43 : memref<!tpu.dma_semaphore, #tpu.memory_space<semaphore_mem>>)
      %add3A_145 = arith.constant 5 : i32
      %add3A_146 = arith.addi %add3A_70, %add3A_145 : i32
      %mul3A_147 = arith.constant 64 : i32
      %mul3A_148 = arith.muli %add3A_146, %mul3A_147 : i32
      %add3A_149 = arith.addi %mul3A_6, %mul3A_148 : i32
      %dma_wait3A_150 = tpu.memref_slice %arg3[%add3A_149] : memref<320000xi32, #tpu.memory_space<hbm>> -> memref<64xi32, #tpu.memory_space<hbm>>
      %dma_wait3A_151 = tpu.memref_slice %arg3[%add3A_149] : memref<320000xi32, #tpu.memory_space<hbm>> -> memref<64xi32, #tpu.memory_space<hbm>>
      tpu.wait_dma2 semaphore(%arg32 : memref<!tpu.dma_semaphore, #tpu.memory_space<semaphore_mem>>) src(%dma_wait3A_151 : memref<64xi32, #tpu.memory_space<hbm>>) dst(%arg11 : memref<64xi32, #tpu.memory_space<vmem>>)
      %mul3A_152 = arith.constant 64 : i32
      %mul3A_153 = arith.muli %add3A_146, %mul3A_152 : i32
      %add3A_154 = arith.addi %mul3A_6, %mul3A_153 : i32
      %dma_wait3A_155 = tpu.memref_slice %arg4[%add3A_154] : memref<320000xi32, #tpu.memory_space<hbm>> -> memref<64xi32, #tpu.memory_space<hbm>>
      %dma_wait3A_156 = tpu.memref_slice %arg4[%add3A_154] : memref<320000xi32, #tpu.memory_space<hbm>> -> memref<64xi32, #tpu.memory_space<hbm>>
      tpu.wait_dma2 semaphore(%arg38 : memref<!tpu.dma_semaphore, #tpu.memory_space<semaphore_mem>>) src(%dma_wait3A_156 : memref<64xi32, #tpu.memory_space<hbm>>) dst(%arg17 : memref<64xi32, #tpu.memory_space<vmem>>)
      %dma_start3A_157 = arith.constant 0 : i32
      %dma_start3A_158 = arith.constant 0 : i32
      %dma_start3A_159 = tpu.memref_slice %arg2[%dma_start3A_157, %dma_start3A_158] : memref<10000x128xf32, #tpu.memory_space<hbm>> -> memref<10000x128xf32, #tpu.memory_space<hbm>>
      tpu.enqueue_indirect_dma source(%dma_start3A_159 : memref<10000x128xf32, #tpu.memory_space<hbm>>) target(%arg23 : memref<64x128xf32, #tpu.memory_space<vmem>>) offsets(%arg11 : memref<64xi32, #tpu.memory_space<vmem>>) semaphore(%arg44 : memref<!tpu.dma_semaphore, #tpu.memory_space<semaphore_mem>>)
      %dma_wait3A_160 = arith.constant 0 : i32
      %dma_wait3A_161 = arith.constant 0 : i32
      %dma_wait3A_162 = tpu.memref_slice %arg2[%dma_wait3A_160, %dma_wait3A_161] : memref<10000x128xf32, #tpu.memory_space<hbm>> -> memref<10000x128xf32, #tpu.memory_space<hbm>>
      tpu.wait_indirect_dma semaphore(%arg39 : memref<!tpu.dma_semaphore, #tpu.memory_space<semaphore_mem>>) src(%dma_wait3A_162 : memref<10000x128xf32, #tpu.memory_space<hbm>>) dst(%arg18 : memref<64x128xf32, #tpu.memory_space<vmem>>)
      %dma_start3A_163 = arith.constant 0 : i32
      %dma_start3A_164 = arith.constant 0 : i32
      %dma_start3A_165 = tpu.memref_slice %arg26[%dma_start3A_163, %dma_start3A_164] : memref<10000x128xf32, #tpu.memory_space<vmem_shared>> -> memref<10000x128xf32, #tpu.memory_space<vmem_shared>>
      tpu.enqueue_indirect_dma source(%arg18 : memref<64x128xf32, #tpu.memory_space<vmem>>) target(%dma_start3A_165 : memref<10000x128xf32, #tpu.memory_space<vmem_shared>>) offsets(%arg12 : memref<64xi32, #tpu.memory_space<vmem>>) semaphore(%arg45 : memref<!tpu.dma_semaphore, #tpu.memory_space<semaphore_mem>>) {add = true}
      %dma_wait3A_166 = arith.constant 0 : i32
      %dma_wait3A_167 = arith.constant 0 : i32
      %dma_wait3A_168 = tpu.memref_slice %arg2[%dma_wait3A_166, %dma_wait3A_167] : memref<10000x128xf32, #tpu.memory_space<hbm>> -> memref<10000x128xf32, #tpu.memory_space<hbm>>
      tpu.wait_indirect_dma semaphore(%arg40 : memref<!tpu.dma_semaphore, #tpu.memory_space<semaphore_mem>>) src(%dma_wait3A_168 : memref<10000x128xf32, #tpu.memory_space<hbm>>) dst(%arg19 : memref<64x128xf32, #tpu.memory_space<vmem>>)
      %dma_start3A_169 = arith.constant 0 : i32
      %dma_start3A_170 = arith.constant 0 : i32
      %dma_start3A_171 = tpu.memref_slice %arg26[%dma_start3A_169, %dma_start3A_170] : memref<10000x128xf32, #tpu.memory_space<vmem_shared>> -> memref<10000x128xf32, #tpu.memory_space<vmem_shared>>
      tpu.enqueue_indirect_dma source(%arg19 : memref<64x128xf32, #tpu.memory_space<vmem>>) target(%dma_start3A_171 : memref<10000x128xf32, #tpu.memory_space<vmem_shared>>) offsets(%arg13 : memref<64xi32, #tpu.memory_space<vmem>>) semaphore(%arg46 : memref<!tpu.dma_semaphore, #tpu.memory_space<semaphore_mem>>) {add = true}
      %dma_wait3A_172 = arith.constant 0 : i32
      %dma_wait3A_173 = arith.constant 0 : i32
      %dma_wait3A_174 = tpu.memref_slice %arg2[%dma_wait3A_172, %dma_wait3A_173] : memref<10000x128xf32, #tpu.memory_space<hbm>> -> memref<10000x128xf32, #tpu.memory_space<hbm>>
      tpu.wait_indirect_dma semaphore(%arg41 : memref<!tpu.dma_semaphore, #tpu.memory_space<semaphore_mem>>) src(%dma_wait3A_174 : memref<10000x128xf32, #tpu.memory_space<hbm>>) dst(%arg20 : memref<64x128xf32, #tpu.memory_space<vmem>>)
      %dma_start3A_175 = arith.constant 0 : i32
      %dma_start3A_176 = arith.constant 0 : i32
      %dma_start3A_177 = tpu.memref_slice %arg26[%dma_start3A_175, %dma_start3A_176] : memref<10000x128xf32, #tpu.memory_space<vmem_shared>> -> memref<10000x128xf32, #tpu.memory_space<vmem_shared>>
      tpu.enqueue_indirect_dma source(%arg20 : memref<64x128xf32, #tpu.memory_space<vmem>>) target(%dma_start3A_177 : memref<10000x128xf32, #tpu.memory_space<vmem_shared>>) offsets(%arg14 : memref<64xi32, #tpu.memory_space<vmem>>) semaphore(%arg47 : memref<!tpu.dma_semaphore, #tpu.memory_space<semaphore_mem>>) {add = true}
      %dma_wait3A_178 = arith.constant 0 : i32
      %dma_wait3A_179 = arith.constant 0 : i32
      %dma_wait3A_180 = tpu.memref_slice %arg2[%dma_wait3A_178, %dma_wait3A_179] : memref<10000x128xf32, #tpu.memory_space<hbm>> -> memref<10000x128xf32, #tpu.memory_space<hbm>>
      tpu.wait_indirect_dma semaphore(%arg42 : memref<!tpu.dma_semaphore, #tpu.memory_space<semaphore_mem>>) src(%dma_wait3A_180 : memref<10000x128xf32, #tpu.memory_space<hbm>>) dst(%arg21 : memref<64x128xf32, #tpu.memory_space<vmem>>)
      %dma_start3A_181 = arith.constant 0 : i32
      %dma_start3A_182 = arith.constant 0 : i32
      %dma_start3A_183 = tpu.memref_slice %arg26[%dma_start3A_181, %dma_start3A_182] : memref<10000x128xf32, #tpu.memory_space<vmem_shared>> -> memref<10000x128xf32, #tpu.memory_space<vmem_shared>>
      tpu.enqueue_indirect_dma source(%arg21 : memref<64x128xf32, #tpu.memory_space<vmem>>) target(%dma_start3A_183 : memref<10000x128xf32, #tpu.memory_space<vmem_shared>>) offsets(%arg15 : memref<64xi32, #tpu.memory_space<vmem>>) semaphore(%arg48 : memref<!tpu.dma_semaphore, #tpu.memory_space<semaphore_mem>>) {add = true}
      %dma_wait3A_184 = arith.constant 0 : i32
      %dma_wait3A_185 = arith.constant 0 : i32
      %dma_wait3A_186 = tpu.memref_slice %arg2[%dma_wait3A_184, %dma_wait3A_185] : memref<10000x128xf32, #tpu.memory_space<hbm>> -> memref<10000x128xf32, #tpu.memory_space<hbm>>
      tpu.wait_indirect_dma semaphore(%arg43 : memref<!tpu.dma_semaphore, #tpu.memory_space<semaphore_mem>>) src(%dma_wait3A_186 : memref<10000x128xf32, #tpu.memory_space<hbm>>) dst(%arg22 : memref<64x128xf32, #tpu.memory_space<vmem>>)
      %dma_start3A_187 = arith.constant 0 : i32
      %dma_start3A_188 = arith.constant 0 : i32
      %dma_start3A_189 = tpu.memref_slice %arg26[%dma_start3A_187, %dma_start3A_188] : memref<10000x128xf32, #tpu.memory_space<vmem_shared>> -> memref<10000x128xf32, #tpu.memory_space<vmem_shared>>
      tpu.enqueue_indirect_dma source(%arg22 : memref<64x128xf32, #tpu.memory_space<vmem>>) target(%dma_start3A_189 : memref<10000x128xf32, #tpu.memory_space<vmem_shared>>) offsets(%arg16 : memref<64xi32, #tpu.memory_space<vmem>>) semaphore(%arg49 : memref<!tpu.dma_semaphore, #tpu.memory_space<semaphore_mem>>) {add = true}
      %dma_wait3A_190 = arith.constant 0 : i32
      %dma_wait3A_191 = arith.constant 0 : i32
      %dma_wait3A_192 = tpu.memref_slice %arg2[%dma_wait3A_190, %dma_wait3A_191] : memref<10000x128xf32, #tpu.memory_space<hbm>> -> memref<10000x128xf32, #tpu.memory_space<hbm>>
      tpu.wait_indirect_dma semaphore(%arg44 : memref<!tpu.dma_semaphore, #tpu.memory_space<semaphore_mem>>) src(%dma_wait3A_192 : memref<10000x128xf32, #tpu.memory_space<hbm>>) dst(%arg23 : memref<64x128xf32, #tpu.memory_space<vmem>>)
      %dma_start3A_193 = arith.constant 0 : i32
      %dma_start3A_194 = arith.constant 0 : i32
      %dma_start3A_195 = tpu.memref_slice %arg26[%dma_start3A_193, %dma_start3A_194] : memref<10000x128xf32, #tpu.memory_space<vmem_shared>> -> memref<10000x128xf32, #tpu.memory_space<vmem_shared>>
      tpu.enqueue_indirect_dma source(%arg23 : memref<64x128xf32, #tpu.memory_space<vmem>>) target(%dma_start3A_195 : memref<10000x128xf32, #tpu.memory_space<vmem_shared>>) offsets(%arg17 : memref<64xi32, #tpu.memory_space<vmem>>) semaphore(%arg50 : memref<!tpu.dma_semaphore, #tpu.memory_space<semaphore_mem>>) {add = true}
      %dma_wait3A_196 = arith.constant 0 : i32
      %dma_wait3A_197 = arith.constant 0 : i32
      %dma_wait3A_198 = tpu.memref_slice %arg26[%dma_wait3A_196, %dma_wait3A_197] : memref<10000x128xf32, #tpu.memory_space<vmem_shared>> -> memref<10000x128xf32, #tpu.memory_space<vmem_shared>>
      tpu.wait_indirect_dma semaphore(%arg45 : memref<!tpu.dma_semaphore, #tpu.memory_space<semaphore_mem>>) src(%arg18 : memref<64x128xf32, #tpu.memory_space<vmem>>) dst(%dma_wait3A_198 : memref<10000x128xf32, #tpu.memory_space<vmem_shared>>)
      %add3A_199 = arith.constant 0 : i32
      %add3A_200 = arith.addi %add3A_70, %add3A_199 : i32
      %add3A_201 = arith.constant 6 : i32
      %add3A_202 = arith.addi %add3A_200, %add3A_201 : i32
      %lt3A = arith.constant 156 : i32
      %lt3A_203 = arith.cmpi slt, %add3A_202, %lt3A : i32
      %add3A_204 = arith.constant 0 : i32
      %add3A_205 = arith.addi %add3A_70, %add3A_204 : i32
      %add3A_206 = arith.constant 6 : i32
      %add3A_207 = arith.addi %add3A_205, %add3A_206 : i32
      %convert_element_type3A_208 = arith.extui %lt3A_203 : i1 to i32
      %cond3A_209 = arith.constant 0 : i32
      %cond3A_210 = arith.cmpi ne, %convert_element_type3A_208, %cond3A_209 : i32
      scf.if %cond3A_210 {
        %mul3A_291 = arith.constant 64 : i32
        %mul3A_292 = arith.muli %add3A_207, %mul3A_291 : i32
        %add3A_293 = arith.addi %mul3A_6, %mul3A_292 : i32
        %dma_start3A_294 = tpu.memref_slice %arg3[%add3A_293] : memref<320000xi32, #tpu.memory_space<hbm>> -> memref<64xi32, #tpu.memory_space<hbm>>
        %dma_start3A_295 = tpu.memref_slice %arg3[%add3A_293] : memref<320000xi32, #tpu.memory_space<hbm>> -> memref<64xi32, #tpu.memory_space<hbm>>
        tpu.enqueue_dma source(%dma_start3A_295 : memref<64xi32, #tpu.memory_space<hbm>>) target(%arg6 : memref<64xi32, #tpu.memory_space<vmem>>) target_semaphore(%arg27 : memref<!tpu.dma_semaphore, #tpu.memory_space<semaphore_mem>>)
        %mul3A_296 = arith.constant 64 : i32
        %mul3A_297 = arith.muli %add3A_207, %mul3A_296 : i32
        %add3A_298 = arith.addi %mul3A_6, %mul3A_297 : i32
        %dma_start3A_299 = tpu.memref_slice %arg4[%add3A_298] : memref<320000xi32, #tpu.memory_space<hbm>> -> memref<64xi32, #tpu.memory_space<hbm>>
        %dma_start3A_300 = tpu.memref_slice %arg4[%add3A_298] : memref<320000xi32, #tpu.memory_space<hbm>> -> memref<64xi32, #tpu.memory_space<hbm>>
        tpu.enqueue_dma source(%dma_start3A_300 : memref<64xi32, #tpu.memory_space<hbm>>) target(%arg12 : memref<64xi32, #tpu.memory_space<vmem>>) target_semaphore(%arg33 : memref<!tpu.dma_semaphore, #tpu.memory_space<semaphore_mem>>)
      } else {
      }
      %dma_wait3A_211 = arith.constant 0 : i32
      %dma_wait3A_212 = arith.constant 0 : i32
      %dma_wait3A_213 = tpu.memref_slice %arg26[%dma_wait3A_211, %dma_wait3A_212] : memref<10000x128xf32, #tpu.memory_space<vmem_shared>> -> memref<10000x128xf32, #tpu.memory_space<vmem_shared>>
      tpu.wait_indirect_dma semaphore(%arg46 : memref<!tpu.dma_semaphore, #tpu.memory_space<semaphore_mem>>) src(%arg19 : memref<64x128xf32, #tpu.memory_space<vmem>>) dst(%dma_wait3A_213 : memref<10000x128xf32, #tpu.memory_space<vmem_shared>>)
      %add3A_214 = arith.constant 1 : i32
      %add3A_215 = arith.addi %add3A_70, %add3A_214 : i32
      %add3A_216 = arith.constant 6 : i32
      %add3A_217 = arith.addi %add3A_215, %add3A_216 : i32
      %lt3A_218 = arith.constant 156 : i32
      %lt3A_219 = arith.cmpi slt, %add3A_217, %lt3A_218 : i32
      %add3A_220 = arith.constant 1 : i32
      %add3A_221 = arith.addi %add3A_70, %add3A_220 : i32
      %add3A_222 = arith.constant 6 : i32
      %add3A_223 = arith.addi %add3A_221, %add3A_222 : i32
      %convert_element_type3A_224 = arith.extui %lt3A_219 : i1 to i32
      %cond3A_225 = arith.constant 0 : i32
      %cond3A_226 = arith.cmpi ne, %convert_element_type3A_224, %cond3A_225 : i32
      scf.if %cond3A_226 {
        %mul3A_291 = arith.constant 64 : i32
        %mul3A_292 = arith.muli %add3A_223, %mul3A_291 : i32
        %add3A_293 = arith.addi %mul3A_6, %mul3A_292 : i32
        %dma_start3A_294 = tpu.memref_slice %arg3[%add3A_293] : memref<320000xi32, #tpu.memory_space<hbm>> -> memref<64xi32, #tpu.memory_space<hbm>>
        %dma_start3A_295 = tpu.memref_slice %arg3[%add3A_293] : memref<320000xi32, #tpu.memory_space<hbm>> -> memref<64xi32, #tpu.memory_space<hbm>>
        tpu.enqueue_dma source(%dma_start3A_295 : memref<64xi32, #tpu.memory_space<hbm>>) target(%arg7 : memref<64xi32, #tpu.memory_space<vmem>>) target_semaphore(%arg28 : memref<!tpu.dma_semaphore, #tpu.memory_space<semaphore_mem>>)
        %mul3A_296 = arith.constant 64 : i32
        %mul3A_297 = arith.muli %add3A_223, %mul3A_296 : i32
        %add3A_298 = arith.addi %mul3A_6, %mul3A_297 : i32
        %dma_start3A_299 = tpu.memref_slice %arg4[%add3A_298] : memref<320000xi32, #tpu.memory_space<hbm>> -> memref<64xi32, #tpu.memory_space<hbm>>
        %dma_start3A_300 = tpu.memref_slice %arg4[%add3A_298] : memref<320000xi32, #tpu.memory_space<hbm>> -> memref<64xi32, #tpu.memory_space<hbm>>
        tpu.enqueue_dma source(%dma_start3A_300 : memref<64xi32, #tpu.memory_space<hbm>>) target(%arg13 : memref<64xi32, #tpu.memory_space<vmem>>) target_semaphore(%arg34 : memref<!tpu.dma_semaphore, #tpu.memory_space<semaphore_mem>>)
      } else {
      }
      %dma_wait3A_227 = arith.constant 0 : i32
      %dma_wait3A_228 = arith.constant 0 : i32
      %dma_wait3A_229 = tpu.memref_slice %arg26[%dma_wait3A_227, %dma_wait3A_228] : memref<10000x128xf32, #tpu.memory_space<vmem_shared>> -> memref<10000x128xf32, #tpu.memory_space<vmem_shared>>
      tpu.wait_indirect_dma semaphore(%arg47 : memref<!tpu.dma_semaphore, #tpu.memory_space<semaphore_mem>>) src(%arg20 : memref<64x128xf32, #tpu.memory_space<vmem>>) dst(%dma_wait3A_229 : memref<10000x128xf32, #tpu.memory_space<vmem_shared>>)
      %add3A_230 = arith.constant 2 : i32
      %add3A_231 = arith.addi %add3A_70, %add3A_230 : i32
      %add3A_232 = arith.constant 6 : i32
      %add3A_233 = arith.addi %add3A_231, %add3A_232 : i32
      %lt3A_234 = arith.constant 156 : i32
      %lt3A_235 = arith.cmpi slt, %add3A_233, %lt3A_234 : i32
      %add3A_236 = arith.constant 2 : i32
      %add3A_237 = arith.addi %add3A_70, %add3A_236 : i32
      %add3A_238 = arith.constant 6 : i32
      %add3A_239 = arith.addi %add3A_237, %add3A_238 : i32
      %convert_element_type3A_240 = arith.extui %lt3A_235 : i1 to i32
      %cond3A_241 = arith.constant 0 : i32
      %cond3A_242 = arith.cmpi ne, %convert_element_type3A_240, %cond3A_241 : i32
      scf.if %cond3A_242 {
        %mul3A_291 = arith.constant 64 : i32
        %mul3A_292 = arith.muli %add3A_239, %mul3A_291 : i32
        %add3A_293 = arith.addi %mul3A_6, %mul3A_292 : i32
        %dma_start3A_294 = tpu.memref_slice %arg3[%add3A_293] : memref<320000xi32, #tpu.memory_space<hbm>> -> memref<64xi32, #tpu.memory_space<hbm>>
        %dma_start3A_295 = tpu.memref_slice %arg3[%add3A_293] : memref<320000xi32, #tpu.memory_space<hbm>> -> memref<64xi32, #tpu.memory_space<hbm>>
        tpu.enqueue_dma source(%dma_start3A_295 : memref<64xi32, #tpu.memory_space<hbm>>) target(%arg8 : memref<64xi32, #tpu.memory_space<vmem>>) target_semaphore(%arg29 : memref<!tpu.dma_semaphore, #tpu.memory_space<semaphore_mem>>)
        %mul3A_296 = arith.constant 64 : i32
        %mul3A_297 = arith.muli %add3A_239, %mul3A_296 : i32
        %add3A_298 = arith.addi %mul3A_6, %mul3A_297 : i32
        %dma_start3A_299 = tpu.memref_slice %arg4[%add3A_298] : memref<320000xi32, #tpu.memory_space<hbm>> -> memref<64xi32, #tpu.memory_space<hbm>>
        %dma_start3A_300 = tpu.memref_slice %arg4[%add3A_298] : memref<320000xi32, #tpu.memory_space<hbm>> -> memref<64xi32, #tpu.memory_space<hbm>>
        tpu.enqueue_dma source(%dma_start3A_300 : memref<64xi32, #tpu.memory_space<hbm>>) target(%arg14 : memref<64xi32, #tpu.memory_space<vmem>>) target_semaphore(%arg35 : memref<!tpu.dma_semaphore, #tpu.memory_space<semaphore_mem>>)
      } else {
      }
      %dma_wait3A_243 = arith.constant 0 : i32
      %dma_wait3A_244 = arith.constant 0 : i32
      %dma_wait3A_245 = tpu.memref_slice %arg26[%dma_wait3A_243, %dma_wait3A_244] : memref<10000x128xf32, #tpu.memory_space<vmem_shared>> -> memref<10000x128xf32, #tpu.memory_space<vmem_shared>>
      tpu.wait_indirect_dma semaphore(%arg48 : memref<!tpu.dma_semaphore, #tpu.memory_space<semaphore_mem>>) src(%arg21 : memref<64x128xf32, #tpu.memory_space<vmem>>) dst(%dma_wait3A_245 : memref<10000x128xf32, #tpu.memory_space<vmem_shared>>)
      %add3A_246 = arith.constant 3 : i32
      %add3A_247 = arith.addi %add3A_70, %add3A_246 : i32
      %add3A_248 = arith.constant 6 : i32
      %add3A_249 = arith.addi %add3A_247, %add3A_248 : i32
      %lt3A_250 = arith.constant 156 : i32
      %lt3A_251 = arith.cmpi slt, %add3A_249, %lt3A_250 : i32
      %add3A_252 = arith.constant 3 : i32
      %add3A_253 = arith.addi %add3A_70, %add3A_252 : i32
      %add3A_254 = arith.constant 6 : i32
      %add3A_255 = arith.addi %add3A_253, %add3A_254 : i32
      %convert_element_type3A_256 = arith.extui %lt3A_251 : i1 to i32
      %cond3A_257 = arith.constant 0 : i32
      %cond3A_258 = arith.cmpi ne, %convert_element_type3A_256, %cond3A_257 : i32
      scf.if %cond3A_258 {
        %mul3A_291 = arith.constant 64 : i32
        %mul3A_292 = arith.muli %add3A_255, %mul3A_291 : i32
        %add3A_293 = arith.addi %mul3A_6, %mul3A_292 : i32
        %dma_start3A_294 = tpu.memref_slice %arg3[%add3A_293] : memref<320000xi32, #tpu.memory_space<hbm>> -> memref<64xi32, #tpu.memory_space<hbm>>
        %dma_start3A_295 = tpu.memref_slice %arg3[%add3A_293] : memref<320000xi32, #tpu.memory_space<hbm>> -> memref<64xi32, #tpu.memory_space<hbm>>
        tpu.enqueue_dma source(%dma_start3A_295 : memref<64xi32, #tpu.memory_space<hbm>>) target(%arg9 : memref<64xi32, #tpu.memory_space<vmem>>) target_semaphore(%arg30 : memref<!tpu.dma_semaphore, #tpu.memory_space<semaphore_mem>>)
        %mul3A_296 = arith.constant 64 : i32
        %mul3A_297 = arith.muli %add3A_255, %mul3A_296 : i32
        %add3A_298 = arith.addi %mul3A_6, %mul3A_297 : i32
        %dma_start3A_299 = tpu.memref_slice %arg4[%add3A_298] : memref<320000xi32, #tpu.memory_space<hbm>> -> memref<64xi32, #tpu.memory_space<hbm>>
        %dma_start3A_300 = tpu.memref_slice %arg4[%add3A_298] : memref<320000xi32, #tpu.memory_space<hbm>> -> memref<64xi32, #tpu.memory_space<hbm>>
        tpu.enqueue_dma source(%dma_start3A_300 : memref<64xi32, #tpu.memory_space<hbm>>) target(%arg15 : memref<64xi32, #tpu.memory_space<vmem>>) target_semaphore(%arg36 : memref<!tpu.dma_semaphore, #tpu.memory_space<semaphore_mem>>)
      } else {
      }
      %dma_wait3A_259 = arith.constant 0 : i32
      %dma_wait3A_260 = arith.constant 0 : i32
      %dma_wait3A_261 = tpu.memref_slice %arg26[%dma_wait3A_259, %dma_wait3A_260] : memref<10000x128xf32, #tpu.memory_space<vmem_shared>> -> memref<10000x128xf32, #tpu.memory_space<vmem_shared>>
      tpu.wait_indirect_dma semaphore(%arg49 : memref<!tpu.dma_semaphore, #tpu.memory_space<semaphore_mem>>) src(%arg22 : memref<64x128xf32, #tpu.memory_space<vmem>>) dst(%dma_wait3A_261 : memref<10000x128xf32, #tpu.memory_space<vmem_shared>>)
      %add3A_262 = arith.constant 4 : i32
      %add3A_263 = arith.addi %add3A_70, %add3A_262 : i32
      %add3A_264 = arith.constant 6 : i32
      %add3A_265 = arith.addi %add3A_263, %add3A_264 : i32
      %lt3A_266 = arith.constant 156 : i32
      %lt3A_267 = arith.cmpi slt, %add3A_265, %lt3A_266 : i32
      %add3A_268 = arith.constant 4 : i32
      %add3A_269 = arith.addi %add3A_70, %add3A_268 : i32
      %add3A_270 = arith.constant 6 : i32
      %add3A_271 = arith.addi %add3A_269, %add3A_270 : i32
      %convert_element_type3A_272 = arith.extui %lt3A_267 : i1 to i32
      %cond3A_273 = arith.constant 0 : i32
      %cond3A_274 = arith.cmpi ne, %convert_element_type3A_272, %cond3A_273 : i32
      scf.if %cond3A_274 {
        %mul3A_291 = arith.constant 64 : i32
        %mul3A_292 = arith.muli %add3A_271, %mul3A_291 : i32
        %add3A_293 = arith.addi %mul3A_6, %mul3A_292 : i32
        %dma_start3A_294 = tpu.memref_slice %arg3[%add3A_293] : memref<320000xi32, #tpu.memory_space<hbm>> -> memref<64xi32, #tpu.memory_space<hbm>>
        %dma_start3A_295 = tpu.memref_slice %arg3[%add3A_293] : memref<320000xi32, #tpu.memory_space<hbm>> -> memref<64xi32, #tpu.memory_space<hbm>>
        tpu.enqueue_dma source(%dma_start3A_295 : memref<64xi32, #tpu.memory_space<hbm>>) target(%arg10 : memref<64xi32, #tpu.memory_space<vmem>>) target_semaphore(%arg31 : memref<!tpu.dma_semaphore, #tpu.memory_space<semaphore_mem>>)
        %mul3A_296 = arith.constant 64 : i32
        %mul3A_297 = arith.muli %add3A_271, %mul3A_296 : i32
        %add3A_298 = arith.addi %mul3A_6, %mul3A_297 : i32
        %dma_start3A_299 = tpu.memref_slice %arg4[%add3A_298] : memref<320000xi32, #tpu.memory_space<hbm>> -> memref<64xi32, #tpu.memory_space<hbm>>
        %dma_start3A_300 = tpu.memref_slice %arg4[%add3A_298] : memref<320000xi32, #tpu.memory_space<hbm>> -> memref<64xi32, #tpu.memory_space<hbm>>
        tpu.enqueue_dma source(%dma_start3A_300 : memref<64xi32, #tpu.memory_space<hbm>>) target(%arg16 : memref<64xi32, #tpu.memory_space<vmem>>) target_semaphore(%arg37 : memref<!tpu.dma_semaphore, #tpu.memory_space<semaphore_mem>>)
      } else {
      }
      %dma_wait3A_275 = arith.constant 0 : i32
      %dma_wait3A_276 = arith.constant 0 : i32
      %dma_wait3A_277 = tpu.memref_slice %arg26[%dma_wait3A_275, %dma_wait3A_276] : memref<10000x128xf32, #tpu.memory_space<vmem_shared>> -> memref<10000x128xf32, #tpu.memory_space<vmem_shared>>
      tpu.wait_indirect_dma semaphore(%arg50 : memref<!tpu.dma_semaphore, #tpu.memory_space<semaphore_mem>>) src(%arg23 : memref<64x128xf32, #tpu.memory_space<vmem>>) dst(%dma_wait3A_277 : memref<10000x128xf32, #tpu.memory_space<vmem_shared>>)
      %add3A_278 = arith.constant 5 : i32
      %add3A_279 = arith.addi %add3A_70, %add3A_278 : i32
      %add3A_280 = arith.constant 6 : i32
      %add3A_281 = arith.addi %add3A_279, %add3A_280 : i32
      %lt3A_282 = arith.constant 156 : i32
      %lt3A_283 = arith.cmpi slt, %add3A_281, %lt3A_282 : i32
      %add3A_284 = arith.constant 5 : i32
      %add3A_285 = arith.addi %add3A_70, %add3A_284 : i32
      %add3A_286 = arith.constant 6 : i32
      %add3A_287 = arith.addi %add3A_285, %add3A_286 : i32
      %convert_element_type3A_288 = arith.extui %lt3A_283 : i1 to i32
      %cond3A_289 = arith.constant 0 : i32
      %cond3A_290 = arith.cmpi ne, %convert_element_type3A_288, %cond3A_289 : i32
      scf.if %cond3A_290 {
        %mul3A_291 = arith.constant 64 : i32
        %mul3A_292 = arith.muli %add3A_287, %mul3A_291 : i32
        %add3A_293 = arith.addi %mul3A_6, %mul3A_292 : i32
        %dma_start3A_294 = tpu.memref_slice %arg3[%add3A_293] : memref<320000xi32, #tpu.memory_space<hbm>> -> memref<64xi32, #tpu.memory_space<hbm>>
        %dma_start3A_295 = tpu.memref_slice %arg3[%add3A_293] : memref<320000xi32, #tpu.memory_space<hbm>> -> memref<64xi32, #tpu.memory_space<hbm>>
        tpu.enqueue_dma source(%dma_start3A_295 : memref<64xi32, #tpu.memory_space<hbm>>) target(%arg11 : memref<64xi32, #tpu.memory_space<vmem>>) target_semaphore(%arg32 : memref<!tpu.dma_semaphore, #tpu.memory_space<semaphore_mem>>)
        %mul3A_296 = arith.constant 64 : i32
        %mul3A_297 = arith.muli %add3A_287, %mul3A_296 : i32
        %add3A_298 = arith.addi %mul3A_6, %mul3A_297 : i32
        %dma_start3A_299 = tpu.memref_slice %arg4[%add3A_298] : memref<320000xi32, #tpu.memory_space<hbm>> -> memref<64xi32, #tpu.memory_space<hbm>>
        %dma_start3A_300 = tpu.memref_slice %arg4[%add3A_298] : memref<320000xi32, #tpu.memory_space<hbm>> -> memref<64xi32, #tpu.memory_space<hbm>>
        tpu.enqueue_dma source(%dma_start3A_300 : memref<64xi32, #tpu.memory_space<hbm>>) target(%arg17 : memref<64xi32, #tpu.memory_space<vmem>>) target_semaphore(%arg38 : memref<!tpu.dma_semaphore, #tpu.memory_space<semaphore_mem>>)
      } else {
      }
    }
    %scan3A_57 = arith.constant 26 : i32
    %add3A_58 = arith.constant 9984 : i32
    %add3A_59 = arith.addi %mul3A_6, %add3A_58 : i32
    "tpu.region"() ({
      %run_scoped3A = tpu.sem_alloc : memref<!tpu.dma_semaphore, #tpu.memory_space<semaphore_mem>>
      %dma_start3A_66 = tpu.memref_slice %arg3[%add3A_59] : memref<320000xi32, #tpu.memory_space<hbm>> -> memref<16xi32, #tpu.memory_space<hbm>>
      %dma_start3A_67 = tpu.memref_slice %arg3[%add3A_59] : memref<320000xi32, #tpu.memory_space<hbm>> -> memref<16xi32, #tpu.memory_space<hbm>>
      tpu.enqueue_dma source(%dma_start3A_67 : memref<16xi32, #tpu.memory_space<hbm>>) target(%arg24 : memref<16xi32, #tpu.memory_space<vmem>>) target_semaphore(%run_scoped3A : memref<!tpu.dma_semaphore, #tpu.memory_space<semaphore_mem>>)
      %dma_wait3A = tpu.memref_slice %arg3[%add3A_59] : memref<320000xi32, #tpu.memory_space<hbm>> -> memref<16xi32, #tpu.memory_space<hbm>>
      %dma_wait3A_68 = tpu.memref_slice %arg3[%add3A_59] : memref<320000xi32, #tpu.memory_space<hbm>> -> memref<16xi32, #tpu.memory_space<hbm>>
      tpu.wait_dma2 semaphore(%run_scoped3A : memref<!tpu.dma_semaphore, #tpu.memory_space<semaphore_mem>>) src(%dma_wait3A_68 : memref<16xi32, #tpu.memory_space<hbm>>) dst(%arg24 : memref<16xi32, #tpu.memory_space<vmem>>)
      tpu.yield
    }) : () -> ()
    "tpu.region"() ({
      %run_scoped3A = tpu.sem_alloc : memref<!tpu.dma_semaphore, #tpu.memory_space<semaphore_mem>>
      %dma_start3A_66 = tpu.memref_slice %arg4[%add3A_59] : memref<320000xi32, #tpu.memory_space<hbm>> -> memref<16xi32, #tpu.memory_space<hbm>>
      %dma_start3A_67 = tpu.memref_slice %arg4[%add3A_59] : memref<320000xi32, #tpu.memory_space<hbm>> -> memref<16xi32, #tpu.memory_space<hbm>>
      tpu.enqueue_dma source(%dma_start3A_67 : memref<16xi32, #tpu.memory_space<hbm>>) target(%arg25 : memref<16xi32, #tpu.memory_space<vmem>>) target_semaphore(%run_scoped3A : memref<!tpu.dma_semaphore, #tpu.memory_space<semaphore_mem>>)
      %dma_wait3A = tpu.memref_slice %arg4[%add3A_59] : memref<320000xi32, #tpu.memory_space<hbm>> -> memref<16xi32, #tpu.memory_space<hbm>>
      %dma_wait3A_68 = tpu.memref_slice %arg4[%add3A_59] : memref<320000xi32, #tpu.memory_space<hbm>> -> memref<16xi32, #tpu.memory_space<hbm>>
      tpu.wait_dma2 semaphore(%run_scoped3A : memref<!tpu.dma_semaphore, #tpu.memory_space<semaphore_mem>>) src(%dma_wait3A_68 : memref<16xi32, #tpu.memory_space<hbm>>) dst(%arg25 : memref<16xi32, #tpu.memory_space<vmem>>)
      tpu.yield
    }) : () -> ()
    "tpu.region"() ({
      %run_scoped3A = tpu.sem_alloc : memref<!tpu.dma_semaphore, #tpu.memory_space<semaphore_mem>>
      %dma_start3A_66 = arith.constant 0 : i32
      %dma_start3A_67 = arith.constant 0 : i32
      %dma_start3A_68 = tpu.memref_slice %arg18[%dma_start3A_66, %dma_start3A_67] : memref<64x128xf32, #tpu.memory_space<vmem>> -> memref<16x128xf32, #tpu.memory_space<vmem>>
      %dma_start3A_69 = arith.constant 0 : i32
      %dma_start3A_70 = arith.constant 0 : i32
      %dma_start3A_71 = tpu.memref_slice %arg2[%dma_start3A_69, %dma_start3A_70] : memref<10000x128xf32, #tpu.memory_space<hbm>> -> memref<10000x128xf32, #tpu.memory_space<hbm>>
      tpu.enqueue_indirect_dma source(%dma_start3A_71 : memref<10000x128xf32, #tpu.memory_space<hbm>>) target(%dma_start3A_68 : memref<16x128xf32, #tpu.memory_space<vmem>>) offsets(%arg24 : memref<16xi32, #tpu.memory_space<vmem>>) semaphore(%run_scoped3A : memref<!tpu.dma_semaphore, #tpu.memory_space<semaphore_mem>>)
      %dma_wait3A = arith.constant 0 : i32
      %dma_wait3A_72 = arith.constant 0 : i32
      %dma_wait3A_73 = tpu.memref_slice %arg18[%dma_wait3A, %dma_wait3A_72] : memref<64x128xf32, #tpu.memory_space<vmem>> -> memref<16x128xf32, #tpu.memory_space<vmem>>
      %dma_wait3A_74 = arith.constant 0 : i32
      %dma_wait3A_75 = arith.constant 0 : i32
      %dma_wait3A_76 = tpu.memref_slice %arg2[%dma_wait3A_74, %dma_wait3A_75] : memref<10000x128xf32, #tpu.memory_space<hbm>> -> memref<10000x128xf32, #tpu.memory_space<hbm>>
      tpu.wait_indirect_dma semaphore(%run_scoped3A : memref<!tpu.dma_semaphore, #tpu.memory_space<semaphore_mem>>) src(%dma_wait3A_76 : memref<10000x128xf32, #tpu.memory_space<hbm>>) dst(%dma_wait3A_73 : memref<16x128xf32, #tpu.memory_space<vmem>>)
      tpu.yield
    }) : () -> ()
    "tpu.region"() ({
      %run_scoped3A = tpu.sem_alloc : memref<!tpu.dma_semaphore, #tpu.memory_space<semaphore_mem>>
      %dma_start3A_66 = arith.constant 0 : i32
      %dma_start3A_67 = arith.constant 0 : i32
      %dma_start3A_68 = tpu.memref_slice %arg18[%dma_start3A_66, %dma_start3A_67] : memref<64x128xf32, #tpu.memory_space<vmem>> -> memref<16x128xf32, #tpu.memory_space<vmem>>
      %dma_start3A_69 = arith.constant 0 : i32
      %dma_start3A_70 = arith.constant 0 : i32
      %dma_start3A_71 = tpu.memref_slice %arg26[%dma_start3A_69, %dma_start3A_70] : memref<10000x128xf32, #tpu.memory_space<vmem_shared>> -> memref<10000x128xf32, #tpu.memory_space<vmem_shared>>
      tpu.enqueue_indirect_dma source(%dma_start3A_68 : memref<16x128xf32, #tpu.memory_space<vmem>>) target(%dma_start3A_71 : memref<10000x128xf32, #tpu.memory_space<vmem_shared>>) offsets(%arg25 : memref<16xi32, #tpu.memory_space<vmem>>) semaphore(%run_scoped3A : memref<!tpu.dma_semaphore, #tpu.memory_space<semaphore_mem>>) {add = true}
      %dma_wait3A = arith.constant 0 : i32
      %dma_wait3A_72 = arith.constant 0 : i32
      %dma_wait3A_73 = tpu.memref_slice %arg18[%dma_wait3A, %dma_wait3A_72] : memref<64x128xf32, #tpu.memory_space<vmem>> -> memref<16x128xf32, #tpu.memory_space<vmem>>
      %dma_wait3A_74 = arith.constant 0 : i32
      %dma_wait3A_75 = arith.constant 0 : i32
      %dma_wait3A_76 = tpu.memref_slice %arg26[%dma_wait3A_74, %dma_wait3A_75] : memref<10000x128xf32, #tpu.memory_space<vmem_shared>> -> memref<10000x128xf32, #tpu.memory_space<vmem_shared>>
      tpu.wait_indirect_dma semaphore(%run_scoped3A : memref<!tpu.dma_semaphore, #tpu.memory_space<semaphore_mem>>) src(%dma_wait3A_73 : memref<16x128xf32, #tpu.memory_space<vmem>>) dst(%dma_wait3A_76 : memref<10000x128xf32, #tpu.memory_space<vmem_shared>>)
      tpu.yield
    }) : () -> ()
    %barrier3A_60 = arith.constant 0 : index
    tpu.barrier barrier_id(%barrier3A_60)
    "tpu.region"() ({
      %run_scoped3A = tpu.sem_alloc : memref<!tpu.dma_semaphore, #tpu.memory_space<semaphore_mem>>
      %dma_start3A_66 = arith.constant 0 : i32
      %dma_start3A_67 = tpu.memref_slice %arg5[%arg0, %mul3A_0, %dma_start3A_66] : memref<2x10000x128xf32, #tpu.memory_space<hbm>> -> memref<1x624x128xf32, #tpu.memory_space<hbm>>
      %dma_start3A_68 = tpu.memref_squeeze %dma_start3A_67 : memref<1x624x128xf32, #tpu.memory_space<hbm>> -> memref<624x128xf32, #tpu.memory_space<hbm>>
      %dma_start3A_69 = arith.constant 0 : i32
      %dma_start3A_70 = tpu.memref_slice %arg26[%mul3A_0, %dma_start3A_69] : memref<10000x128xf32, #tpu.memory_space<vmem_shared>> -> memref<624x128xf32, #tpu.memory_space<vmem_shared>>
      tpu.enqueue_dma source(%dma_start3A_70 : memref<624x128xf32, #tpu.memory_space<vmem_shared>>) target(%dma_start3A_68 : memref<624x128xf32, #tpu.memory_space<hbm>>) target_semaphore(%run_scoped3A : memref<!tpu.dma_semaphore, #tpu.memory_space<semaphore_mem>>)
      %dma_wait3A = arith.constant 0 : i32
      %dma_wait3A_71 = tpu.memref_slice %arg5[%arg0, %mul3A_0, %dma_wait3A] : memref<2x10000x128xf32, #tpu.memory_space<hbm>> -> memref<1x624x128xf32, #tpu.memory_space<hbm>>
      %dma_wait3A_72 = tpu.memref_squeeze %dma_wait3A_71 : memref<1x624x128xf32, #tpu.memory_space<hbm>> -> memref<624x128xf32, #tpu.memory_space<hbm>>
      %dma_wait3A_73 = arith.constant 0 : i32
      %dma_wait3A_74 = tpu.memref_slice %arg26[%mul3A_0, %dma_wait3A_73] : memref<10000x128xf32, #tpu.memory_space<vmem_shared>> -> memref<624x128xf32, #tpu.memory_space<vmem_shared>>
      tpu.wait_dma2 semaphore(%run_scoped3A : memref<!tpu.dma_semaphore, #tpu.memory_space<semaphore_mem>>) src(%dma_wait3A_74 : memref<624x128xf32, #tpu.memory_space<vmem_shared>>) dst(%dma_wait3A_72 : memref<624x128xf32, #tpu.memory_space<hbm>>)
      tpu.yield
    }) : () -> ()
    %eq3A_61 = arith.constant 0 : i32
    %eq3A_62 = arith.cmpi eq, %arg1, %eq3A_61 : i32
    %convert_element_type3A_63 = arith.extui %eq3A_62 : i1 to i32
    %cond3A_64 = arith.constant 0 : i32
    %cond3A_65 = arith.cmpi ne, %convert_element_type3A_63, %cond3A_64 : i32
    scf.if %cond3A_65 {
      "tpu.region"() ({
        %run_scoped3A = tpu.sem_alloc : memref<!tpu.dma_semaphore, #tpu.memory_space<semaphore_mem>>
        %dma_start3A_66 = arith.constant 9984 : i32
        %dma_start3A_67 = arith.constant 0 : i32
        %dma_start3A_68 = tpu.memref_slice %arg5[%arg0, %dma_start3A_66, %dma_start3A_67] : memref<2x10000x128xf32, #tpu.memory_space<hbm>> -> memref<1x16x128xf32, #tpu.memory_space<hbm>>
        %dma_start3A_69 = tpu.memref_squeeze %dma_start3A_68 : memref<1x16x128xf32, #tpu.memory_space<hbm>> -> memref<16x128xf32, #tpu.memory_space<hbm>>
        %dma_start3A_70 = arith.constant 9984 : i32
        %dma_start3A_71 = arith.constant 0 : i32
        %dma_start3A_72 = tpu.memref_slice %arg26[%dma_start3A_70, %dma_start3A_71] : memref<10000x128xf32, #tpu.memory_space<vmem_shared>> -> memref<16x128xf32, #tpu.memory_space<vmem_shared>>
        tpu.enqueue_dma source(%dma_start3A_72 : memref<16x128xf32, #tpu.memory_space<vmem_shared>>) target(%dma_start3A_69 : memref<16x128xf32, #tpu.memory_space<hbm>>) target_semaphore(%run_scoped3A : memref<!tpu.dma_semaphore, #tpu.memory_space<semaphore_mem>>)
        %dma_wait3A = arith.constant 9984 : i32
        %dma_wait3A_73 = arith.constant 0 : i32
        %dma_wait3A_74 = tpu.memref_slice %arg5[%arg0, %dma_wait3A, %dma_wait3A_73] : memref<2x10000x128xf32, #tpu.memory_space<hbm>> -> memref<1x16x128xf32, #tpu.memory_space<hbm>>
        %dma_wait3A_75 = tpu.memref_squeeze %dma_wait3A_74 : memref<1x16x128xf32, #tpu.memory_space<hbm>> -> memref<16x128xf32, #tpu.memory_space<hbm>>
        %dma_wait3A_76 = arith.constant 9984 : i32
        %dma_wait3A_77 = arith.constant 0 : i32
        %dma_wait3A_78 = tpu.memref_slice %arg26[%dma_wait3A_76, %dma_wait3A_77] : memref<10000x128xf32, #tpu.memory_space<vmem_shared>> -> memref<16x128xf32, #tpu.memory_space<vmem_shared>>
        tpu.wait_dma2 semaphore(%run_scoped3A : memref<!tpu.dma_semaphore, #tpu.memory_space<semaphore_mem>>) src(%dma_wait3A_78 : memref<16x128xf32, #tpu.memory_space<vmem_shared>>) dst(%dma_wait3A_75 : memref<16x128xf32, #tpu.memory_space<hbm>>)
        tpu.yield
      }) : () -> ()
    } else {
    }
    return
  }
}

module attributes {stable_mosaic.version = 14 : i64} {
  func.func @body(%arg0: i32, %arg1: memref<2000x128xf32, #tpu.memory_space<vmem>>, %arg2: memref<128x128xf32, #tpu.memory_space<vmem>>, %arg3: memref<2000x32xf32, #tpu.memory_space<vmem>>, %arg4: memref<2000x128xf32, #tpu.memory_space<vmem>>) attributes {dimension_semantics = [#tpu.dimension_semantics<arbitrary>], iteration_bounds = array<i64: 5>, scalar_prefetch = 0 : i64, scratch_operands = 0 : i64, tpu.core_type = #tpu.core_type<tc>, window_params = [{transform_indices = @transform_0, window_bounds = array<i64: 2000, 128>}, {pipeline_mode = #tpu.pipeline_mode<synchronous>, transform_indices = @transform_1, window_bounds = array<i64: 128, 128>}, {transform_indices = @transform_2, window_bounds = array<i64: 2000, 32>}, {transform_indices = @transform_3, window_bounds = array<i64: 2000, 128>}]} {
    %get3A = arith.constant 0 : index
    %get3A_0 = arith.constant 0 : index
    %get3A_1 = vector.load %arg3[%get3A, %get3A_0] : memref<2000x32xf32, #tpu.memory_space<vmem>>, vector<2000x32xf32>
    %reduce_sum3A = arith.constant dense<0.000000e+00> : vector<2000xf32>
    %reduce_sum3A_2 = vector.multi_reduction <add>, %get3A_1, %reduce_sum3A [1] : vector<2000x32xf32> to vector<2000xf32>
    %broadcast_in_dim3A = vector.shape_cast %reduce_sum3A_2 : vector<2000xf32> to vector<2000x1xf32>
    %add3A = arith.constant 1.000000e+00 : f32
    %add3A_3 = vector.broadcast %add3A : f32 to vector<2000x1xf32>
    %add3A_4 = arith.addf %broadcast_in_dim3A, %add3A_3 : vector<2000x1xf32>
    %rsqrt3A = math.rsqrt %add3A_4 : vector<2000x1xf32>
    %get3A_5 = arith.constant 0 : index
    %get3A_6 = arith.constant 0 : index
    %get3A_7 = vector.load %arg1[%get3A_5, %get3A_6] : memref<2000x128xf32, #tpu.memory_space<vmem>>, vector<2000x128xf32>
    %get3A_8 = arith.constant 0 : index
    %get3A_9 = arith.constant 0 : index
    %get3A_10 = vector.load %arg2[%get3A_8, %get3A_9] : memref<128x128xf32, #tpu.memory_space<vmem>>, vector<128x128xf32>
    %dot_general3A = arith.constant dense<0.000000e+00> : vector<2000x128xf32>
    %dot_general3A_11 = tpu.matmul %get3A_7, %get3A_10, %dot_general3A {dimension_numbers = #tpu.dot_dimension_numbers<[1], [0], [0], [1], [0, 0, 1, 1], [], []>, transpose_lhs_hint = false} : vector<2000x128xf32>, vector<128x128xf32>, vector<2000x128xf32> -> vector<2000x128xf32>
    %mul3A = vector.broadcast %rsqrt3A : vector<2000x1xf32> to vector<2000x128xf32>
    %mul3A_12 = arith.mulf %mul3A, %dot_general3A_11 : vector<2000x128xf32>
    %swap3A = arith.constant 0 : index
    %swap3A_13 = arith.constant 0 : index
    %swap3A_14 = vector.load %arg4[%swap3A, %swap3A_13] : memref<2000x128xf32, #tpu.memory_space<vmem>>, vector<2000x128xf32>
    tpu.vector_store %arg4[%swap3A, %swap3A_13], %mul3A_12 {strides = array<i32>} : memref<2000x128xf32, #tpu.memory_space<vmem>>, vector<2000x128xf32>,
    return
  }
  func.func @transform_0(%arg0: i32) -> (i32, i32) {
    %c0_i32 = arith.constant 0 : i32
    %c0_i32_0 = arith.constant 0 : i32
    return %arg0, %c0_i32 : i32, i32
  }
  func.func @transform_1(%arg0: i32) -> (i32, i32) {
    %c0_i32 = arith.constant 0 : i32
    %c0_i32_0 = arith.constant 0 : i32
    %c0_i32_1 = arith.constant 0 : i32
    return %c0_i32, %c0_i32_0 : i32, i32
  }
  func.func @transform_2(%arg0: i32) -> (i32, i32) {
    %c0_i32 = arith.constant 0 : i32
    %c0_i32_0 = arith.constant 0 : i32
    return %arg0, %c0_i32 : i32, i32
  }
  func.func @transform_3(%arg0: i32) -> (i32, i32) {
    %c0_i32 = arith.constant 0 : i32
    %c0_i32_0 = arith.constant 0 : i32
    return %arg0, %c0_i32 : i32, i32
  }
}

module attributes {stable_mosaic.version = 14 : i64} {
  func.func @body(%arg0: i32, %arg1: memref<2x2000x128xf32, #tpu.memory_space<vmem>>, %arg2: memref<2000x128xf32, #tpu.memory_space<vmem>>, %arg3: memref<2000x32xf32, #tpu.memory_space<vmem>>, %arg4: memref<128xf32, #tpu.memory_space<vmem>>, %arg5: memref<128x128xf32, #tpu.memory_space<vmem>>, %arg6: memref<2000x128xf32, #tpu.memory_space<vmem>>) attributes {dimension_semantics = [#tpu.dimension_semantics<arbitrary>], iteration_bounds = array<i64: 5>, scalar_prefetch = 0 : i64, scratch_operands = 0 : i64, tpu.core_type = #tpu.core_type<tc>, window_params = [{transform_indices = @transform_0, window_bounds = array<i64: 2, 2000, 128>}, {transform_indices = @transform_1, window_bounds = array<i64: 2000, 128>}, {transform_indices = @transform_2, window_bounds = array<i64: 2000, 32>}, {pipeline_mode = #tpu.pipeline_mode<synchronous>, transform_indices = @transform_3, window_bounds = array<i64: 128>}, {pipeline_mode = #tpu.pipeline_mode<synchronous>, transform_indices = @transform_4, window_bounds = array<i64: 128, 128>}, {transform_indices = @transform_5, window_bounds = array<i64: 2000, 128>}]} {
    %get3A = arith.constant 0 : index
    %get3A_0 = arith.constant 0 : index
    %get3A_1 = vector.load %arg3[%get3A, %get3A_0] : memref<2000x32xf32, #tpu.memory_space<vmem>>, vector<2000x32xf32>
    %reduce_sum3A = arith.constant dense<0.000000e+00> : vector<2000xf32>
    %reduce_sum3A_2 = vector.multi_reduction <add>, %get3A_1, %reduce_sum3A [1] : vector<2000x32xf32> to vector<2000xf32>
    %broadcast_in_dim3A = vector.shape_cast %reduce_sum3A_2 : vector<2000xf32> to vector<2000x1xf32>
    %add3A = arith.constant 1.000000e+00 : f32
    %add3A_3 = vector.broadcast %add3A : f32 to vector<2000x1xf32>
    %add3A_4 = arith.addf %broadcast_in_dim3A, %add3A_3 : vector<2000x1xf32>
    %rsqrt3A = math.rsqrt %add3A_4 : vector<2000x1xf32>
    %get3A_5 = arith.constant 0 : index
    %get3A_6 = arith.constant 0 : index
    %get3A_7 = arith.constant 0 : index
    %get3A_8 = vector.load %arg1[%get3A_5, %get3A_6, %get3A_7] : memref<2x2000x128xf32, #tpu.memory_space<vmem>>, vector<1x2000x128xf32>
    %get3A_9 = vector.shape_cast %get3A_8 : vector<1x2000x128xf32> to vector<2000x128xf32>
    %get3A_10 = arith.constant 1 : index
    %get3A_11 = arith.constant 0 : index
    %get3A_12 = arith.constant 0 : index
    %get3A_13 = vector.load %arg1[%get3A_10, %get3A_11, %get3A_12] : memref<2x2000x128xf32, #tpu.memory_space<vmem>>, vector<1x2000x128xf32>
    %get3A_14 = vector.shape_cast %get3A_13 : vector<1x2000x128xf32> to vector<2000x128xf32>
    %add3A_15 = arith.addf %get3A_9, %get3A_14 : vector<2000x128xf32>
    %get3A_16 = arith.constant 0 : index
    %get3A_17 = arith.constant 0 : index
    %get3A_18 = vector.load %arg2[%get3A_16, %get3A_17] : memref<2000x128xf32, #tpu.memory_space<vmem>>, vector<2000x128xf32>
    %sub3A = arith.subf %add3A_15, %get3A_18 : vector<2000x128xf32>
    %mul3A = vector.broadcast %rsqrt3A : vector<2000x1xf32> to vector<2000x128xf32>
    %mul3A_19 = arith.mulf %mul3A, %sub3A : vector<2000x128xf32>
    %get3A_20 = arith.constant 0 : index
    %get3A_21 = vector.load %arg4[%get3A_20] : memref<128xf32, #tpu.memory_space<vmem>>, vector<128xf32>
    %broadcast_in_dim3A_22 = vector.shape_cast %get3A_21 : vector<128xf32> to vector<1x128xf32>
    %add3A_23 = vector.broadcast %broadcast_in_dim3A_22 : vector<1x128xf32> to vector<2000x128xf32>
    %add3A_24 = arith.addf %mul3A_19, %add3A_23 : vector<2000x128xf32>
    %max3A = arith.constant 0.000000e+00 : f32
    %max3A_25 = vector.broadcast %max3A : f32 to vector<2000x128xf32>
    %max3A_26 = arith.maximumf %add3A_24, %max3A_25 : vector<2000x128xf32>
    %get3A_27 = arith.constant 0 : index
    %get3A_28 = arith.constant 0 : index
    %get3A_29 = vector.load %arg5[%get3A_27, %get3A_28] : memref<128x128xf32, #tpu.memory_space<vmem>>, vector<128x128xf32>
    %dot_general3A = arith.constant dense<0.000000e+00> : vector<2000x128xf32>
    %dot_general3A_30 = tpu.matmul %max3A_26, %get3A_29, %dot_general3A {dimension_numbers = #tpu.dot_dimension_numbers<[1], [0], [0], [1], [0, 0, 1, 1], [], []>, transpose_lhs_hint = false} : vector<2000x128xf32>, vector<128x128xf32>, vector<2000x128xf32> -> vector<2000x128xf32>
    %mul3A_31 = vector.broadcast %rsqrt3A : vector<2000x1xf32> to vector<2000x128xf32>
    %mul3A_32 = arith.mulf %mul3A_31, %dot_general3A_30 : vector<2000x128xf32>
    %swap3A = arith.constant 0 : index
    %swap3A_33 = arith.constant 0 : index
    %swap3A_34 = vector.load %arg6[%swap3A, %swap3A_33] : memref<2000x128xf32, #tpu.memory_space<vmem>>, vector<2000x128xf32>
    tpu.vector_store %arg6[%swap3A, %swap3A_33], %mul3A_32 {strides = array<i32>} : memref<2000x128xf32, #tpu.memory_space<vmem>>, vector<2000x128xf32>,
    return
  }
  func.func @transform_0(%arg0: i32) -> (i32, i32, i32) {
    %c0_i32 = arith.constant 0 : i32
    %c0_i32_0 = arith.constant 0 : i32
    %c0_i32_1 = arith.constant 0 : i32
    return %c0_i32, %arg0, %c0_i32_0 : i32, i32, i32
  }
  func.func @transform_1(%arg0: i32) -> (i32, i32) {
    %c0_i32 = arith.constant 0 : i32
    %c0_i32_0 = arith.constant 0 : i32
    return %arg0, %c0_i32 : i32, i32
  }
  func.func @transform_2(%arg0: i32) -> (i32, i32) {
    %c0_i32 = arith.constant 0 : i32
    %c0_i32_0 = arith.constant 0 : i32
    return %arg0, %c0_i32 : i32, i32
  }
  func.func @transform_3(%arg0: i32) -> i32 {
    %c0_i32 = arith.constant 0 : i32
    %c0_i32_0 = arith.constant 0 : i32
    return %c0_i32 : i32
  }
  func.func @transform_4(%arg0: i32) -> (i32, i32) {
    %c0_i32 = arith.constant 0 : i32
    %c0_i32_0 = arith.constant 0 : i32
    %c0_i32_1 = arith.constant 0 : i32
    return %c0_i32, %c0_i32_0 : i32, i32
  }
  func.func @transform_5(%arg0: i32) -> (i32, i32) {
    %c0_i32 = arith.constant 0 : i32
    %c0_i32_0 = arith.constant 0 : i32
    return %arg0, %c0_i32 : i32, i32
  }
}

module attributes {stable_mosaic.version = 14 : i64} {
  func.func @body(%arg0: i32, %arg1: memref<2x2000x128xf32, #tpu.memory_space<vmem>>, %arg2: memref<2000x128xf32, #tpu.memory_space<vmem>>, %arg3: memref<2000x32xf32, #tpu.memory_space<vmem>>, %arg4: memref<128xf32, #tpu.memory_space<vmem>>, %arg5: memref<2000x1xi32, #tpu.memory_space<vmem>>, %arg6: memref<128x64xf32, #tpu.memory_space<vmem>>, %arg7: memref<64xf32, #tpu.memory_space<vmem>>, %arg8: memref<16x64xf32, #tpu.memory_space<vmem>>, %arg9: memref<16x128xf32, #tpu.memory_space<vmem>>, %arg10: memref<16x128xf32, #tpu.memory_space<vmem>>) attributes {dimension_semantics = [#tpu.dimension_semantics<arbitrary>], iteration_bounds = array<i64: 5>, scalar_prefetch = 0 : i64, scratch_operands = 2 : i64, tpu.core_type = #tpu.core_type<tc>, window_params = [{transform_indices = @transform_0, window_bounds = array<i64: 2, 2000, 128>}, {transform_indices = @transform_1, window_bounds = array<i64: 2000, 128>}, {transform_indices = @transform_2, window_bounds = array<i64: 2000, 32>}, {pipeline_mode = #tpu.pipeline_mode<synchronous>, transform_indices = @transform_3, window_bounds = array<i64: 128>}, {transform_indices = @transform_4, window_bounds = array<i64: 2000, 1>}, {pipeline_mode = #tpu.pipeline_mode<synchronous>, transform_indices = @transform_5, window_bounds = array<i64: 128, 64>}, {pipeline_mode = #tpu.pipeline_mode<synchronous>, transform_indices = @transform_6, window_bounds = array<i64: 64>}, {pipeline_mode = #tpu.pipeline_mode<synchronous>, transform_indices = @transform_7, window_bounds = array<i64: 16, 64>}]} {
    %get3A = arith.constant 0 : index
    %get3A_0 = arith.constant 0 : index
    %get3A_1 = vector.load %arg3[%get3A, %get3A_0] : memref<2000x32xf32, #tpu.memory_space<vmem>>, vector<2000x32xf32>
    %reduce_sum3A = arith.constant dense<0.000000e+00> : vector<2000xf32>
    %reduce_sum3A_2 = vector.multi_reduction <add>, %get3A_1, %reduce_sum3A [1] : vector<2000x32xf32> to vector<2000xf32>
    %broadcast_in_dim3A = vector.shape_cast %reduce_sum3A_2 : vector<2000xf32> to vector<2000x1xf32>
    %add3A = arith.constant 1.000000e+00 : f32
    %add3A_3 = vector.broadcast %add3A : f32 to vector<2000x1xf32>
    %add3A_4 = arith.addf %broadcast_in_dim3A, %add3A_3 : vector<2000x1xf32>
    %rsqrt3A = math.rsqrt %add3A_4 : vector<2000x1xf32>
    %get3A_5 = arith.constant 0 : index
    %get3A_6 = arith.constant 0 : index
    %get3A_7 = arith.constant 0 : index
    %get3A_8 = vector.load %arg1[%get3A_5, %get3A_6, %get3A_7] : memref<2x2000x128xf32, #tpu.memory_space<vmem>>, vector<1x2000x128xf32>
    %get3A_9 = vector.shape_cast %get3A_8 : vector<1x2000x128xf32> to vector<2000x128xf32>
    %get3A_10 = arith.constant 1 : index
    %get3A_11 = arith.constant 0 : index
    %get3A_12 = arith.constant 0 : index
    %get3A_13 = vector.load %arg1[%get3A_10, %get3A_11, %get3A_12] : memref<2x2000x128xf32, #tpu.memory_space<vmem>>, vector<1x2000x128xf32>
    %get3A_14 = vector.shape_cast %get3A_13 : vector<1x2000x128xf32> to vector<2000x128xf32>
    %add3A_15 = arith.addf %get3A_9, %get3A_14 : vector<2000x128xf32>
    %get3A_16 = arith.constant 0 : index
    %get3A_17 = arith.constant 0 : index
    %get3A_18 = vector.load %arg2[%get3A_16, %get3A_17] : memref<2000x128xf32, #tpu.memory_space<vmem>>, vector<2000x128xf32>
    %sub3A = arith.subf %add3A_15, %get3A_18 : vector<2000x128xf32>
    %mul3A = vector.broadcast %rsqrt3A : vector<2000x1xf32> to vector<2000x128xf32>
    %mul3A_19 = arith.mulf %mul3A, %sub3A : vector<2000x128xf32>
    %get3A_20 = arith.constant 0 : index
    %get3A_21 = vector.load %arg4[%get3A_20] : memref<128xf32, #tpu.memory_space<vmem>>, vector<128xf32>
    %broadcast_in_dim3A_22 = vector.shape_cast %get3A_21 : vector<128xf32> to vector<1x128xf32>
    %add3A_23 = vector.broadcast %broadcast_in_dim3A_22 : vector<1x128xf32> to vector<2000x128xf32>
    %add3A_24 = arith.addf %mul3A_19, %add3A_23 : vector<2000x128xf32>
    %max3A = arith.constant 0.000000e+00 : f32
    %max3A_25 = vector.broadcast %max3A : f32 to vector<2000x128xf32>
    %max3A_26 = arith.maximumf %add3A_24, %max3A_25 : vector<2000x128xf32>
    %iota3A = tpu.iota {dimensions = array<i32: 1>} : vector<2000x16xi32>
    %get3A_27 = arith.constant 0 : index
    %get3A_28 = arith.constant 0 : index
    %get3A_29 = vector.load %arg5[%get3A_27, %get3A_28] : memref<2000x1xi32, #tpu.memory_space<vmem>>, vector<2000x1xi32>
    %eq3A = vector.broadcast %get3A_29 : vector<2000x1xi32> to vector<2000x16xi32>
    %eq3A_30 = arith.cmpi eq, %eq3A, %iota3A : vector<2000x16xi32>
    %convert_element_type3A = arith.extui %eq3A_30 : vector<2000x16xi1> to vector<2000x16xi32>
    %convert_element_type3A_31 = arith.sitofp %convert_element_type3A : vector<2000x16xi32> to vector<2000x16xf32>
    %dot_general3A = arith.constant dense<0.000000e+00> : vector<16x128xf32>
    %dot_general3A_32 = tpu.matmul %convert_element_type3A_31, %max3A_26, %dot_general3A {dimension_numbers = #tpu.dot_dimension_numbers<[0], [0], [1], [1], [0, 1, 1, 1], [], []>, transpose_lhs_hint = false} : vector<2000x16xf32>, vector<2000x128xf32>, vector<16x128xf32> -> vector<16x128xf32>
    %broadcast_in_dim3A_33 = arith.constant 1.000000e+00 : f32
    %broadcast_in_dim3A_34 = vector.broadcast %broadcast_in_dim3A_33 : f32 to vector<2000x128xf32>
    %dot_general3A_35 = arith.constant dense<0.000000e+00> : vector<16x128xf32>
    %dot_general3A_36 = tpu.matmul %convert_element_type3A_31, %broadcast_in_dim3A_34, %dot_general3A_35 {dimension_numbers = #tpu.dot_dimension_numbers<[0], [0], [1], [1], [0, 1, 1, 1], [], []>, transpose_lhs_hint = false} : vector<2000x16xf32>, vector<2000x128xf32>, vector<16x128xf32> -> vector<16x128xf32>
    %eq3A_37 = arith.constant 0 : i32
    %eq3A_38 = arith.cmpi eq, %arg0, %eq3A_37 : i32
    %convert_element_type3A_39 = arith.extui %eq3A_38 : i1 to i32
    %cond3A = arith.constant 0 : i32
    %cond3A_40 = arith.cmpi ne, %convert_element_type3A_39, %cond3A : i32
    scf.if %cond3A_40 {
      %broadcast_in_dim3A_59 = arith.constant 0.000000e+00 : f32
      %broadcast_in_dim3A_60 = vector.broadcast %broadcast_in_dim3A_59 : f32 to vector<16x128xf32>
      %swap3A_61 = arith.constant 0 : index
      %swap3A_62 = arith.constant 0 : index
      %swap3A_63 = vector.load %arg9[%swap3A_61, %swap3A_62] : memref<16x128xf32, #tpu.memory_space<vmem>>, vector<16x128xf32>
      tpu.vector_store %arg9[%swap3A_61, %swap3A_62], %broadcast_in_dim3A_60 {strides = array<i32>} : memref<16x128xf32, #tpu.memory_space<vmem>>, vector<16x128xf32>,
      %broadcast_in_dim3A_64 = arith.constant 0.000000e+00 : f32
      %broadcast_in_dim3A_65 = vector.broadcast %broadcast_in_dim3A_64 : f32 to vector<16x128xf32>
      %swap3A_66 = arith.constant 0 : index
      %swap3A_67 = arith.constant 0 : index
      %swap3A_68 = vector.load %arg10[%swap3A_66, %swap3A_67] : memref<16x128xf32, #tpu.memory_space<vmem>>, vector<16x128xf32>
      tpu.vector_store %arg10[%swap3A_66, %swap3A_67], %broadcast_in_dim3A_65 {strides = array<i32>} : memref<16x128xf32, #tpu.memory_space<vmem>>, vector<16x128xf32>,
    } else {
    }
    %get3A_41 = arith.constant 0 : index
    %get3A_42 = arith.constant 0 : index
    %get3A_43 = vector.load %arg9[%get3A_41, %get3A_42] : memref<16x128xf32, #tpu.memory_space<vmem>>, vector<16x128xf32>
    %add3A_44 = arith.addf %get3A_43, %dot_general3A_32 : vector<16x128xf32>
    %swap3A = arith.constant 0 : index
    %swap3A_45 = arith.constant 0 : index
    %swap3A_46 = vector.load %arg9[%swap3A, %swap3A_45] : memref<16x128xf32, #tpu.memory_space<vmem>>, vector<16x128xf32>
    tpu.vector_store %arg9[%swap3A, %swap3A_45], %add3A_44 {strides = array<i32>} : memref<16x128xf32, #tpu.memory_space<vmem>>, vector<16x128xf32>,
    %get3A_47 = arith.constant 0 : index
    %get3A_48 = arith.constant 0 : index
    %get3A_49 = vector.load %arg10[%get3A_47, %get3A_48] : memref<16x128xf32, #tpu.memory_space<vmem>>, vector<16x128xf32>
    %add3A_50 = arith.addf %get3A_49, %dot_general3A_36 : vector<16x128xf32>
    %swap3A_51 = arith.constant 0 : index
    %swap3A_52 = arith.constant 0 : index
    %swap3A_53 = vector.load %arg10[%swap3A_51, %swap3A_52] : memref<16x128xf32, #tpu.memory_space<vmem>>, vector<16x128xf32>
    tpu.vector_store %arg10[%swap3A_51, %swap3A_52], %add3A_50 {strides = array<i32>} : memref<16x128xf32, #tpu.memory_space<vmem>>, vector<16x128xf32>,
    %eq3A_54 = arith.constant 4 : i32
    %eq3A_55 = arith.cmpi eq, %arg0, %eq3A_54 : i32
    %convert_element_type3A_56 = arith.extui %eq3A_55 : i1 to i32
    %cond3A_57 = arith.constant 0 : i32
    %cond3A_58 = arith.cmpi ne, %convert_element_type3A_56, %cond3A_57 : i32
    scf.if %cond3A_58 {
      %get3A_59 = arith.constant 0 : index
      %get3A_60 = arith.constant 0 : index
      %get3A_61 = vector.load %arg9[%get3A_59, %get3A_60] : memref<16x128xf32, #tpu.memory_space<vmem>>, vector<16x128xf32>
      %get3A_62 = arith.constant 0 : index
      %get3A_63 = arith.constant 0 : index
      %get3A_64 = vector.load %arg10[%get3A_62, %get3A_63] : memref<16x128xf32, #tpu.memory_space<vmem>>, vector<16x128xf32>
      %max3A_65 = arith.constant 1.000000e+00 : f32
      %max3A_66 = vector.broadcast %max3A_65 : f32 to vector<16x128xf32>
      %max3A_67 = arith.maximumf %get3A_64, %max3A_66 : vector<16x128xf32>
      %div3A = arith.divf %get3A_61, %max3A_67 : vector<16x128xf32>
      %get3A_68 = arith.constant 0 : index
      %get3A_69 = arith.constant 0 : index
      %get3A_70 = vector.load %arg6[%get3A_68, %get3A_69] : memref<128x64xf32, #tpu.memory_space<vmem>>, vector<128x64xf32>
      %dot_general3A_71 = arith.constant dense<0.000000e+00> : vector<16x64xf32>
      %dot_general3A_72 = tpu.matmul %div3A, %get3A_70, %dot_general3A_71 {dimension_numbers = #tpu.dot_dimension_numbers<[1], [0], [0], [1], [0, 0, 1, 1], [], []>, transpose_lhs_hint = false} : vector<16x128xf32>, vector<128x64xf32>, vector<16x64xf32> -> vector<16x64xf32>
      %get3A_73 = arith.constant 0 : index
      %get3A_74 = vector.load %arg7[%get3A_73] : memref<64xf32, #tpu.memory_space<vmem>>, vector<64xf32>
      %broadcast_in_dim3A_75 = vector.shape_cast %get3A_74 : vector<64xf32> to vector<1x64xf32>
      %add3A_76 = vector.broadcast %broadcast_in_dim3A_75 : vector<1x64xf32> to vector<16x64xf32>
      %add3A_77 = arith.addf %dot_general3A_72, %add3A_76 : vector<16x64xf32>
      %swap3A_78 = arith.constant 0 : index
      %swap3A_79 = arith.constant 0 : index
      %swap3A_80 = vector.load %arg8[%swap3A_78, %swap3A_79] : memref<16x64xf32, #tpu.memory_space<vmem>>, vector<16x64xf32>
      tpu.vector_store %arg8[%swap3A_78, %swap3A_79], %add3A_77 {strides = array<i32>} : memref<16x64xf32, #tpu.memory_space<vmem>>, vector<16x64xf32>,
    } else {
    }
    return
  }
  func.func @transform_0(%arg0: i32) -> (i32, i32, i32) {
    %c0_i32 = arith.constant 0 : i32
    %c0_i32_0 = arith.constant 0 : i32
    %c0_i32_1 = arith.constant 0 : i32
    return %c0_i32, %arg0, %c0_i32_0 : i32, i32, i32
  }
  func.func @transform_1(%arg0: i32) -> (i32, i32) {
    %c0_i32 = arith.constant 0 : i32
    %c0_i32_0 = arith.constant 0 : i32
    return %arg0, %c0_i32 : i32, i32
  }
  func.func @transform_2(%arg0: i32) -> (i32, i32) {
    %c0_i32 = arith.constant 0 : i32
    %c0_i32_0 = arith.constant 0 : i32
    return %arg0, %c0_i32 : i32, i32
  }
  func.func @transform_3(%arg0: i32) -> i32 {
    %c0_i32 = arith.constant 0 : i32
    %c0_i32_0 = arith.constant 0 : i32
    return %c0_i32 : i32
  }
  func.func @transform_4(%arg0: i32) -> (i32, i32) {
    %c0_i32 = arith.constant 0 : i32
    %c0_i32_0 = arith.constant 0 : i32
    return %arg0, %c0_i32 : i32, i32
  }
  func.func @transform_5(%arg0: i32) -> (i32, i32) {
    %c0_i32 = arith.constant 0 : i32
    %c0_i32_0 = arith.constant 0 : i32
    %c0_i32_1 = arith.constant 0 : i32
    return %c0_i32, %c0_i32_0 : i32, i32
  }
  func.func @transform_6(%arg0: i32) -> i32 {
    %c0_i32 = arith.constant 0 : i32
    %c0_i32_0 = arith.constant 0 : i32
    return %c0_i32 : i32
  }
  func.func @transform_7(%arg0: i32) -> (i32, i32) {
    %c0_i32 = arith.constant 0 : i32
    %c0_i32_0 = arith.constant 0 : i32
    %c0_i32_1 = arith.constant 0 : i32
    return %c0_i32, %c0_i32_0 : i32, i32
  }
}

</mosaic_0001>

<sc_bundles>
// kernel: kernel.11.cloned.1.call-start
scs
__scs_entry_jumppad:
0x0: {  	(pc) =	sbr.rel $0x88, $3  }
0x1: {  	(tag) =	ssettag $0x0;
	lr =	simm.s32 $0x1  }
0x2: {  	[smem:$0x3F98] =	sst lr;
	_ =	strace $0xD0000000  }
0x3: {  	_ = 	snop  }
0x4: {  	_ = 	snop  }
0x5: {  	_ = 	snop  }
0x6: {  	_ = 	snop  }
0x7: {  	_ = 	snop  }
__scs_overlays_trampoline_lowered:
0x8: {  	[smem:$0x3FA7] =	sst s0  }
0x9: {  	[smem:$0x3FA8] =	sst s1  }
0xa: {  	[smem:$0x3FA9] =	sst s2  }
0xb: {  	[smem:$0x3FAA] =	sst s3  }
0xc: {  	[smem:$0x3FAB] =	sst s4  }
0xd: {  	[smem:$0x3FAC] =	sst s5  }
0xe: {  	[smem:$0x3FAD] =	sst s6  }
0xf: {  	[smem:$0x3FAE] =	sst s7  }
0x10: {  	[smem:$0x3FAF] =	sst s8  }
0x11: {  	[smem:$0x3FB0] =	sst s9;
	s0 =	simm.s32 @!p0 $0x0  }
0x12: {  	s1 =	sld [smem:$0x3F96];
	s0 =	simm.s32 @p0 $0x1  }
0x13: {  	[smem:$0x3FB1] =	sst s0;
	s0 =	simm.s32 @!p1 $0x0  }
0x14: {  	s2 =	sld [smem:$0x3F95];
	s0 =	simm.s32 @p1 $0x1  }
0x15: {  	[smem:$0x3FB2] =	sst s0;
	s0 =	simm.s32 @!p2 $0x0  }
0x16: {  	s3 =	sld [smem:$0x3FDB];
	s0 =	simm.s32 @p2 $0x1  }
0x17: {  	s4 =	simm.s32 $0x1BF5;
	[smem:$0x3FB4] =	sst s0  }
0x18: {  	s0 =	sld [smem:$0x3F97];
	_ =	swait.ge [sflag:s4], $0x0  }
0x19: {  	s7 =	sld [smem:$0x3F98]  }
0x1a: {  	s8 =	sadd.s32 $0xFFFFE003, lr  }
0x1b: {  	s9 =	sadd.s32 $0xFFFFFEF7, lr;
	s5 =	simm.s32 $0xFFFFFFFF;
	p2 =	slt.u32 s8, $0xFFFFF086  }
0x1c: {  	p1 =	slt.u32 s9, $0xF7A;
	s5 =	simm.s32 @!p2 $0x0  }
0x1d: {  	s5 =	simm.s32 @p1 $0x1;
	p0 =	seq.s32 s7, s2  }
0x1e: {  	s7 =	smul.u32 @!p0 $0xF7A, s2;
	p2 =	seq.s32 @!p0 s5, $0x0  }
0x1f: {  	s9 =	smul.u32 $0xF7A, s1;
	s8 =	simm.s32 @!p0 $0x1BF5;
	p2 =	por !p2, p0  }
0x20: {  	[sflag:s8] =	ssyncset.s32 @!p0 $0xFFFFF086;
	s6 =	sadd.s32 @!p0 s3, s7;
	s7 =	simm.s32 @!p0 $0x108  }
0x21: {  	s3 =	sadd.s32 s3, s9;
	s6 =	sadd.s32 @!p0 $0x88, s6;
	s7 =	simm.s32 @p2 $0x1082  }
0x22: {  	[simem:s7], [sflag:s8] =	dma.local @!p0 [hbm:s6], $0xF7A  }
0x23: {  	s9 =	sor.u32 $0xD0000000, s2;
	s6 =	simm.s32 $0x108;
	_ =	swait.ge @!p0 [sflag:s8], $0x0  }
0x24: {  	s3 =	sadd.s32 $0x88, s3;
	s6 =	simm.s32 @!p1 $0x1082;
	[sflag:s4] =	ssyncset.s32 $0xFFFFF086  }
0x25: {  	[simem:s6], [sflag:s4] =	dma.local [hbm:s3], $0xF7A  }
0x26: {  	[smem:$0x3F98] =	sst s1;
	(tag) =	ssettag s2;
	_ =	strace s9  }
0x27: {  	s1 =	sld [smem:$0x3FA8]  }
0x28: {  	s2 =	sld [smem:$0x3FA9]  }
0x29: {  	s4 =	sld [smem:$0x3FAB]  }
0x2a: {  	p0 =	seq.s32 s5, $0x0;
	s5 =	sld [smem:$0x3FAC]  }
0x2b: {  	s6 =	sld [smem:$0x3FAD]  }
0x2c: {  	s7 =	sld [smem:$0x3FAE]  }
0x2d: {  	s3 =	simm.s32 $0x108;
	s8 =	sld [smem:$0x3FAF]  }
0x2e: {  	s3 =	simm.s32 @!p0 $0x1082;
	s9 =	sld [smem:$0x3FB0]  }
0x2f: {  	lr =	sadd.s32 s0, s3;
	s0 =	sld [smem:$0x3FA7]  }
0x30: {  	s3 =	sld [smem:$0x3FAA]  }
0x31: {  	[smem:$0x3FB3] =	sst s10  }
0x32: {  	s10 =	sld [smem:$0x3FB1];
	_ =	sdelay $0x3  }
0x33: {  	p0 =	seq.s32 s10, $0x1;
	s10 =	sld [smem:$0x3FB3];
	_ =	sdelay $0x3  }
0x34: {  	[smem:$0x3FB3] =	sst s10  }
0x35: {  	s10 =	sld [smem:$0x3FB2];
	_ =	sdelay $0x3  }
0x36: {  	p1 =	seq.s32 s10, $0x1;
	s10 =	sld [smem:$0x3FB3];
	_ =	sdelay $0x3  }
0x37: {  	[smem:$0x3FB3] =	sst s10  }
0x38: {  	s10 =	sld [smem:$0x3FB4]  }
0x39: {  	_ = 	snop;
	(pc) =	sbr.ind lr, $3  }
0x3a: {  	_ = 	snop  }
0x3b: {  	_ = 	snop  }
0x3c: {  	p2 =	seq.s32 s10, $0x1;
	s10 =	sld [smem:$0x3FB3]  }
0x3d: {  	_ =	shalt  }
0x3e: {  	_ =	shalt  }
0x3f: {  	_ =	shalt  }
0x40: {  	_ =	shalt  }
0x41: {  	_ =	shalt  }
0x42: {  	_ =	shalt  }
0x43: {  	_ =	shalt  }
0x44: {  	_ =	shalt  }
0x45: {  	_ =	shalt  }
0x46: {  	_ =	shalt  }
0x47: {  	_ =	shalt  }
0x48: {  	_ =	shalt  }
0x49: {  	_ =	shalt  }
0x4a: {  	_ =	shalt  }
0x4b: {  	_ =	shalt  }
0x4c: {  	_ =	shalt  }
0x4d: {  	_ =	shalt  }
0x4e: {  	_ =	shalt  }
0x4f: {  	_ =	shalt  }
0x50: {  	_ =	shalt  }
0x51: {  	_ =	shalt  }
0x52: {  	_ =	shalt  }
0x53: {  	_ =	shalt  }
0x54: {  	_ =	shalt  }
0x55: {  	_ =	shalt  }
0x56: {  	_ =	shalt  }
0x57: {  	_ =	shalt  }
0x58: {  	_ =	shalt  }
0x59: {  	_ =	shalt  }
0x5a: {  	_ =	shalt  }
0x5b: {  	_ =	shalt  }
0x5c: {  	_ =	shalt  }
0x5d: {  	_ =	shalt  }
0x5e: {  	_ =	shalt  }
0x5f: {  	_ =	shalt  }
0x60: {  	_ =	shalt  }
0x61: {  	_ =	shalt  }
0x62: {  	_ =	shalt  }
0x63: {  	_ =	shalt  }
0x64: {  	_ =	shalt  }
0x65: {  	_ =	shalt  }
0x66: {  	_ =	shalt  }
0x67: {  	_ =	shalt  }
0x68: {  	_ =	shalt  }
0x69: {  	_ =	shalt  }
0x6a: {  	_ =	shalt  }
0x6b: {  	_ =	shalt  }
0x6c: {  	_ =	shalt  }
0x6d: {  	_ =	shalt  }
0x6e: {  	_ =	shalt  }
0x6f: {  	_ =	shalt  }
0x70: {  	_ =	shalt  }
0x71: {  	_ =	shalt  }
0x72: {  	_ =	shalt  }
0x73: {  	_ =	shalt  }
0x74: {  	_ =	shalt  }
0x75: {  	_ =	shalt  }
0x76: {  	_ =	shalt  }
0x77: {  	_ =	shalt  }
0x78: {  	_ =	shalt  }
0x79: {  	_ =	shalt  }
0x7a: {  	_ =	shalt  }
0x7b: {  	_ =	shalt  }
0x7c: {  	_ =	shalt  }
0x7d: {  	_ =	shalt  }
0x7e: {  	_ =	shalt  }
0x7f: {  	_ =	shalt  }
0x80: {  	_ =	shalt  }
0x81: {  	_ =	shalt  }
0x82: {  	_ =	shalt  }
0x83: {  	_ =	shalt  }
0x84: {  	_ =	shalt  }
0x85: {  	_ =	shalt  }
0x86: {  	_ =	shalt  }
0x87: {  	_ =	shalt  }
.Lfunc_end0:
.L_simem_size_0:
called_computation.1_lowered:
.L_overlay_start_0:
0x88: {  	s2 =	sld [smem:$0x3FD9]  }
0x89: {  	s3 =	sld [smem:$0x3FFE];
	_ =	sdelay $0x1  }
0x8a: {  	s1 =	srdreg.scid  }
0x8b: {  	s0 =	sand.u32 $0x1, s1  }
0x8c: {  	s16 =	sshll.u32 s0, $0xA;
	s2 =	sadd.s32 s3, s2  }
0x8d: {  	s2 =	sadd.s32 s2, s16  }
0x8e: {  	[smem:$0x3FBF] =	sst s2  }
0x8f: {  	_ = 	snop  }
0x90: {  	(tm) =	ssettm $0x1  }
0x91: {  	s17 =	sld [smem:$0x3FFB];
	_ =	sdelay $0x3  }
0x92: {  	_ =	strace s17  }
0x93: {  	s2 =	sld [smem:$0x3FFC];
	_ =	sdelay $0x3  }
0x94: {  	_ =	strace s2  }
0x95: {  	s2 =	sld [smem:$0x3FFD];
	_ =	sdelay $0x3  }
0x96: {  	_ =	strace s2  }
0x97: {  	_ =	strace $0x8FFFFFFF  }
0x98: {  	s18 =	sld [smem:$0x3FDB];
	_ =	sdelay $0x1  }
0x99: {  	s19 =	simm.s32 $_scs_section_size  }
0x9a: {  	s4 =	simm.s32 $_size__tile_overlayer_lowered;
	s5 =	simm.s32 $_tile_overlayer_lowered  }
0x9b: {  	s22 =	simm.s32 $0x1BFF;
	s21 =	sshll.u32 s5, $0x1;
	s2 =	sadd.s32 s19, s18  }
0x9c: {  	s6 =	simm.s32 $0x0;
	s20 =	sshll.u32 s4, $0x1;
	s4 =	sadd.s32 s21, s2  }
0x9d: {  	[timem:s6], [sflag:s22] =	dma.local [hbm:s4], s20  }
0x9e: {  	_ =	swait.ge [sflag:s22], s20  }
0x9f: {  	s3 =	ssub.s32 $0x0, s20;
	[sflag:s22] =	ssyncset.done $0x0  }
0xa0: {  	[sflag:s22] =	ssyncadd.s32 s3;
	_ =	sdelay $0x1  }
0xa1: {  	s23 =	simm.s32 $0x1B8B  }
0xa2: {  	_ =	swait.ge [sflag:s23], $0x1  }
0xa3: {  	[sflag:s23] =	ssyncset.done $0x0  }
0xa4: {  	s25 =	simm.s32 $0x1B8E;
	s24 =	sld [smem:$0x3FFE];
	[sflag:s23] =	ssyncadd.s32 $0xFFFFFFFF  }
0xa5: {  	s26 =	simm.s32 $execute0_lowered;
	[smem:$0x3FD2] =	sst s25  }
0xa6: {  	s4 =	sshll.u32 s26, $0x1;
	_ =	strace $0x80000049;
	[dreg:$0x1] =	wrdreg $0xFFFFFFFF  }
0xa7: {  	s28 =	simm.s32 $_size_execute0_lowered;
	s2 =	sadd.s32 s2, s4;
	[dreg:$0x0] =	wrdreg $0x0  }
0xa8: {  	s4 =	sshll.u32 s28, $0x1;
	[dreg:$0x2] =	wrdreg s2  }
0xa9: {  	[dreg:$0x3] =	wrdreg s4  }
0xaa: {  	[dreg:$0x4] =	wrdreg $0xC0  }
0xab: {  	_ =	task [dreg:s6], $0x5FFFF  }
0xac: {  	[dreg:$0x1] =	wrdreg $0xFFFFFFFF  }
0xad: {  	[dreg:$0x0] =	wrdreg $0x60  }
0xae: {  	[dreg:$0x2] =	wrdreg s24  }
0xaf: {  	[dreg:$0x3] =	wrdreg $0xC7000  }
0xb0: {  	[dreg:$0x4] =	wrdreg $0x9  }
0xb1: {  	_ =	task.clear_ibuf [dreg:s6], $0x5FFFF;
	_ =	strace $0x90000049  }
0xb2: {  	s29 =	simm.s32 $0x9;
	_ =	strace $0x8000004B  }
0xb3: {  	_ =	swait.ge [sflag:s29], $0x1  }
0xb4: {  	[sflag:s29] =	ssyncadd.s32 $0xFFFFFFFF  }
0xb5: {  	_ =	strace $0x9000004B  }
0xb6: {  	_ =	sfence  }
0xb7: {  	s30 =	sld [smem:$0x0];
	_ =	sdelay $0x2  }
0xb8: {  	s31 =	sshll.u32 s1, $0xD;
	s1 =	sshrl.u32 s1, $0x2  }
0xb9: {  	s3 =	sand.u32 $0x4000, s31;
	s1 =	sadd.s32 s1, s30  }
0xba: {  	s0 =	sor.u32 s3, s0;
	s1 =	sshll.u32 s1, $0x11  }
0xbb: {  	s0 =	sor.u32 s1, s0  }
0xbc: {  	s0 =	sadd.s32 $0x8F2B, s0  }
0xbd: {  	[sflag:s0] =	ssyncadd.remote.s32 $0x1  }
0xbe: {  	_ =	sfence.sel $0xFFFF  }
0xbf: {  	[dreg:$0x0] =	wrdreg $0xFFFFFFFF;
	(pc) =	sbr.abs _section_cstart, $3  }
0xc0: {  	[dreg:$0x1] =	wrdreg $0xFFFFFFFF  }
0xc1: {  	_ =	task.clear_ibuf [dreg:s6], $0x2FFFF;
	_ =	strace $0x9FFFFFFF  }
0xc2: {  	(tm) =	ssettm $0x7FFFFFFF  }
0xc3: {  	_ =	shalt  }
tec
execute0_lowered:
.L_overlay_start_1:
0x0: {  	(tag) =	ssettag $0x1  }
0x1: {  	s0 =	rddreg [dreg:$0x0]  }
0x2: {  	s1 =	rddreg [dreg:$0x1];
	s2 =	simm.s32 $0x0  }
0x3: {  	s4 =	srdreg.scid;
	s5 =	stileid.u32;
	s28 =	simm.s32 $0x400  }
0x4: {  	s29 =	simm.s32 $0x180;
	s31 =	simm.s32 $0x480;
	s30 =	simm.s32 $0x17  }
0x5: {  	[smem:$0x7FF] =	sst s2;
	s3 =	sadd.s32 $0x16400, s0;
	s12 =	sadd.s32 $0x2800, s0  }
0x6: {  	s13 =	sadd.s32 $0xC600, s0;
	s4 =	sand.u32 $0x1, s4;
	s7 =	smul.u32 $0x4E000, s5  }
0x7: {  	s6 =	sadd.s32 $0x3D600, s0;
	s10 =	smul.u32 $0x13800, s5;
	s19 =	sshll.u32 s5, $0x6  }
0x8: {  	s0 =	sadd.s32 $0x3D400, s0;
	s17 =	smul.u32 $0x2710, s5;
	p0 =	sne.s32 s5, $0x0  }
0x9: {  	_ =	strace $0x8000004A;
	s8 =	sshll.u32 s4, $0x4;
	[dreg:$0x8] =	wrdreg s0  }
0xa: {  	s9 =	ssub.s32 $0x2, s4;
	s25 =	smul.u32 $0x138800, s4;
	[dreg:$0x4] =	wrdreg s13  }
0xb: {  	s14 =	sor.u32 $0x1C19, s19;
	s4 =	smul.u32 $0x27100, s4;
	[dreg:$0x3] =	wrdreg s12  }
0xc: {  	s8 =	sor.u32 s5, s8;
	s11 =	sshrl.u32 s9, $0x1;
	s7 =	sshrl.u32 s7, $0x2  }
0xd: {  	s18 =	sshrl.u32 s10, $0x3;
	s8 =	smul.u32 $0x2710, s8;
	s9 =	ssub.s32 s9, s11  }
0xe: {  	s7 =	sadd.s32 s7, s1;
	s16 =	sshrl.u32 s25, $0x3;
	s4 =	sadd.s32 s17, s4  }
0xf: {  	[dreg:$0x5] =	wrdreg s7;
	s7 =	sadd.s32 s3, s18;
	s8 =	sshrl.u32 s8, $0x3  }
0x10: {  	[dreg:$0x6] =	wrdreg s7;
	s20 =	sadd.s32 $0x8, s8;
	s21 =	sadd.s32 s12, s8  }
0x11: {  	s19 =	sadd.s32 s6, s16;
	[dreg:$0x9] =	wrdreg s21;
	s22 =	sadd.s32 s12, s20  }
0x12: {  	s23 =	sadd.s32 $0x10, s8;
	s0 =	sadd.s32 s13, s20;
	[dreg:$0xa] =	wrdreg s22  }
0x13: {  	s24 =	sadd.s32 $0x18, s8;
	s15 =	sadd.s32 s12, s23;
	[dreg:$0xb] =	wrdreg s0  }
0x14: {  	s18 =	sadd.s32 $0x20, s8;
	s26 =	sadd.s32 s12, s24;
	[dreg:$0xc] =	wrdreg s15  }
0x15: {  	s7 =	sadd.s32 s13, s24;
	s20 =	sadd.s32 s12, s18;
	[dreg:$0xe] =	wrdreg s26  }
0x16: {  	s21 =	sadd.s32 $0x28, s8;
	s0 =	sadd.s32 s13, s23;
	[dreg:$0xf] =	wrdreg s7  }
0x17: {  	s15 =	sadd.s32 s10, s25;
	[dreg:$0x11] =	wrdreg s20;
	s10 =	smov.u32 s14  }
0x18: {  	s22 =	sadd.s32 s13, s18;
	s23 =	sadd.s32 s12, s21;
	[dreg:$0xd] =	wrdreg s0  }
0x19: {  	s24 =	sadd.s32 s13, s21;
	s25 =	sadd.s32 s13, s8;
	[dreg:$0x12] =	wrdreg s22  }
0x1a: {  	s26 =	sadd.s32 $0x4E0, s8;
	s8 =	sadd.s32 $0x2C0, s4;
	[dreg:$0x13] =	wrdreg s23  }
0x1b: {  	s14 =	sadd.s32 $0x280, s4;
	s18 =	sadd.s32 $0x240, s4;
	[dreg:$0x14] =	wrdreg s24  }
0x1c: {  	s21 =	sadd.s32 $0x1C0, s4;
	s0 =	sshrl.u32 s15, $0x3;
	[dreg:$0x15] =	wrdreg s25  }
0x1d: {  	s7 =	sadd.s32 s12, s26;
	s5 =	sadd.s32 s13, s26;
	s11 =	sshrl.u32 s8, $0x3  }
0x1e: {  	s15 =	smax.u32 s9, $0x1;
	s22 =	sshrl.u32 s21, $0x3;
	[dreg:$0x7] =	wrdreg s10  }
0x1f: {  	s25 =	sadd.s32 $0x180, s4;
	s26 =	sadd.s32 $0x138000, s1;
	[dreg:$0x16] =	wrdreg s7  }
0x20: {  	s9 =	simm.s32 $0x280;
	s21 =	simm.s32 $0x11;
	[dreg:$0x17] =	wrdreg s5  }
0x21: {  	s8 =	simm.s32 $0x18;
	s0 =	sadd.s32 s6, s0;
	[dreg:$0x19] =	wrdreg s15  }
0x22: {  	s5 =	sshrl.u32 s14, $0x3;
	s16 =	sadd.s32 s11, s13;
	[smem:$0x7FC] =	sst s25  }
0x23: {  	s24 =	sadd.s32 s22, s13;
	[smem:$0x7FD] =	sst s26;
	s14 =	simm.s32 $0x380  }
0x24: {  	s7 =	simm.s32 $0x500;
	s25 =	simm.s32 $0x15;
	[dreg:$0x10] =	wrdreg s0  }
0x25: {  	s15 =	simm.s32 $0x0;
	s0 =	sadd.s32 $0x27000, s19;
	[dreg:$0x1a] =	wrdreg s16  }
0x26: {  	s17 =	sadd.s32 s5, s13;
	s5 =	sadd.s32 s5, s12;
	[smem:$0x7FA] =	sst s24  }
0x27: {  	s19 =	sadd.s32 $0x200, s4;
	s16 =	simm.s32 $0x300;
	[dreg:$0x18] =	wrdreg s0  }
0x28: {  	s4 =	simm.s32 $0x100;
	s24 =	simm.s32 $0x14;
	[dreg:$0x1c] =	wrdreg s17  }
0x29: {  	s0 =	sadd.s32 s11, s12;
	[dreg:$0x1d] =	wrdreg s5;
	s5 =	sshrl.u32 s19, $0x3  }
0x2a: {  	s11 =	simm.s32 $0x580;
	s19 =	simm.s32 $0xF;
	s17 =	simm.s32 $0x6600  }
0x2b: {  	[dreg:$0x1b] =	wrdreg s0;
	s0 =	sshrl.u32 s18, $0x3;
	s23 =	sadd.s32 s5, s13  }
0x2c: {  	s5 =	sadd.s32 s5, s12;
	s18 =	simm.s32 $0xE;
	[smem:$0x7F8] =	sst s23  }
.Ltmp0:
0x2d: {  	s20 =	sadd.s32 s0, s13;
	[smem:$0x7F9] =	sst s5;
	(pc) =	sbr.rel .LBB2_1-.Ltmp0, $4  }
0x2e: {  	s0 =	sadd.s32 s0, s12;
	s13 =	simm.s32 $0x80;
	[dreg:$0x1e] =	wrdreg s20  }
0x2f: {  	s23 =	simm.s32 $0x13;
	s5 =	simm.s32 $0x16;
	[dreg:$0x1f] =	wrdreg s0  }
0x30: {  	s0 =	sadd.s32 s22, s12;
	s12 =	simm.s32 $0x40;
	s20 =	simm.s32 $0x10  }
0x31: {  	s22 =	simm.s32 $0x12;
	[smem:$0x7FB] =	sst s0;
	s0 =	simm.s32 $0x200  }
.LBB2_4:
0x32: {  	_ =	swait.ge [sflag:s24], $0x2000  }
0x33: {  	[sflag:s24] =	ssyncset.done $0x0  }
0x34: {  	[sflag:s24] =	ssyncadd.s32 $0xFFFFE000  }
0x35: {  	_ =	swait.ge [sflag:s25], $0x2000  }
0x36: {  	[sflag:s25] =	ssyncset.done $0x0  }
0x37: {  	[sflag:s25] =	ssyncadd.s32 $0xFFFFE000  }
0x38: {  	_ =	swait.ge [sflag:s5], $0x2000  }
0x39: {  	[sflag:s5] =	ssyncset.done $0x0  }
0x3a: {  	[sflag:s5] =	ssyncadd.s32 $0xFFFFE000  }
0x3b: {  	_ =	swait.ge [sflag:s30], $0x2000  }
0x3c: {  	[sflag:s30] =	ssyncset.done $0x0  }
0x3d: {  	[sflag:s30] =	ssyncadd.s32 $0xFFFFE000  }
0x3e: {  	_ =	swait.ge [sflag:s8], $0x2000  }
0x3f: {  	s7 =	simm.s32 $0xC600;
	[sflag:s8] =	ssyncset.done $0x0  }
0x40: {  	s4 =	simm.s32 $0x19;
	s6 =	rddreg [dreg:$0x16];
	[sflag:s8] =	ssyncadd.s32 $0xFFFFE000  }
0x41: {  	[tilespmem:s7], [sflag:$0x19] =	stream.linear.gather [hbm4b:s6+s2], $0x10, $0x38;
	[tilespmem:$0x1FF80] =	vst v63  }
0x42: {  	_ =	swait.ge [sflag:s4], $0x10  }
0x43: {  	[sflag:s4] =	ssyncset.done $0x0  }
0x44: {  	s9 =	simm.s32 $0xC680;
	s15 =	rddreg [dreg:$0x17];
	[sflag:s4] =	ssyncadd.s32 $0xFFFFFFF0  }
0x45: {  	[tilespmem:s9], [sflag:$0x19] =	stream.linear.gather [hbm4b:s15+s2], $0x10, $0x38;
	[tilespmem:$0x1FF80] =	vst v63  }
0x46: {  	_ =	swait.ge [sflag:s4], $0x10  }
0x47: {  	[sflag:s4] =	ssyncset.done $0x0  }
0x48: {  	s0 =	simm.s32 $0x600;
	[sflag:s4] =	ssyncadd.s32 $0xFFFFFFF0  }
0x49: {  	[tilespmem:s0], [sflag:$0x19] =	stream.indirect.gather [hbm4b:s3+s20], $0x80, s7, s20, $0xb8;
	[tilespmem:$0x1FF80] =	vst v63  }
0x4a: {  	_ =	swait.ge [sflag:s4], $0x800  }
0x4b: {  	[sflag:s4] =	ssyncset.done $0x0  }
0x4c: {  	[sflag:s4] =	ssyncadd.s32 $0xFFFFF800  }
0x4d: {  	[spmem:s1] =	stream.indirect.scatter.add.f32 [tilespmem:s0], [sflag:$0x19], $0x80, s9, s20, $0xb8;
	[tilespmem:$0x1FF80] =	vst v63  }
0x4e: {  	_ =	swait.ge [sflag:s4], $0x800  }
0x4f: {  	[sflag:s4] =	ssyncset.done $0x0  }
0x50: {  	[sflag:s4] =	ssyncadd.s32 $0xFFFFF800  }
0x51: {  	[bflag:$0x0] =	sbarrier.arrive $0xFFFF  }
0x52: {  	s26 =	sld [smem:$0x7F6]  }
0x53: {  	s10 =	rddreg [dreg:$0x7]  }
0x54: {  	s16 =	rddreg [dreg:$0x10]  }
0x55: {  	[hbm:s16], [sflag:s10] =	dma.local [spmem:s26], $0x2700  }
0x56: {  	_ =	swait.ge [sflag:s4], $0x2700  }
0x57: {  	s0 =	sld [smem:$0x7F7]  }
0x58: {  	[sflag:s4] =	ssyncset.done $0x0  }
0x59: {  	s6 =	rddreg [dreg:$0x18];
	[sflag:s4] =	ssyncadd.s32 $0xFFFFD900  }
0x5a: {  	[hbm:s6], [sflag:s10] =	dma.local @!p0 [spmem:s0], $0x100  }
0x5b: {  	s6 =	simm.s32 @!p0 $0x19  }
0x5c: {  	_ =	swait.ge @!p0 [sflag:s6], $0x100  }
0x5d: {  	s15 =	sld [smem:$0x7F5];
	_ =	sdelay $0x2  }
0x5e: {  	s16 =	rddreg [dreg:$0x19];
	s15 =	sadd.s32 $0x1, s15  }
0x5f: {  	p1 =	sne.s32 s15, s16  }
.Ltmp1:
0x60: {  	s13 =	simm.s32 $0x80;
	(pc) =	sbr.rel @!p1 .LBB2_5-.Ltmp1, $4  }
0x61: {  	s14 =	simm.s32 $0x380;
	s28 =	simm.s32 $0x400;
	s29 =	simm.s32 $0x180  }
0x62: {  	s31 =	simm.s32 $0x480;
	s11 =	simm.s32 $0x580;
	s7 =	simm.s32 $0x500  }
0x63: {  	s9 =	simm.s32 $0x280;
	s4 =	simm.s32 $0x100;
	[sflag:s6] =	ssyncset.done @!p0 $0x0  }
0x64: {  	s0 =	simm.s32 $0x200;
	[sflag:s6] =	ssyncadd.s32 @!p0 $0xFFFFFF00;
	s16 =	simm.s32 $0x300  }
.LBB2_1:
0x65: {  	[smem:$0x7F5] =	sst s15  }
0x66: {  	s6 =	rddreg [dreg:$0x5]  }
0x67: {  	s26 =	rddreg [dreg:$0x6];
	s6 =	sshrl.u32 s6, $0x3  }
0x68: {  	[smem:$0x7F6] =	sst s6  }
0x69: {  	[spmem:s6], [sflag:s10] =	dma.local [hbm:s26], $0x2700  }
0x6a: {  	s26 =	simm.s32 $0x19  }
0x6b: {  	_ =	swait.ge [sflag:s26], $0x2700  }
0x6c: {  	s6 =	sld [smem:$0x7FD];
	_ =	sdelay $0x2  }
0x6d: {  	[sflag:s26] =	ssyncset.done $0x0;
	s15 =	sshrl.u32 @!p0 s6, $0x3;
	s6 =	rddreg [dreg:$0x8]  }
0x6e: {  	[sflag:s26] =	ssyncadd.s32 $0xFFFFD900;
	[smem:$0x7F7] =	sst s15  }
0x6f: {  	[spmem:s15], [sflag:s10] =	dma.local @!p0 [hbm:s6], $0x100  }
0x70: {  	s6 =	simm.s32 @!p0 $0x19  }
0x71: {  	_ =	swait.ge @!p0 [sflag:s6], $0x100  }
0x72: {  	[sflag:s6] =	ssyncset.done @!p0 $0x0  }
0x73: {  	[sflag:s6] =	ssyncadd.s32 @!p0 $0xFFFFFF00  }
0x74: {  	[bflag:$0x0] =	sbarrier.arrive $0xFFFF  }
0x75: {  	s10 =	rddreg [dreg:$0x9]  }
0x76: {  	s15 =	rddreg [dreg:$0x15]  }
0x77: {  	[tilespmem:s2], [sflag:$0x1] =	stream.linear.gather [hbm4b:s10+s2], $0x40, $0x38;
	[tilespmem:$0x1FF80] =	vst v63  }
0x78: {  	s26 =	rddreg [dreg:$0xa]  }
0x79: {  	[tilespmem:s16], [sflag:$0x7] =	stream.linear.gather [hbm4b:s15+s2], $0x40, $0x38;
	[tilespmem:$0x1FF80] =	vst v63  }
0x7a: {  	s6 =	sld [smem:$0x7FC]  }
0x7b: {  	[tilespmem:s13], [sflag:$0x2] =	stream.linear.gather [hbm4b:s26+s2], $0x40, $0x38;
	[tilespmem:$0x1FF80] =	vst v63  }
0x7c: {  	s10 =	rddreg [dreg:$0xb]  }
0x7d: {  	[tilespmem:s14], [sflag:$0x8] =	stream.linear.gather [hbm4b:s10+s2], $0x40, $0x38;
	[tilespmem:$0x1FF80] =	vst v63  }
0x7e: {  	s15 =	rddreg [dreg:$0xc]  }
0x7f: {  	[tilespmem:s4], [sflag:$0x3] =	stream.linear.gather [hbm4b:s15+s2], $0x40, $0x38;
	[tilespmem:$0x1FF80] =	vst v63  }
0x80: {  	s26 =	rddreg [dreg:$0xd]  }
0x81: {  	[tilespmem:s28], [sflag:$0x9] =	stream.linear.gather [hbm4b:s26+s2], $0x40, $0x38;
	[tilespmem:$0x1FF80] =	vst v63  }
0x82: {  	s10 =	rddreg [dreg:$0xe]  }
0x83: {  	[tilespmem:s29], [sflag:$0x4] =	stream.linear.gather [hbm4b:s10+s2], $0x40, $0x38;
	[tilespmem:$0x1FF80] =	vst v63  }
0x84: {  	s15 =	rddreg [dreg:$0xf]  }
0x85: {  	[tilespmem:s31], [sflag:$0xA] =	stream.linear.gather [hbm4b:s15+s2], $0x40, $0x38;
	[tilespmem:$0x1FF80] =	vst v63  }
0x86: {  	s26 =	rddreg [dreg:$0x11]  }
0x87: {  	[tilespmem:s0], [sflag:$0x5] =	stream.linear.gather [hbm4b:s26+s2], $0x40, $0x38;
	[tilespmem:$0x1FF80] =	vst v63  }
0x88: {  	s10 =	rddreg [dreg:$0x12]  }
0x89: {  	[tilespmem:s7], [sflag:$0xB] =	stream.linear.gather [hbm4b:s10+s2], $0x40, $0x38;
	[tilespmem:$0x1FF80] =	vst v63  }
0x8a: {  	s15 =	rddreg [dreg:$0x13]  }
0x8b: {  	[tilespmem:s9], [sflag:$0x6] =	stream.linear.gather [hbm4b:s15+s2], $0x40, $0x38;
	[tilespmem:$0x1FF80] =	vst v63  }
0x8c: {  	s26 =	rddreg [dreg:$0x14];
	s10 =	simm.s32 $0x0  }
0x8d: {  	[tilespmem:s11], [sflag:$0xC] =	stream.linear.gather [hbm4b:s26+s2], $0x40, $0x38;
	[tilespmem:$0x1FF80] =	vst v63  }
.LBB2_2:
0x8e: {  	s15 =	simm.s32 $0x1  }
0x8f: {  	_ =	swait.ge [sflag:s15], $0x40  }
0x90: {  	[sflag:s15] =	ssyncset.done $0x0  }
0x91: {  	s26 =	simm.s32 $0x7;
	[sflag:s15] =	ssyncadd.s32 $0xFFFFFFC0  }
0x92: {  	_ =	swait.ge [sflag:s26], $0x40  }
0x93: {  	[sflag:s26] =	ssyncset.done $0x0  }
0x94: {  	s15 =	simm.s32 $0x600;
	[sflag:s26] =	ssyncadd.s32 $0xFFFFFFC0;
	s26 =	simm.s32 $0x2  }
0x95: {  	[tilespmem:s15], [sflag:$0xD] =	stream.indirect.gather [hbm4b:s3+s12], $0x80, s2, s12, $0xb8;
	[tilespmem:$0x1FF80] =	vst v63  }
0x96: {  	_ =	swait.ge [sflag:s26], $0x40  }
0x97: {  	[sflag:s26] =	ssyncset.done $0x0  }
0x98: {  	[sflag:s26] =	ssyncadd.s32 $0xFFFFFFC0;
	s26 =	simm.s32 $0x8  }
0x99: {  	_ =	swait.ge [sflag:s26], $0x40  }
0x9a: {  	[sflag:s26] =	ssyncset.done $0x0  }
0x9b: {  	[sflag:s26] =	ssyncadd.s32 $0xFFFFFFC0;
	s26 =	simm.s32 $0x2600  }
0x9c: {  	[tilespmem:s26], [sflag:$0xE] =	stream.indirect.gather [hbm4b:s3+s12], $0x80, s13, s12, $0xb8;
	[tilespmem:$0x1FF80] =	vst v63  }
0x9d: {  	s13 =	simm.s32 $0x3  }
0x9e: {  	_ =	swait.ge [sflag:s13], $0x40  }
0x9f: {  	[sflag:s13] =	ssyncset.done $0x0  }
0xa0: {  	[sflag:s13] =	ssyncadd.s32 $0xFFFFFFC0;
	s13 =	simm.s32 $0x9  }
0xa1: {  	_ =	swait.ge [sflag:s13], $0x40  }
0xa2: {  	[sflag:s13] =	ssyncset.done $0x0  }
0xa3: {  	[sflag:s13] =	ssyncadd.s32 $0xFFFFFFC0;
	s13 =	simm.s32 $0x4600  }
0xa4: {  	[tilespmem:s13], [sflag:$0xF] =	stream.indirect.gather [hbm4b:s3+s12], $0x80, s4, s12, $0xb8;
	[tilespmem:$0x1FF80] =	vst v63  }
0xa5: {  	s4 =	simm.s32 $0x4  }
0xa6: {  	_ =	swait.ge [sflag:s4], $0x40  }
0xa7: {  	[sflag:s4] =	ssyncset.done $0x0  }
0xa8: {  	[sflag:s4] =	ssyncadd.s32 $0xFFFFFFC0;
	s4 =	simm.s32 $0xA  }
0xa9: {  	_ =	swait.ge [sflag:s4], $0x40  }
0xaa: {  	[sflag:s4] =	ssyncset.done $0x0  }
0xab: {  	[sflag:s4] =	ssyncadd.s32 $0xFFFFFFC0;
	s4 =	simm.s32 $0x5  }
0xac: {  	[tilespmem:s17], [sflag:$0x10] =	stream.indirect.gather [hbm4b:s3+s12], $0x80, s29, s12, $0xb8;
	[tilespmem:$0x1FF80] =	vst v63  }
0xad: {  	_ =	swait.ge [sflag:s4], $0x40  }
0xae: {  	[sflag:s4] =	ssyncset.done $0x0  }
0xaf: {  	[sflag:s4] =	ssyncadd.s32 $0xFFFFFFC0;
	s4 =	simm.s32 $0xB  }
0xb0: {  	_ =	swait.ge [sflag:s4], $0x40  }
0xb1: {  	[sflag:s4] =	ssyncset.done $0x0  }
0xb2: {  	[sflag:s4] =	ssyncadd.s32 $0xFFFFFFC0;
	s4 =	simm.s32 $0x8600  }
0xb3: {  	[tilespmem:s4], [sflag:$0x11] =	stream.indirect.gather [hbm4b:s3+s12], $0x80, s0, s12, $0xb8;
	[tilespmem:$0x1FF80] =	vst v63  }
0xb4: {  	s0 =	simm.s32 $0x6  }
0xb5: {  	_ =	swait.ge [sflag:s0], $0x40  }
0xb6: {  	[sflag:s0] =	ssyncset.done $0x0  }
0xb7: {  	[sflag:s0] =	ssyncadd.s32 $0xFFFFFFC0;
	s0 =	simm.s32 $0xC  }
0xb8: {  	_ =	swait.ge [sflag:s0], $0x40  }
0xb9: {  	[sflag:s0] =	ssyncset.done $0x0  }
0xba: {  	s29 =	simm.s32 $0xA600;
	[sflag:s0] =	ssyncadd.s32 $0xFFFFFFC0  }
0xbb: {  	[tilespmem:s29], [sflag:$0x12] =	stream.indirect.gather [hbm4b:s3+s12], $0x80, s9, s12, $0xb8;
	[tilespmem:$0x1FF80] =	vst v63  }
0xbc: {  	s9 =	simm.s32 $0xD  }
0xbd: {  	_ =	swait.ge [sflag:s9], $0x2000  }
0xbe: {  	[sflag:s9] =	ssyncset.done $0x0  }
0xbf: {  	[sflag:s9] =	ssyncadd.s32 $0xFFFFE000  }
0xc0: {  	[spmem:s1] =	stream.indirect.scatter.add.f32 [tilespmem:s15], [sflag:$0x13], $0x80, s16, s12, $0xb8;
	[tilespmem:$0x1FF80] =	vst v63  }
0xc1: {  	_ =	swait.ge [sflag:s18], $0x2000  }
0xc2: {  	[sflag:s18] =	ssyncset.done $0x0  }
0xc3: {  	[sflag:s18] =	ssyncadd.s32 $0xFFFFE000  }
0xc4: {  	[spmem:s1] =	stream.indirect.scatter.add.f32 [tilespmem:s26], [sflag:$0x14], $0x80, s14, s12, $0xb8;
	[tilespmem:$0x1FF80] =	vst v63  }
0xc5: {  	_ =	swait.ge [sflag:s19], $0x2000  }
0xc6: {  	[sflag:s19] =	ssyncset.done $0x0  }
0xc7: {  	[sflag:s19] =	ssyncadd.s32 $0xFFFFE000  }
0xc8: {  	[spmem:s1] =	stream.indirect.scatter.add.f32 [tilespmem:s13], [sflag:$0x15], $0x80, s28, s12, $0xb8;
	[tilespmem:$0x1FF80] =	vst v63  }
0xc9: {  	_ =	swait.ge [sflag:s20], $0x2000  }
0xca: {  	[sflag:s20] =	ssyncset.done $0x0  }
0xcb: {  	[sflag:s20] =	ssyncadd.s32 $0xFFFFE000  }
0xcc: {  	[spmem:s1] =	stream.indirect.scatter.add.f32 [tilespmem:s17], [sflag:$0x16], $0x80, s31, s12, $0xb8;
	[tilespmem:$0x1FF80] =	vst v63  }
0xcd: {  	_ =	swait.ge [sflag:s21], $0x2000  }
0xce: {  	[sflag:s21] =	ssyncset.done $0x0  }
0xcf: {  	p1 =	seq.s32 s10, $0x4B0;
	[sflag:s21] =	ssyncadd.s32 $0xFFFFE000  }
0xd0: {  	[spmem:s1] =	stream.indirect.scatter.add.f32 [tilespmem:s4], [sflag:$0x17], $0x80, s7, s12, $0xb8;
	[tilespmem:$0x1FF80] =	vst v63  }
0xd1: {  	s0 =	simm.s32 $0x480;
	s9 =	simm.s32 $0x500;
	_ =	swait.ge [sflag:s22], $0x2000  }
0xd2: {  	s15 =	simm.s32 $0x580;
	s14 =	simm.s32 $0x80;
	[sflag:s22] =	ssyncset.done $0x0  }
.Ltmp2:
0xd3: {  	s28 =	simm.s32 $0x100;
	[sflag:s22] =	ssyncadd.s32 $0xFFFFE000;
	(pc) =	sbr.rel @p1 .LBB2_4-.Ltmp2, $4  }
0xd4: {  	[spmem:s1] =	stream.indirect.scatter.add.f32 [tilespmem:s29], [sflag:$0x18], $0x80, s11, s12, $0xb8;
	[tilespmem:$0x1FF80] =	vst v63  }
0xd5: {  	s13 =	simm.s32 $0x300;
	s31 =	simm.s32 $0x180;
	_ =	swait.ge [sflag:s23], $0x2000  }
0xd6: {  	s7 =	simm.s32 $0x200;
	s4 =	simm.s32 $0x380;
	[sflag:s23] =	ssyncset.done $0x0  }
0xd7: {  	s11 =	simm.s32 $0x280;
	s29 =	simm.s32 $0x400;
	[sflag:s23] =	ssyncadd.s32 $0xFFFFE000  }
0xd8: {  	s16 =	sshrl.u32 s6, $0x3;
	s26 =	rddreg [dreg:$0x3]  }
0xd9: {  	s26 =	sadd.s32 s26, s16  }
0xda: {  	[tilespmem:s2], [sflag:$0x1] =	stream.linear.gather [hbm4b:s26+s2], $0x40, $0x38;
	[tilespmem:$0x1FF80] =	vst v63  }
0xdb: {  	s26 =	rddreg [dreg:$0x4]  }
0xdc: {  	s16 =	sadd.s32 s26, s16  }
0xdd: {  	[tilespmem:s13], [sflag:$0x7] =	stream.linear.gather [hbm4b:s16+s2], $0x40, $0x38;
	[tilespmem:$0x1FF80] =	vst v63  }
0xde: {  	_ =	swait.ge [sflag:s24], $0x2000  }
0xdf: {  	s13 =	sld [smem:$0x7FB];
	_ =	sdelay $0x1  }
0xe0: {  	[sflag:s24] =	ssyncset.done $0x0;
	s26 =	sld [smem:$0x7FA]  }
0xe1: {  	[sflag:s24] =	ssyncadd.s32 $0xFFFFE000;
	s16 =	sadd.s32 s10, s13  }
0xe2: {  	[tilespmem:s14], [sflag:$0x2] =	stream.linear.gather [hbm4b:s16+s2], $0x40, $0x38;
	[tilespmem:$0x1FF80] =	vst v63  }
0xe3: {  	s16 =	sadd.s32 s10, s26  }
0xe4: {  	[tilespmem:s4], [sflag:$0x8] =	stream.linear.gather [hbm4b:s16+s2], $0x40, $0x38;
	[tilespmem:$0x1FF80] =	vst v63  }
0xe5: {  	_ =	swait.ge [sflag:s25], $0x2000  }
0xe6: {  	s4 =	sld [smem:$0x7F9];
	_ =	sdelay $0x1  }
0xe7: {  	[sflag:s25] =	ssyncset.done $0x0;
	s13 =	sld [smem:$0x7F8]  }
0xe8: {  	[sflag:s25] =	ssyncadd.s32 $0xFFFFE000;
	s16 =	sadd.s32 s10, s4  }
0xe9: {  	[tilespmem:s28], [sflag:$0x3] =	stream.linear.gather [hbm4b:s16+s2], $0x40, $0x38;
	[tilespmem:$0x1FF80] =	vst v63  }
0xea: {  	s16 =	sadd.s32 s10, s13  }
0xeb: {  	[tilespmem:s29], [sflag:$0x9] =	stream.linear.gather [hbm4b:s16+s2], $0x40, $0x38;
	[tilespmem:$0x1FF80] =	vst v63  }
0xec: {  	_ =	swait.ge [sflag:s5], $0x2000  }
0xed: {  	[sflag:s5] =	ssyncset.done $0x0;
	s14 =	rddreg [dreg:$0x1f]  }
0xee: {  	s26 =	rddreg [dreg:$0x1e];
	[sflag:s5] =	ssyncadd.s32 $0xFFFFE000;
	s16 =	sadd.s32 s10, s14  }
0xef: {  	[tilespmem:s31], [sflag:$0x4] =	stream.linear.gather [hbm4b:s16+s2], $0x40, $0x38;
	[tilespmem:$0x1FF80] =	vst v63  }
0xf0: {  	s16 =	sadd.s32 s10, s26  }
0xf1: {  	[tilespmem:s0], [sflag:$0xA] =	stream.linear.gather [hbm4b:s16+s2], $0x40, $0x38;
	[tilespmem:$0x1FF80] =	vst v63  }
0xf2: {  	_ =	swait.ge [sflag:s30], $0x2000  }
0xf3: {  	s6 =	sadd.s32 $0x180, s6;
	[sflag:s30] =	ssyncset.done $0x0;
	s4 =	rddreg [dreg:$0x1d]  }
0xf4: {  	s13 =	rddreg [dreg:$0x1c];
	[sflag:s30] =	ssyncadd.s32 $0xFFFFE000;
	s16 =	sadd.s32 s10, s4  }
0xf5: {  	[tilespmem:s7], [sflag:$0x5] =	stream.linear.gather [hbm4b:s16+s2], $0x40, $0x38;
	[tilespmem:$0x1FF80] =	vst v63  }
0xf6: {  	s28 =	simm.s32 $0x400;
	s29 =	simm.s32 $0x180;
	s16 =	sadd.s32 s10, s13  }
0xf7: {  	[tilespmem:s9], [sflag:$0xB] =	stream.linear.gather [hbm4b:s16+s2], $0x40, $0x38;
	[tilespmem:$0x1FF80] =	vst v63  }
0xf8: {  	s31 =	simm.s32 $0x480;
	s0 =	simm.s32 $0x200;
	_ =	swait.ge [sflag:s8], $0x2000  }
0xf9: {  	s4 =	simm.s32 $0x100;
	s13 =	simm.s32 $0x80;
	s14 =	rddreg [dreg:$0x1b]  }
0xfa: {  	s7 =	simm.s32 $0x500;
	[sflag:s8] =	ssyncset.done $0x0;
	s26 =	rddreg [dreg:$0x1a]  }
.Ltmp3:
0xfb: {  	[sflag:s8] =	ssyncadd.s32 $0xFFFFE000;
	s16 =	sadd.s32 s10, s14;
	(pc) =	sbr.rel .LBB2_2-.Ltmp3, $4  }
0xfc: {  	[tilespmem:s11], [sflag:$0x6] =	stream.linear.gather [hbm4b:s16+s2], $0x40, $0x38;
	[tilespmem:$0x1FF80] =	vst v63  }
0xfd: {  	s9 =	simm.s32 $0x280;
	s14 =	simm.s32 $0x380;
	s16 =	sadd.s32 s10, s26  }
0xfe: {  	[tilespmem:s15], [sflag:$0xC] =	stream.linear.gather [hbm4b:s16+s2], $0x40, $0x38;
	[tilespmem:$0x1FF80] =	vst v63  }
0xff: {  	s10 =	sadd.s32 $0x30, s10;
	s11 =	simm.s32 $0x580;
	s16 =	simm.s32 $0x300  }
.LBB2_5:
0x100: {  	_ =	sfence.sel $0x180000  }
0x101: {  	[bflag:$0x0] =	sbarrier.arrive $0xFFFF  }
0x102: {  	_ =	strace $0x9000004A  }
0x103: {  	[bflag:$0x2] =	sbarrier.arrive $0xFFFF  }
0x104: {  	s0 =	rddreg [dreg:$0x2]  }
0x105: {  	s0 =	sadd.s32 @!p0 $0x100000, s0  }
0x106: {  	[sflag:s0] =	ssyncadd.tile.s32 @!p0 $0x1;
	_ =	shalt  }
.Lfunc_end2:
_tile_overlayer_lowered:
.L_overlay_start_2:
0x107: {  	(tag) =	ssettag $0x2  }
0x108: {  	s0 =	rddreg [dreg:$0x0];
	s2 =	stileid.u32  }
0x109: {  	s1 =	rddreg [dreg:$0x1];
	p0 =	sne.s32 s2, $0x0  }
0x10a: {  	s3 =	rddreg [dreg:$0x2];
	[bflag:$0x3] =	sbarrier.arrive $0xFFFF;
	s2 =	simm.s32 @!p0 $0x1C19  }
0x10b: {  	[timem:s3], [sflag:s2] =	dma.local @!p0 [hbm:s0], s1  }
0x10c: {  	s0 =	simm.s32 @!p0 $0x19  }
0x10d: {  	_ =	swait.ge @!p0 [sflag:s0], s1  }
0x10e: {  	s1 =	ssub.s32 @!p0 $0x0, s1;
	[sflag:s0] =	ssyncset.done @!p0 $0x0  }
0x10f: {  	[sflag:s0] =	ssyncadd.s32 @!p0 s1  }
0x110: {  	[bflag:$0x3] =	sbarrier.arrive $0xFFFF  }
0x111: {  	_ =	shalt  }

// kernel: kernel.14.cloned.1.call-start
scs
__scs_entry_jumppad:
0x0: {  	(pc) =	sbr.rel $0x88, $3  }
0x1: {  	(tag) =	ssettag $0x0;
	lr =	simm.s32 $0x1  }
0x2: {  	[smem:$0x3F98] =	sst lr;
	_ =	strace $0xD0000000  }
0x3: {  	_ = 	snop  }
0x4: {  	_ = 	snop  }
0x5: {  	_ = 	snop  }
0x6: {  	_ = 	snop  }
0x7: {  	_ = 	snop  }
__scs_overlays_trampoline_lowered:
0x8: {  	[smem:$0x3FA7] =	sst s0  }
0x9: {  	[smem:$0x3FA8] =	sst s1  }
0xa: {  	[smem:$0x3FA9] =	sst s2  }
0xb: {  	[smem:$0x3FAA] =	sst s3  }
0xc: {  	[smem:$0x3FAB] =	sst s4  }
0xd: {  	[smem:$0x3FAC] =	sst s5  }
0xe: {  	[smem:$0x3FAD] =	sst s6  }
0xf: {  	[smem:$0x3FAE] =	sst s7  }
0x10: {  	[smem:$0x3FAF] =	sst s8  }
0x11: {  	[smem:$0x3FB0] =	sst s9;
	s0 =	simm.s32 @!p0 $0x0  }
0x12: {  	s1 =	sld [smem:$0x3F96];
	s0 =	simm.s32 @p0 $0x1  }
0x13: {  	[smem:$0x3FB1] =	sst s0;
	s0 =	simm.s32 @!p1 $0x0  }
0x14: {  	s2 =	sld [smem:$0x3F95];
	s0 =	simm.s32 @p1 $0x1  }
0x15: {  	[smem:$0x3FB2] =	sst s0;
	s0 =	simm.s32 @!p2 $0x0  }
0x16: {  	s3 =	sld [smem:$0x3FDB];
	s0 =	simm.s32 @p2 $0x1  }
0x17: {  	s4 =	simm.s32 $0x1BF5;
	[smem:$0x3FB4] =	sst s0  }
0x18: {  	s0 =	sld [smem:$0x3F97];
	_ =	swait.ge [sflag:s4], $0x0  }
0x19: {  	s7 =	sld [smem:$0x3F98]  }
0x1a: {  	s8 =	sadd.s32 $0xFFFFE003, lr  }
0x1b: {  	s9 =	sadd.s32 $0xFFFFFEF7, lr;
	s5 =	simm.s32 $0xFFFFFFFF;
	p2 =	slt.u32 s8, $0xFFFFF086  }
0x1c: {  	p1 =	slt.u32 s9, $0xF7A;
	s5 =	simm.s32 @!p2 $0x0  }
0x1d: {  	s5 =	simm.s32 @p1 $0x1;
	p0 =	seq.s32 s7, s2  }
0x1e: {  	s7 =	smul.u32 @!p0 $0xF7A, s2;
	p2 =	seq.s32 @!p0 s5, $0x0  }
0x1f: {  	s9 =	smul.u32 $0xF7A, s1;
	s8 =	simm.s32 @!p0 $0x1BF5;
	p2 =	por !p2, p0  }
0x20: {  	[sflag:s8] =	ssyncset.s32 @!p0 $0xFFFFF086;
	s6 =	sadd.s32 @!p0 s3, s7;
	s7 =	simm.s32 @!p0 $0x108  }
0x21: {  	s3 =	sadd.s32 s3, s9;
	s6 =	sadd.s32 @!p0 $0x88, s6;
	s7 =	simm.s32 @p2 $0x1082  }
0x22: {  	[simem:s7], [sflag:s8] =	dma.local @!p0 [hbm:s6], $0xF7A  }
0x23: {  	s9 =	sor.u32 $0xD0000000, s2;
	s6 =	simm.s32 $0x108;
	_ =	swait.ge @!p0 [sflag:s8], $0x0  }
0x24: {  	s3 =	sadd.s32 $0x88, s3;
	s6 =	simm.s32 @!p1 $0x1082;
	[sflag:s4] =	ssyncset.s32 $0xFFFFF086  }
0x25: {  	[simem:s6], [sflag:s4] =	dma.local [hbm:s3], $0xF7A  }
0x26: {  	[smem:$0x3F98] =	sst s1;
	(tag) =	ssettag s2;
	_ =	strace s9  }
0x27: {  	s1 =	sld [smem:$0x3FA8]  }
0x28: {  	s2 =	sld [smem:$0x3FA9]  }
0x29: {  	s4 =	sld [smem:$0x3FAB]  }
0x2a: {  	p0 =	seq.s32 s5, $0x0;
	s5 =	sld [smem:$0x3FAC]  }
0x2b: {  	s6 =	sld [smem:$0x3FAD]  }
0x2c: {  	s7 =	sld [smem:$0x3FAE]  }
0x2d: {  	s3 =	simm.s32 $0x108;
	s8 =	sld [smem:$0x3FAF]  }
0x2e: {  	s3 =	simm.s32 @!p0 $0x1082;
	s9 =	sld [smem:$0x3FB0]  }
0x2f: {  	lr =	sadd.s32 s0, s3;
	s0 =	sld [smem:$0x3FA7]  }
0x30: {  	s3 =	sld [smem:$0x3FAA]  }
0x31: {  	[smem:$0x3FB3] =	sst s10  }
0x32: {  	s10 =	sld [smem:$0x3FB1];
	_ =	sdelay $0x3  }
0x33: {  	p0 =	seq.s32 s10, $0x1;
	s10 =	sld [smem:$0x3FB3];
	_ =	sdelay $0x3  }
0x34: {  	[smem:$0x3FB3] =	sst s10  }
0x35: {  	s10 =	sld [smem:$0x3FB2];
	_ =	sdelay $0x3  }
0x36: {  	p1 =	seq.s32 s10, $0x1;
	s10 =	sld [smem:$0x3FB3];
	_ =	sdelay $0x3  }
0x37: {  	[smem:$0x3FB3] =	sst s10  }
0x38: {  	s10 =	sld [smem:$0x3FB4]  }
0x39: {  	_ = 	snop;
	(pc) =	sbr.ind lr, $3  }
0x3a: {  	_ = 	snop  }
0x3b: {  	_ = 	snop  }
0x3c: {  	p2 =	seq.s32 s10, $0x1;
	s10 =	sld [smem:$0x3FB3]  }
0x3d: {  	_ =	shalt  }
0x3e: {  	_ =	shalt  }
0x3f: {  	_ =	shalt  }
0x40: {  	_ =	shalt  }
0x41: {  	_ =	shalt  }
0x42: {  	_ =	shalt  }
0x43: {  	_ =	shalt  }
0x44: {  	_ =	shalt  }
0x45: {  	_ =	shalt  }
0x46: {  	_ =	shalt  }
0x47: {  	_ =	shalt  }
0x48: {  	_ =	shalt  }
0x49: {  	_ =	shalt  }
0x4a: {  	_ =	shalt  }
0x4b: {  	_ =	shalt  }
0x4c: {  	_ =	shalt  }
0x4d: {  	_ =	shalt  }
0x4e: {  	_ =	shalt  }
0x4f: {  	_ =	shalt  }
0x50: {  	_ =	shalt  }
0x51: {  	_ =	shalt  }
0x52: {  	_ =	shalt  }
0x53: {  	_ =	shalt  }
0x54: {  	_ =	shalt  }
0x55: {  	_ =	shalt  }
0x56: {  	_ =	shalt  }
0x57: {  	_ =	shalt  }
0x58: {  	_ =	shalt  }
0x59: {  	_ =	shalt  }
0x5a: {  	_ =	shalt  }
0x5b: {  	_ =	shalt  }
0x5c: {  	_ =	shalt  }
0x5d: {  	_ =	shalt  }
0x5e: {  	_ =	shalt  }
0x5f: {  	_ =	shalt  }
0x60: {  	_ =	shalt  }
0x61: {  	_ =	shalt  }
0x62: {  	_ =	shalt  }
0x63: {  	_ =	shalt  }
0x64: {  	_ =	shalt  }
0x65: {  	_ =	shalt  }
0x66: {  	_ =	shalt  }
0x67: {  	_ =	shalt  }
0x68: {  	_ =	shalt  }
0x69: {  	_ =	shalt  }
0x6a: {  	_ =	shalt  }
0x6b: {  	_ =	shalt  }
0x6c: {  	_ =	shalt  }
0x6d: {  	_ =	shalt  }
0x6e: {  	_ =	shalt  }
0x6f: {  	_ =	shalt  }
0x70: {  	_ =	shalt  }
0x71: {  	_ =	shalt  }
0x72: {  	_ =	shalt  }
0x73: {  	_ =	shalt  }
0x74: {  	_ =	shalt  }
0x75: {  	_ =	shalt  }
0x76: {  	_ =	shalt  }
0x77: {  	_ =	shalt  }
0x78: {  	_ =	shalt  }
0x79: {  	_ =	shalt  }
0x7a: {  	_ =	shalt  }
0x7b: {  	_ =	shalt  }
0x7c: {  	_ =	shalt  }
0x7d: {  	_ =	shalt  }
0x7e: {  	_ =	shalt  }
0x7f: {  	_ =	shalt  }
0x80: {  	_ =	shalt  }
0x81: {  	_ =	shalt  }
0x82: {  	_ =	shalt  }
0x83: {  	_ =	shalt  }
0x84: {  	_ =	shalt  }
0x85: {  	_ =	shalt  }
0x86: {  	_ =	shalt  }
0x87: {  	_ =	shalt  }
.Lfunc_end0:
.L_simem_size_0:
called_computation.2_lowered:
.L_overlay_start_0:
0x88: {  	s2 =	sld [smem:$0x3FD9]  }
0x89: {  	s3 =	sld [smem:$0x3FFE];
	_ =	sdelay $0x1  }
0x8a: {  	s1 =	srdreg.scid  }
0x8b: {  	s0 =	sand.u32 $0x1, s1  }
0x8c: {  	s16 =	sshll.u32 s0, $0xA;
	s2 =	sadd.s32 s3, s2  }
0x8d: {  	s2 =	sadd.s32 s2, s16  }
0x8e: {  	[smem:$0x3FBF] =	sst s2  }
0x8f: {  	_ = 	snop  }
0x90: {  	(tm) =	ssettm $0x1  }
0x91: {  	s17 =	sld [smem:$0x3FFB];
	_ =	sdelay $0x3  }
0x92: {  	_ =	strace s17  }
0x93: {  	s2 =	sld [smem:$0x3FFC];
	_ =	sdelay $0x3  }
0x94: {  	_ =	strace s2  }
0x95: {  	s2 =	sld [smem:$0x3FFD];
	_ =	sdelay $0x3  }
0x96: {  	_ =	strace s2  }
0x97: {  	_ =	strace $0x8FFFFFFF  }
0x98: {  	s18 =	sld [smem:$0x3FDB];
	_ =	sdelay $0x1  }
0x99: {  	s19 =	simm.s32 $_scs_section_size  }
0x9a: {  	s4 =	simm.s32 $_size__tile_overlayer_lowered;
	s5 =	simm.s32 $_tile_overlayer_lowered  }
0x9b: {  	s22 =	simm.s32 $0x1BFF;
	s21 =	sshll.u32 s5, $0x1;
	s2 =	sadd.s32 s19, s18  }
0x9c: {  	s6 =	simm.s32 $0x0;
	s20 =	sshll.u32 s4, $0x1;
	s4 =	sadd.s32 s21, s2  }
0x9d: {  	[timem:s6], [sflag:s22] =	dma.local [hbm:s4], s20  }
0x9e: {  	_ =	swait.ge [sflag:s22], s20  }
0x9f: {  	s3 =	ssub.s32 $0x0, s20;
	[sflag:s22] =	ssyncset.done $0x0  }
0xa0: {  	[sflag:s22] =	ssyncadd.s32 s3;
	_ =	sdelay $0x1  }
0xa1: {  	s23 =	simm.s32 $0x1B8B  }
0xa2: {  	_ =	swait.ge [sflag:s23], $0x1  }
0xa3: {  	[sflag:s23] =	ssyncset.done $0x0  }
0xa4: {  	s25 =	simm.s32 $0x1B8E;
	s24 =	sld [smem:$0x3FFE];
	[sflag:s23] =	ssyncadd.s32 $0xFFFFFFFF  }
0xa5: {  	s26 =	simm.s32 $execute0_lowered;
	[smem:$0x3FD2] =	sst s25  }
0xa6: {  	s4 =	sshll.u32 s26, $0x1;
	_ =	strace $0x8000004C;
	[dreg:$0x1] =	wrdreg $0xFFFFFFFF  }
0xa7: {  	s28 =	simm.s32 $_size_execute0_lowered;
	s2 =	sadd.s32 s2, s4;
	[dreg:$0x0] =	wrdreg $0x0  }
0xa8: {  	s4 =	sshll.u32 s28, $0x1;
	[dreg:$0x2] =	wrdreg s2  }
0xa9: {  	[dreg:$0x3] =	wrdreg s4  }
0xaa: {  	[dreg:$0x4] =	wrdreg $0xC0  }
0xab: {  	_ =	task [dreg:s6], $0x5FFFF  }
0xac: {  	[dreg:$0x1] =	wrdreg $0xFFFFFFFF  }
0xad: {  	[dreg:$0x0] =	wrdreg $0x60  }
0xae: {  	[dreg:$0x2] =	wrdreg s24  }
0xaf: {  	[dreg:$0x3] =	wrdreg $0xC7000  }
0xb0: {  	[dreg:$0x4] =	wrdreg $0x9  }
0xb1: {  	_ =	task.clear_ibuf [dreg:s6], $0x5FFFF;
	_ =	strace $0x9000004C  }
0xb2: {  	s29 =	simm.s32 $0x9;
	_ =	strace $0x8000004E  }
0xb3: {  	_ =	swait.ge [sflag:s29], $0x1  }
0xb4: {  	[sflag:s29] =	ssyncadd.s32 $0xFFFFFFFF  }
0xb5: {  	_ =	strace $0x9000004E  }
0xb6: {  	_ =	sfence  }
0xb7: {  	s30 =	sld [smem:$0x0];
	_ =	sdelay $0x2  }
0xb8: {  	s31 =	sshll.u32 s1, $0xD;
	s1 =	sshrl.u32 s1, $0x2  }
0xb9: {  	s3 =	sand.u32 $0x4000, s31;
	s1 =	sadd.s32 s1, s30  }
0xba: {  	s0 =	sor.u32 s3, s0;
	s1 =	sshll.u32 s1, $0x11  }
0xbb: {  	s0 =	sor.u32 s1, s0  }
0xbc: {  	s0 =	sadd.s32 $0x8F2B, s0  }
0xbd: {  	[sflag:s0] =	ssyncadd.remote.s32 $0x1  }
0xbe: {  	_ =	sfence.sel $0xFFFF  }
0xbf: {  	[dreg:$0x0] =	wrdreg $0xFFFFFFFF;
	(pc) =	sbr.abs _section_cstart, $3  }
0xc0: {  	[dreg:$0x1] =	wrdreg $0xFFFFFFFF  }
0xc1: {  	_ =	task.clear_ibuf [dreg:s6], $0x2FFFF;
	_ =	strace $0x9FFFFFFF  }
0xc2: {  	(tm) =	ssettm $0x7FFFFFFF  }
0xc3: {  	_ =	shalt  }
tec
execute0_lowered:
.L_overlay_start_1:
0x0: {  	(tag) =	ssettag $0x1  }
0x1: {  	s0 =	rddreg [dreg:$0x0]  }
0x2: {  	s1 =	rddreg [dreg:$0x1];
	s2 =	simm.s32 $0x0  }
0x3: {  	s4 =	srdreg.scid;
	s5 =	stileid.u32;
	s28 =	simm.s32 $0x400  }
0x4: {  	s29 =	simm.s32 $0x180;
	s31 =	simm.s32 $0x480;
	s30 =	simm.s32 $0x17  }
0x5: {  	[smem:$0x7FF] =	sst s2;
	s3 =	sadd.s32 $0x16400, s0;
	s12 =	sadd.s32 $0x2800, s0  }
0x6: {  	s13 =	sadd.s32 $0xC600, s0;
	s4 =	sand.u32 $0x1, s4;
	s7 =	smul.u32 $0x4E000, s5  }
0x7: {  	s6 =	sadd.s32 $0x3D600, s0;
	s10 =	smul.u32 $0x13800, s5;
	s19 =	sshll.u32 s5, $0x6  }
0x8: {  	s0 =	sadd.s32 $0x3D400, s0;
	s17 =	smul.u32 $0x2710, s5;
	p0 =	sne.s32 s5, $0x0  }
0x9: {  	_ =	strace $0x8000004D;
	s8 =	sshll.u32 s4, $0x4;
	[dreg:$0x8] =	wrdreg s0  }
0xa: {  	s9 =	ssub.s32 $0x2, s4;
	s25 =	smul.u32 $0x138800, s4;
	[dreg:$0x4] =	wrdreg s13  }
0xb: {  	s14 =	sor.u32 $0x1C19, s19;
	s4 =	smul.u32 $0x27100, s4;
	[dreg:$0x3] =	wrdreg s12  }
0xc: {  	s8 =	sor.u32 s5, s8;
	s11 =	sshrl.u32 s9, $0x1;
	s7 =	sshrl.u32 s7, $0x2  }
0xd: {  	s18 =	sshrl.u32 s10, $0x3;
	s8 =	smul.u32 $0x2710, s8;
	s9 =	ssub.s32 s9, s11  }
0xe: {  	s7 =	sadd.s32 s7, s1;
	s16 =	sshrl.u32 s25, $0x3;
	s4 =	sadd.s32 s17, s4  }
0xf: {  	[dreg:$0x5] =	wrdreg s7;
	s7 =	sadd.s32 s3, s18;
	s8 =	sshrl.u32 s8, $0x3  }
0x10: {  	[dreg:$0x6] =	wrdreg s7;
	s20 =	sadd.s32 $0x8, s8;
	s21 =	sadd.s32 s12, s8  }
0x11: {  	s19 =	sadd.s32 s6, s16;
	[dreg:$0x9] =	wrdreg s21;
	s22 =	sadd.s32 s12, s20  }
0x12: {  	s23 =	sadd.s32 $0x10, s8;
	s0 =	sadd.s32 s13, s20;
	[dreg:$0xa] =	wrdreg s22  }
0x13: {  	s24 =	sadd.s32 $0x18, s8;
	s15 =	sadd.s32 s12, s23;
	[dreg:$0xb] =	wrdreg s0  }
0x14: {  	s18 =	sadd.s32 $0x20, s8;
	s26 =	sadd.s32 s12, s24;
	[dreg:$0xc] =	wrdreg s15  }
0x15: {  	s7 =	sadd.s32 s13, s24;
	s20 =	sadd.s32 s12, s18;
	[dreg:$0xe] =	wrdreg s26  }
0x16: {  	s21 =	sadd.s32 $0x28, s8;
	s0 =	sadd.s32 s13, s23;
	[dreg:$0xf] =	wrdreg s7  }
0x17: {  	s15 =	sadd.s32 s10, s25;
	[dreg:$0x11] =	wrdreg s20;
	s10 =	smov.u32 s14  }
0x18: {  	s22 =	sadd.s32 s13, s18;
	s23 =	sadd.s32 s12, s21;
	[dreg:$0xd] =	wrdreg s0  }
0x19: {  	s24 =	sadd.s32 s13, s21;
	s25 =	sadd.s32 s13, s8;
	[dreg:$0x12] =	wrdreg s22  }
0x1a: {  	s26 =	sadd.s32 $0x4E0, s8;
	s8 =	sadd.s32 $0x2C0, s4;
	[dreg:$0x13] =	wrdreg s23  }
0x1b: {  	s14 =	sadd.s32 $0x280, s4;
	s18 =	sadd.s32 $0x240, s4;
	[dreg:$0x14] =	wrdreg s24  }
0x1c: {  	s21 =	sadd.s32 $0x1C0, s4;
	s0 =	sshrl.u32 s15, $0x3;
	[dreg:$0x15] =	wrdreg s25  }
0x1d: {  	s7 =	sadd.s32 s12, s26;
	s5 =	sadd.s32 s13, s26;
	s11 =	sshrl.u32 s8, $0x3  }
0x1e: {  	s15 =	smax.u32 s9, $0x1;
	s22 =	sshrl.u32 s21, $0x3;
	[dreg:$0x7] =	wrdreg s10  }
0x1f: {  	s25 =	sadd.s32 $0x180, s4;
	s26 =	sadd.s32 $0x138000, s1;
	[dreg:$0x16] =	wrdreg s7  }
0x20: {  	s9 =	simm.s32 $0x280;
	s21 =	simm.s32 $0x11;
	[dreg:$0x17] =	wrdreg s5  }
0x21: {  	s8 =	simm.s32 $0x18;
	s0 =	sadd.s32 s6, s0;
	[dreg:$0x19] =	wrdreg s15  }
0x22: {  	s5 =	sshrl.u32 s14, $0x3;
	s16 =	sadd.s32 s11, s13;
	[smem:$0x7FC] =	sst s25  }
0x23: {  	s24 =	sadd.s32 s22, s13;
	[smem:$0x7FD] =	sst s26;
	s14 =	simm.s32 $0x380  }
0x24: {  	s7 =	simm.s32 $0x500;
	s25 =	simm.s32 $0x15;
	[dreg:$0x10] =	wrdreg s0  }
0x25: {  	s15 =	simm.s32 $0x0;
	s0 =	sadd.s32 $0x27000, s19;
	[dreg:$0x1a] =	wrdreg s16  }
0x26: {  	s17 =	sadd.s32 s5, s13;
	s5 =	sadd.s32 s5, s12;
	[smem:$0x7FA] =	sst s24  }
0x27: {  	s19 =	sadd.s32 $0x200, s4;
	s16 =	simm.s32 $0x300;
	[dreg:$0x18] =	wrdreg s0  }
0x28: {  	s4 =	simm.s32 $0x100;
	s24 =	simm.s32 $0x14;
	[dreg:$0x1c] =	wrdreg s17  }
0x29: {  	s0 =	sadd.s32 s11, s12;
	[dreg:$0x1d] =	wrdreg s5;
	s5 =	sshrl.u32 s19, $0x3  }
0x2a: {  	s11 =	simm.s32 $0x580;
	s19 =	simm.s32 $0xF;
	s17 =	simm.s32 $0x6600  }
0x2b: {  	[dreg:$0x1b] =	wrdreg s0;
	s0 =	sshrl.u32 s18, $0x3;
	s23 =	sadd.s32 s5, s13  }
0x2c: {  	s5 =	sadd.s32 s5, s12;
	s18 =	simm.s32 $0xE;
	[smem:$0x7F8] =	sst s23  }
.Ltmp0:
0x2d: {  	s20 =	sadd.s32 s0, s13;
	[smem:$0x7F9] =	sst s5;
	(pc) =	sbr.rel .LBB2_1-.Ltmp0, $4  }
0x2e: {  	s0 =	sadd.s32 s0, s12;
	s13 =	simm.s32 $0x80;
	[dreg:$0x1e] =	wrdreg s20  }
0x2f: {  	s23 =	simm.s32 $0x13;
	s5 =	simm.s32 $0x16;
	[dreg:$0x1f] =	wrdreg s0  }
0x30: {  	s0 =	sadd.s32 s22, s12;
	s12 =	simm.s32 $0x40;
	s20 =	simm.s32 $0x10  }
0x31: {  	s22 =	simm.s32 $0x12;
	[smem:$0x7FB] =	sst s0;
	s0 =	simm.s32 $0x200  }
.LBB2_4:
0x32: {  	_ =	swait.ge [sflag:s24], $0x2000  }
0x33: {  	[sflag:s24] =	ssyncset.done $0x0  }
0x34: {  	[sflag:s24] =	ssyncadd.s32 $0xFFFFE000  }
0x35: {  	_ =	swait.ge [sflag:s25], $0x2000  }
0x36: {  	[sflag:s25] =	ssyncset.done $0x0  }
0x37: {  	[sflag:s25] =	ssyncadd.s32 $0xFFFFE000  }
0x38: {  	_ =	swait.ge [sflag:s5], $0x2000  }
0x39: {  	[sflag:s5] =	ssyncset.done $0x0  }
0x3a: {  	[sflag:s5] =	ssyncadd.s32 $0xFFFFE000  }
0x3b: {  	_ =	swait.ge [sflag:s30], $0x2000  }
0x3c: {  	[sflag:s30] =	ssyncset.done $0x0  }
0x3d: {  	[sflag:s30] =	ssyncadd.s32 $0xFFFFE000  }
0x3e: {  	_ =	swait.ge [sflag:s8], $0x2000  }
0x3f: {  	s7 =	simm.s32 $0xC600;
	[sflag:s8] =	ssyncset.done $0x0  }
0x40: {  	s4 =	simm.s32 $0x19;
	s6 =	rddreg [dreg:$0x16];
	[sflag:s8] =	ssyncadd.s32 $0xFFFFE000  }
0x41: {  	[tilespmem:s7], [sflag:$0x19] =	stream.linear.gather [hbm4b:s6+s2], $0x10, $0x38;
	[tilespmem:$0x1FF80] =	vst v63  }
0x42: {  	_ =	swait.ge [sflag:s4], $0x10  }
0x43: {  	[sflag:s4] =	ssyncset.done $0x0  }
0x44: {  	s9 =	simm.s32 $0xC680;
	s15 =	rddreg [dreg:$0x17];
	[sflag:s4] =	ssyncadd.s32 $0xFFFFFFF0  }
0x45: {  	[tilespmem:s9], [sflag:$0x19] =	stream.linear.gather [hbm4b:s15+s2], $0x10, $0x38;
	[tilespmem:$0x1FF80] =	vst v63  }
0x46: {  	_ =	swait.ge [sflag:s4], $0x10  }
0x47: {  	[sflag:s4] =	ssyncset.done $0x0  }
0x48: {  	s0 =	simm.s32 $0x600;
	[sflag:s4] =	ssyncadd.s32 $0xFFFFFFF0  }
0x49: {  	[tilespmem:s0], [sflag:$0x19] =	stream.indirect.gather [hbm4b:s3+s20], $0x80, s7, s20, $0xb8;
	[tilespmem:$0x1FF80] =	vst v63  }
0x4a: {  	_ =	swait.ge [sflag:s4], $0x800  }
0x4b: {  	[sflag:s4] =	ssyncset.done $0x0  }
0x4c: {  	[sflag:s4] =	ssyncadd.s32 $0xFFFFF800  }
0x4d: {  	[spmem:s1] =	stream.indirect.scatter.add.f32 [tilespmem:s0], [sflag:$0x19], $0x80, s9, s20, $0xb8;
	[tilespmem:$0x1FF80] =	vst v63  }
0x4e: {  	_ =	swait.ge [sflag:s4], $0x800  }
0x4f: {  	[sflag:s4] =	ssyncset.done $0x0  }
0x50: {  	[sflag:s4] =	ssyncadd.s32 $0xFFFFF800  }
0x51: {  	[bflag:$0x0] =	sbarrier.arrive $0xFFFF  }
0x52: {  	s26 =	sld [smem:$0x7F6]  }
0x53: {  	s10 =	rddreg [dreg:$0x7]  }
0x54: {  	s16 =	rddreg [dreg:$0x10]  }
0x55: {  	[hbm:s16], [sflag:s10] =	dma.local [spmem:s26], $0x2700  }
0x56: {  	_ =	swait.ge [sflag:s4], $0x2700  }
0x57: {  	s0 =	sld [smem:$0x7F7]  }
0x58: {  	[sflag:s4] =	ssyncset.done $0x0  }
0x59: {  	s6 =	rddreg [dreg:$0x18];
	[sflag:s4] =	ssyncadd.s32 $0xFFFFD900  }
0x5a: {  	[hbm:s6], [sflag:s10] =	dma.local @!p0 [spmem:s0], $0x100  }
0x5b: {  	s6 =	simm.s32 @!p0 $0x19  }
0x5c: {  	_ =	swait.ge @!p0 [sflag:s6], $0x100  }
0x5d: {  	s15 =	sld [smem:$0x7F5];
	_ =	sdelay $0x2  }
0x5e: {  	s16 =	rddreg [dreg:$0x19];
	s15 =	sadd.s32 $0x1, s15  }
0x5f: {  	p1 =	sne.s32 s15, s16  }
.Ltmp1:
0x60: {  	s13 =	simm.s32 $0x80;
	(pc) =	sbr.rel @!p1 .LBB2_5-.Ltmp1, $4  }
0x61: {  	s14 =	simm.s32 $0x380;
	s28 =	simm.s32 $0x400;
	s29 =	simm.s32 $0x180  }
0x62: {  	s31 =	simm.s32 $0x480;
	s11 =	simm.s32 $0x580;
	s7 =	simm.s32 $0x500  }
0x63: {  	s9 =	simm.s32 $0x280;
	s4 =	simm.s32 $0x100;
	[sflag:s6] =	ssyncset.done @!p0 $0x0  }
0x64: {  	s0 =	simm.s32 $0x200;
	[sflag:s6] =	ssyncadd.s32 @!p0 $0xFFFFFF00;
	s16 =	simm.s32 $0x300  }
.LBB2_1:
0x65: {  	[smem:$0x7F5] =	sst s15  }
0x66: {  	s6 =	rddreg [dreg:$0x5]  }
0x67: {  	s26 =	rddreg [dreg:$0x6];
	s6 =	sshrl.u32 s6, $0x3  }
0x68: {  	[smem:$0x7F6] =	sst s6  }
0x69: {  	[spmem:s6], [sflag:s10] =	dma.local [hbm:s26], $0x2700  }
0x6a: {  	s26 =	simm.s32 $0x19  }
0x6b: {  	_ =	swait.ge [sflag:s26], $0x2700  }
0x6c: {  	s6 =	sld [smem:$0x7FD];
	_ =	sdelay $0x2  }
0x6d: {  	[sflag:s26] =	ssyncset.done $0x0;
	s15 =	sshrl.u32 @!p0 s6, $0x3;
	s6 =	rddreg [dreg:$0x8]  }
0x6e: {  	[sflag:s26] =	ssyncadd.s32 $0xFFFFD900;
	[smem:$0x7F7] =	sst s15  }
0x6f: {  	[spmem:s15], [sflag:s10] =	dma.local @!p0 [hbm:s6], $0x100  }
0x70: {  	s6 =	simm.s32 @!p0 $0x19  }
0x71: {  	_ =	swait.ge @!p0 [sflag:s6], $0x100  }
0x72: {  	[sflag:s6] =	ssyncset.done @!p0 $0x0  }
0x73: {  	[sflag:s6] =	ssyncadd.s32 @!p0 $0xFFFFFF00  }
0x74: {  	[bflag:$0x0] =	sbarrier.arrive $0xFFFF  }
0x75: {  	s10 =	rddreg [dreg:$0x9]  }
0x76: {  	s15 =	rddreg [dreg:$0x15]  }
0x77: {  	[tilespmem:s2], [sflag:$0x1] =	stream.linear.gather [hbm4b:s10+s2], $0x40, $0x38;
	[tilespmem:$0x1FF80] =	vst v63  }
0x78: {  	s26 =	rddreg [dreg:$0xa]  }
0x79: {  	[tilespmem:s16], [sflag:$0x7] =	stream.linear.gather [hbm4b:s15+s2], $0x40, $0x38;
	[tilespmem:$0x1FF80] =	vst v63  }
0x7a: {  	s6 =	sld [smem:$0x7FC]  }
0x7b: {  	[tilespmem:s13], [sflag:$0x2] =	stream.linear.gather [hbm4b:s26+s2], $0x40, $0x38;
	[tilespmem:$0x1FF80] =	vst v63  }
0x7c: {  	s10 =	rddreg [dreg:$0xb]  }
0x7d: {  	[tilespmem:s14], [sflag:$0x8] =	stream.linear.gather [hbm4b:s10+s2], $0x40, $0x38;
	[tilespmem:$0x1FF80] =	vst v63  }
0x7e: {  	s15 =	rddreg [dreg:$0xc]  }
0x7f: {  	[tilespmem:s4], [sflag:$0x3] =	stream.linear.gather [hbm4b:s15+s2], $0x40, $0x38;
	[tilespmem:$0x1FF80] =	vst v63  }
0x80: {  	s26 =	rddreg [dreg:$0xd]  }
0x81: {  	[tilespmem:s28], [sflag:$0x9] =	stream.linear.gather [hbm4b:s26+s2], $0x40, $0x38;
	[tilespmem:$0x1FF80] =	vst v63  }
0x82: {  	s10 =	rddreg [dreg:$0xe]  }
0x83: {  	[tilespmem:s29], [sflag:$0x4] =	stream.linear.gather [hbm4b:s10+s2], $0x40, $0x38;
	[tilespmem:$0x1FF80] =	vst v63  }
0x84: {  	s15 =	rddreg [dreg:$0xf]  }
0x85: {  	[tilespmem:s31], [sflag:$0xA] =	stream.linear.gather [hbm4b:s15+s2], $0x40, $0x38;
	[tilespmem:$0x1FF80] =	vst v63  }
0x86: {  	s26 =	rddreg [dreg:$0x11]  }
0x87: {  	[tilespmem:s0], [sflag:$0x5] =	stream.linear.gather [hbm4b:s26+s2], $0x40, $0x38;
	[tilespmem:$0x1FF80] =	vst v63  }
0x88: {  	s10 =	rddreg [dreg:$0x12]  }
0x89: {  	[tilespmem:s7], [sflag:$0xB] =	stream.linear.gather [hbm4b:s10+s2], $0x40, $0x38;
	[tilespmem:$0x1FF80] =	vst v63  }
0x8a: {  	s15 =	rddreg [dreg:$0x13]  }
0x8b: {  	[tilespmem:s9], [sflag:$0x6] =	stream.linear.gather [hbm4b:s15+s2], $0x40, $0x38;
	[tilespmem:$0x1FF80] =	vst v63  }
0x8c: {  	s26 =	rddreg [dreg:$0x14];
	s10 =	simm.s32 $0x0  }
0x8d: {  	[tilespmem:s11], [sflag:$0xC] =	stream.linear.gather [hbm4b:s26+s2], $0x40, $0x38;
	[tilespmem:$0x1FF80] =	vst v63  }
.LBB2_2:
0x8e: {  	s15 =	simm.s32 $0x1  }
0x8f: {  	_ =	swait.ge [sflag:s15], $0x40  }
0x90: {  	[sflag:s15] =	ssyncset.done $0x0  }
0x91: {  	s26 =	simm.s32 $0x7;
	[sflag:s15] =	ssyncadd.s32 $0xFFFFFFC0  }
0x92: {  	_ =	swait.ge [sflag:s26], $0x40  }
0x93: {  	[sflag:s26] =	ssyncset.done $0x0  }
0x94: {  	s15 =	simm.s32 $0x600;
	[sflag:s26] =	ssyncadd.s32 $0xFFFFFFC0;
	s26 =	simm.s32 $0x2  }
0x95: {  	[tilespmem:s15], [sflag:$0xD] =	stream.indirect.gather [hbm4b:s3+s12], $0x80, s2, s12, $0xb8;
	[tilespmem:$0x1FF80] =	vst v63  }
0x96: {  	_ =	swait.ge [sflag:s26], $0x40  }
0x97: {  	[sflag:s26] =	ssyncset.done $0x0  }
0x98: {  	[sflag:s26] =	ssyncadd.s32 $0xFFFFFFC0;
	s26 =	simm.s32 $0x8  }
0x99: {  	_ =	swait.ge [sflag:s26], $0x40  }
0x9a: {  	[sflag:s26] =	ssyncset.done $0x0  }
0x9b: {  	[sflag:s26] =	ssyncadd.s32 $0xFFFFFFC0;
	s26 =	simm.s32 $0x2600  }
0x9c: {  	[tilespmem:s26], [sflag:$0xE] =	stream.indirect.gather [hbm4b:s3+s12], $0x80, s13, s12, $0xb8;
	[tilespmem:$0x1FF80] =	vst v63  }
0x9d: {  	s13 =	simm.s32 $0x3  }
0x9e: {  	_ =	swait.ge [sflag:s13], $0x40  }
0x9f: {  	[sflag:s13] =	ssyncset.done $0x0  }
0xa0: {  	[sflag:s13] =	ssyncadd.s32 $0xFFFFFFC0;
	s13 =	simm.s32 $0x9  }
0xa1: {  	_ =	swait.ge [sflag:s13], $0x40  }
0xa2: {  	[sflag:s13] =	ssyncset.done $0x0  }
0xa3: {  	[sflag:s13] =	ssyncadd.s32 $0xFFFFFFC0;
	s13 =	simm.s32 $0x4600  }
0xa4: {  	[tilespmem:s13], [sflag:$0xF] =	stream.indirect.gather [hbm4b:s3+s12], $0x80, s4, s12, $0xb8;
	[tilespmem:$0x1FF80] =	vst v63  }
0xa5: {  	s4 =	simm.s32 $0x4  }
0xa6: {  	_ =	swait.ge [sflag:s4], $0x40  }
0xa7: {  	[sflag:s4] =	ssyncset.done $0x0  }
0xa8: {  	[sflag:s4] =	ssyncadd.s32 $0xFFFFFFC0;
	s4 =	simm.s32 $0xA  }
0xa9: {  	_ =	swait.ge [sflag:s4], $0x40  }
0xaa: {  	[sflag:s4] =	ssyncset.done $0x0  }
0xab: {  	[sflag:s4] =	ssyncadd.s32 $0xFFFFFFC0;
	s4 =	simm.s32 $0x5  }
0xac: {  	[tilespmem:s17], [sflag:$0x10] =	stream.indirect.gather [hbm4b:s3+s12], $0x80, s29, s12, $0xb8;
	[tilespmem:$0x1FF80] =	vst v63  }
0xad: {  	_ =	swait.ge [sflag:s4], $0x40  }
0xae: {  	[sflag:s4] =	ssyncset.done $0x0  }
0xaf: {  	[sflag:s4] =	ssyncadd.s32 $0xFFFFFFC0;
	s4 =	simm.s32 $0xB  }
0xb0: {  	_ =	swait.ge [sflag:s4], $0x40  }
0xb1: {  	[sflag:s4] =	ssyncset.done $0x0  }
0xb2: {  	[sflag:s4] =	ssyncadd.s32 $0xFFFFFFC0;
	s4 =	simm.s32 $0x8600  }
0xb3: {  	[tilespmem:s4], [sflag:$0x11] =	stream.indirect.gather [hbm4b:s3+s12], $0x80, s0, s12, $0xb8;
	[tilespmem:$0x1FF80] =	vst v63  }
0xb4: {  	s0 =	simm.s32 $0x6  }
0xb5: {  	_ =	swait.ge [sflag:s0], $0x40  }
0xb6: {  	[sflag:s0] =	ssyncset.done $0x0  }
0xb7: {  	[sflag:s0] =	ssyncadd.s32 $0xFFFFFFC0;
	s0 =	simm.s32 $0xC  }
0xb8: {  	_ =	swait.ge [sflag:s0], $0x40  }
0xb9: {  	[sflag:s0] =	ssyncset.done $0x0  }
0xba: {  	s29 =	simm.s32 $0xA600;
	[sflag:s0] =	ssyncadd.s32 $0xFFFFFFC0  }
0xbb: {  	[tilespmem:s29], [sflag:$0x12] =	stream.indirect.gather [hbm4b:s3+s12], $0x80, s9, s12, $0xb8;
	[tilespmem:$0x1FF80] =	vst v63  }
0xbc: {  	s9 =	simm.s32 $0xD  }
0xbd: {  	_ =	swait.ge [sflag:s9], $0x2000  }
0xbe: {  	[sflag:s9] =	ssyncset.done $0x0  }
0xbf: {  	[sflag:s9] =	ssyncadd.s32 $0xFFFFE000  }
0xc0: {  	[spmem:s1] =	stream.indirect.scatter.add.f32 [tilespmem:s15], [sflag:$0x13], $0x80, s16, s12, $0xb8;
	[tilespmem:$0x1FF80] =	vst v63  }
0xc1: {  	_ =	swait.ge [sflag:s18], $0x2000  }
0xc2: {  	[sflag:s18] =	ssyncset.done $0x0  }
0xc3: {  	[sflag:s18] =	ssyncadd.s32 $0xFFFFE000  }
0xc4: {  	[spmem:s1] =	stream.indirect.scatter.add.f32 [tilespmem:s26], [sflag:$0x14], $0x80, s14, s12, $0xb8;
	[tilespmem:$0x1FF80] =	vst v63  }
0xc5: {  	_ =	swait.ge [sflag:s19], $0x2000  }
0xc6: {  	[sflag:s19] =	ssyncset.done $0x0  }
0xc7: {  	[sflag:s19] =	ssyncadd.s32 $0xFFFFE000  }
0xc8: {  	[spmem:s1] =	stream.indirect.scatter.add.f32 [tilespmem:s13], [sflag:$0x15], $0x80, s28, s12, $0xb8;
	[tilespmem:$0x1FF80] =	vst v63  }
0xc9: {  	_ =	swait.ge [sflag:s20], $0x2000  }
0xca: {  	[sflag:s20] =	ssyncset.done $0x0  }
0xcb: {  	[sflag:s20] =	ssyncadd.s32 $0xFFFFE000  }
0xcc: {  	[spmem:s1] =	stream.indirect.scatter.add.f32 [tilespmem:s17], [sflag:$0x16], $0x80, s31, s12, $0xb8;
	[tilespmem:$0x1FF80] =	vst v63  }
0xcd: {  	_ =	swait.ge [sflag:s21], $0x2000  }
0xce: {  	[sflag:s21] =	ssyncset.done $0x0  }
0xcf: {  	p1 =	seq.s32 s10, $0x4B0;
	[sflag:s21] =	ssyncadd.s32 $0xFFFFE000  }
0xd0: {  	[spmem:s1] =	stream.indirect.scatter.add.f32 [tilespmem:s4], [sflag:$0x17], $0x80, s7, s12, $0xb8;
	[tilespmem:$0x1FF80] =	vst v63  }
0xd1: {  	s0 =	simm.s32 $0x480;
	s9 =	simm.s32 $0x500;
	_ =	swait.ge [sflag:s22], $0x2000  }
0xd2: {  	s15 =	simm.s32 $0x580;
	s14 =	simm.s32 $0x80;
	[sflag:s22] =	ssyncset.done $0x0  }
.Ltmp2:
0xd3: {  	s28 =	simm.s32 $0x100;
	[sflag:s22] =	ssyncadd.s32 $0xFFFFE000;
	(pc) =	sbr.rel @p1 .LBB2_4-.Ltmp2, $4  }
0xd4: {  	[spmem:s1] =	stream.indirect.scatter.add.f32 [tilespmem:s29], [sflag:$0x18], $0x80, s11, s12, $0xb8;
	[tilespmem:$0x1FF80] =	vst v63  }
0xd5: {  	s13 =	simm.s32 $0x300;
	s31 =	simm.s32 $0x180;
	_ =	swait.ge [sflag:s23], $0x2000  }
0xd6: {  	s7 =	simm.s32 $0x200;
	s4 =	simm.s32 $0x380;
	[sflag:s23] =	ssyncset.done $0x0  }
0xd7: {  	s11 =	simm.s32 $0x280;
	s29 =	simm.s32 $0x400;
	[sflag:s23] =	ssyncadd.s32 $0xFFFFE000  }
0xd8: {  	s16 =	sshrl.u32 s6, $0x3;
	s26 =	rddreg [dreg:$0x3]  }
0xd9: {  	s26 =	sadd.s32 s26, s16  }
0xda: {  	[tilespmem:s2], [sflag:$0x1] =	stream.linear.gather [hbm4b:s26+s2], $0x40, $0x38;
	[tilespmem:$0x1FF80] =	vst v63  }
0xdb: {  	s26 =	rddreg [dreg:$0x4]  }
0xdc: {  	s16 =	sadd.s32 s26, s16  }
0xdd: {  	[tilespmem:s13], [sflag:$0x7] =	stream.linear.gather [hbm4b:s16+s2], $0x40, $0x38;
	[tilespmem:$0x1FF80] =	vst v63  }
0xde: {  	_ =	swait.ge [sflag:s24], $0x2000  }
0xdf: {  	s13 =	sld [smem:$0x7FB];
	_ =	sdelay $0x1  }
0xe0: {  	[sflag:s24] =	ssyncset.done $0x0;
	s26 =	sld [smem:$0x7FA]  }
0xe1: {  	[sflag:s24] =	ssyncadd.s32 $0xFFFFE000;
	s16 =	sadd.s32 s10, s13  }
0xe2: {  	[tilespmem:s14], [sflag:$0x2] =	stream.linear.gather [hbm4b:s16+s2], $0x40, $0x38;
	[tilespmem:$0x1FF80] =	vst v63  }
0xe3: {  	s16 =	sadd.s32 s10, s26  }
0xe4: {  	[tilespmem:s4], [sflag:$0x8] =	stream.linear.gather [hbm4b:s16+s2], $0x40, $0x38;
	[tilespmem:$0x1FF80] =	vst v63  }
0xe5: {  	_ =	swait.ge [sflag:s25], $0x2000  }
0xe6: {  	s4 =	sld [smem:$0x7F9];
	_ =	sdelay $0x1  }
0xe7: {  	[sflag:s25] =	ssyncset.done $0x0;
	s13 =	sld [smem:$0x7F8]  }
0xe8: {  	[sflag:s25] =	ssyncadd.s32 $0xFFFFE000;
	s16 =	sadd.s32 s10, s4  }
0xe9: {  	[tilespmem:s28], [sflag:$0x3] =	stream.linear.gather [hbm4b:s16+s2], $0x40, $0x38;
	[tilespmem:$0x1FF80] =	vst v63  }
0xea: {  	s16 =	sadd.s32 s10, s13  }
0xeb: {  	[tilespmem:s29], [sflag:$0x9] =	stream.linear.gather [hbm4b:s16+s2], $0x40, $0x38;
	[tilespmem:$0x1FF80] =	vst v63  }
0xec: {  	_ =	swait.ge [sflag:s5], $0x2000  }
0xed: {  	[sflag:s5] =	ssyncset.done $0x0;
	s14 =	rddreg [dreg:$0x1f]  }
0xee: {  	s26 =	rddreg [dreg:$0x1e];
	[sflag:s5] =	ssyncadd.s32 $0xFFFFE000;
	s16 =	sadd.s32 s10, s14  }
0xef: {  	[tilespmem:s31], [sflag:$0x4] =	stream.linear.gather [hbm4b:s16+s2], $0x40, $0x38;
	[tilespmem:$0x1FF80] =	vst v63  }
0xf0: {  	s16 =	sadd.s32 s10, s26  }
0xf1: {  	[tilespmem:s0], [sflag:$0xA] =	stream.linear.gather [hbm4b:s16+s2], $0x40, $0x38;
	[tilespmem:$0x1FF80] =	vst v63  }
0xf2: {  	_ =	swait.ge [sflag:s30], $0x2000  }
0xf3: {  	s6 =	sadd.s32 $0x180, s6;
	[sflag:s30] =	ssyncset.done $0x0;
	s4 =	rddreg [dreg:$0x1d]  }
0xf4: {  	s13 =	rddreg [dreg:$0x1c];
	[sflag:s30] =	ssyncadd.s32 $0xFFFFE000;
	s16 =	sadd.s32 s10, s4  }
0xf5: {  	[tilespmem:s7], [sflag:$0x5] =	stream.linear.gather [hbm4b:s16+s2], $0x40, $0x38;
	[tilespmem:$0x1FF80] =	vst v63  }
0xf6: {  	s28 =	simm.s32 $0x400;
	s29 =	simm.s32 $0x180;
	s16 =	sadd.s32 s10, s13  }
0xf7: {  	[tilespmem:s9], [sflag:$0xB] =	stream.linear.gather [hbm4b:s16+s2], $0x40, $0x38;
	[tilespmem:$0x1FF80] =	vst v63  }
0xf8: {  	s31 =	simm.s32 $0x480;
	s0 =	simm.s32 $0x200;
	_ =	swait.ge [sflag:s8], $0x2000  }
0xf9: {  	s4 =	simm.s32 $0x100;
	s13 =	simm.s32 $0x80;
	s14 =	rddreg [dreg:$0x1b]  }
0xfa: {  	s7 =	simm.s32 $0x500;
	[sflag:s8] =	ssyncset.done $0x0;
	s26 =	rddreg [dreg:$0x1a]  }
.Ltmp3:
0xfb: {  	[sflag:s8] =	ssyncadd.s32 $0xFFFFE000;
	s16 =	sadd.s32 s10, s14;
	(pc) =	sbr.rel .LBB2_2-.Ltmp3, $4  }
0xfc: {  	[tilespmem:s11], [sflag:$0x6] =	stream.linear.gather [hbm4b:s16+s2], $0x40, $0x38;
	[tilespmem:$0x1FF80] =	vst v63  }
0xfd: {  	s9 =	simm.s32 $0x280;
	s14 =	simm.s32 $0x380;
	s16 =	sadd.s32 s10, s26  }
0xfe: {  	[tilespmem:s15], [sflag:$0xC] =	stream.linear.gather [hbm4b:s16+s2], $0x40, $0x38;
	[tilespmem:$0x1FF80] =	vst v63  }
0xff: {  	s10 =	sadd.s32 $0x30, s10;
	s11 =	simm.s32 $0x580;
	s16 =	simm.s32 $0x300  }
.LBB2_5:
0x100: {  	_ =	sfence.sel $0x180000  }
0x101: {  	[bflag:$0x0] =	sbarrier.arrive $0xFFFF  }
0x102: {  	_ =	strace $0x9000004D  }
0x103: {  	[bflag:$0x2] =	sbarrier.arrive $0xFFFF  }
0x104: {  	s0 =	rddreg [dreg:$0x2]  }
0x105: {  	s0 =	sadd.s32 @!p0 $0x100000, s0  }
0x106: {  	[sflag:s0] =	ssyncadd.tile.s32 @!p0 $0x1;
	_ =	shalt  }
.Lfunc_end2:
_tile_overlayer_lowered:
.L_overlay_start_2:
0x107: {  	(tag) =	ssettag $0x2  }
0x108: {  	s0 =	rddreg [dreg:$0x0];
	s2 =	stileid.u32  }
0x109: {  	s1 =	rddreg [dreg:$0x1];
	p0 =	sne.s32 s2, $0x0  }
0x10a: {  	s3 =	rddreg [dreg:$0x2];
	[bflag:$0x3] =	sbarrier.arrive $0xFFFF;
	s2 =	simm.s32 @!p0 $0x1C19  }
0x10b: {  	[timem:s3], [sflag:s2] =	dma.local @!p0 [hbm:s0], s1  }
0x10c: {  	s0 =	simm.s32 @!p0 $0x19  }
0x10d: {  	_ =	swait.ge @!p0 [sflag:s0], s1  }
0x10e: {  	s1 =	ssub.s32 @!p0 $0x0, s1;
	[sflag:s0] =	ssyncset.done @!p0 $0x0  }
0x10f: {  	[sflag:s0] =	ssyncadd.s32 @!p0 s1  }
0x110: {  	[bflag:$0x3] =	sbarrier.arrive $0xFFFF  }
0x111: {  	_ =	shalt  }

// kernel: kernel.8.cloned.1.call-start
scs
__scs_entry_jumppad:
0x0: {  	(pc) =	sbr.rel $0x88, $3  }
0x1: {  	(tag) =	ssettag $0x0;
	lr =	simm.s32 $0x1  }
0x2: {  	[smem:$0x3F98] =	sst lr;
	_ =	strace $0xD0000000  }
0x3: {  	_ = 	snop  }
0x4: {  	_ = 	snop  }
0x5: {  	_ = 	snop  }
0x6: {  	_ = 	snop  }
0x7: {  	_ = 	snop  }
__scs_overlays_trampoline_lowered:
0x8: {  	[smem:$0x3FA7] =	sst s0  }
0x9: {  	[smem:$0x3FA8] =	sst s1  }
0xa: {  	[smem:$0x3FA9] =	sst s2  }
0xb: {  	[smem:$0x3FAA] =	sst s3  }
0xc: {  	[smem:$0x3FAB] =	sst s4  }
0xd: {  	[smem:$0x3FAC] =	sst s5  }
0xe: {  	[smem:$0x3FAD] =	sst s6  }
0xf: {  	[smem:$0x3FAE] =	sst s7  }
0x10: {  	[smem:$0x3FAF] =	sst s8  }
0x11: {  	[smem:$0x3FB0] =	sst s9;
	s0 =	simm.s32 @!p0 $0x0  }
0x12: {  	s1 =	sld [smem:$0x3F96];
	s0 =	simm.s32 @p0 $0x1  }
0x13: {  	[smem:$0x3FB1] =	sst s0;
	s0 =	simm.s32 @!p1 $0x0  }
0x14: {  	s2 =	sld [smem:$0x3F95];
	s0 =	simm.s32 @p1 $0x1  }
0x15: {  	[smem:$0x3FB2] =	sst s0;
	s0 =	simm.s32 @!p2 $0x0  }
0x16: {  	s3 =	sld [smem:$0x3FDB];
	s0 =	simm.s32 @p2 $0x1  }
0x17: {  	s4 =	simm.s32 $0x1BF5;
	[smem:$0x3FB4] =	sst s0  }
0x18: {  	s0 =	sld [smem:$0x3F97];
	_ =	swait.ge [sflag:s4], $0x0  }
0x19: {  	s7 =	sld [smem:$0x3F98]  }
0x1a: {  	s8 =	sadd.s32 $0xFFFFE003, lr  }
0x1b: {  	s9 =	sadd.s32 $0xFFFFFEF7, lr;
	s5 =	simm.s32 $0xFFFFFFFF;
	p2 =	slt.u32 s8, $0xFFFFF086  }
0x1c: {  	p1 =	slt.u32 s9, $0xF7A;
	s5 =	simm.s32 @!p2 $0x0  }
0x1d: {  	s5 =	simm.s32 @p1 $0x1;
	p0 =	seq.s32 s7, s2  }
0x1e: {  	s7 =	smul.u32 @!p0 $0xF7A, s2;
	p2 =	seq.s32 @!p0 s5, $0x0  }
0x1f: {  	s9 =	smul.u32 $0xF7A, s1;
	s8 =	simm.s32 @!p0 $0x1BF5;
	p2 =	por !p2, p0  }
0x20: {  	[sflag:s8] =	ssyncset.s32 @!p0 $0xFFFFF086;
	s6 =	sadd.s32 @!p0 s3, s7;
	s7 =	simm.s32 @!p0 $0x108  }
0x21: {  	s3 =	sadd.s32 s3, s9;
	s6 =	sadd.s32 @!p0 $0x88, s6;
	s7 =	simm.s32 @p2 $0x1082  }
0x22: {  	[simem:s7], [sflag:s8] =	dma.local @!p0 [hbm:s6], $0xF7A  }
0x23: {  	s9 =	sor.u32 $0xD0000000, s2;
	s6 =	simm.s32 $0x108;
	_ =	swait.ge @!p0 [sflag:s8], $0x0  }
0x24: {  	s3 =	sadd.s32 $0x88, s3;
	s6 =	simm.s32 @!p1 $0x1082;
	[sflag:s4] =	ssyncset.s32 $0xFFFFF086  }
0x25: {  	[simem:s6], [sflag:s4] =	dma.local [hbm:s3], $0xF7A  }
0x26: {  	[smem:$0x3F98] =	sst s1;
	(tag) =	ssettag s2;
	_ =	strace s9  }
0x27: {  	s1 =	sld [smem:$0x3FA8]  }
0x28: {  	s2 =	sld [smem:$0x3FA9]  }
0x29: {  	s4 =	sld [smem:$0x3FAB]  }
0x2a: {  	p0 =	seq.s32 s5, $0x0;
	s5 =	sld [smem:$0x3FAC]  }
0x2b: {  	s6 =	sld [smem:$0x3FAD]  }
0x2c: {  	s7 =	sld [smem:$0x3FAE]  }
0x2d: {  	s3 =	simm.s32 $0x108;
	s8 =	sld [smem:$0x3FAF]  }
0x2e: {  	s3 =	simm.s32 @!p0 $0x1082;
	s9 =	sld [smem:$0x3FB0]  }
0x2f: {  	lr =	sadd.s32 s0, s3;
	s0 =	sld [smem:$0x3FA7]  }
0x30: {  	s3 =	sld [smem:$0x3FAA]  }
0x31: {  	[smem:$0x3FB3] =	sst s10  }
0x32: {  	s10 =	sld [smem:$0x3FB1];
	_ =	sdelay $0x3  }
0x33: {  	p0 =	seq.s32 s10, $0x1;
	s10 =	sld [smem:$0x3FB3];
	_ =	sdelay $0x3  }
0x34: {  	[smem:$0x3FB3] =	sst s10  }
0x35: {  	s10 =	sld [smem:$0x3FB2];
	_ =	sdelay $0x3  }
0x36: {  	p1 =	seq.s32 s10, $0x1;
	s10 =	sld [smem:$0x3FB3];
	_ =	sdelay $0x3  }
0x37: {  	[smem:$0x3FB3] =	sst s10  }
0x38: {  	s10 =	sld [smem:$0x3FB4]  }
0x39: {  	_ = 	snop;
	(pc) =	sbr.ind lr, $3  }
0x3a: {  	_ = 	snop  }
0x3b: {  	_ = 	snop  }
0x3c: {  	p2 =	seq.s32 s10, $0x1;
	s10 =	sld [smem:$0x3FB3]  }
0x3d: {  	_ =	shalt  }
0x3e: {  	_ =	shalt  }
0x3f: {  	_ =	shalt  }
0x40: {  	_ =	shalt  }
0x41: {  	_ =	shalt  }
0x42: {  	_ =	shalt  }
0x43: {  	_ =	shalt  }
0x44: {  	_ =	shalt  }
0x45: {  	_ =	shalt  }
0x46: {  	_ =	shalt  }
0x47: {  	_ =	shalt  }
0x48: {  	_ =	shalt  }
0x49: {  	_ =	shalt  }
0x4a: {  	_ =	shalt  }
0x4b: {  	_ =	shalt  }
0x4c: {  	_ =	shalt  }
0x4d: {  	_ =	shalt  }
0x4e: {  	_ =	shalt  }
0x4f: {  	_ =	shalt  }
0x50: {  	_ =	shalt  }
0x51: {  	_ =	shalt  }
0x52: {  	_ =	shalt  }
0x53: {  	_ =	shalt  }
0x54: {  	_ =	shalt  }
0x55: {  	_ =	shalt  }
0x56: {  	_ =	shalt  }
0x57: {  	_ =	shalt  }
0x58: {  	_ =	shalt  }
0x59: {  	_ =	shalt  }
0x5a: {  	_ =	shalt  }
0x5b: {  	_ =	shalt  }
0x5c: {  	_ =	shalt  }
0x5d: {  	_ =	shalt  }
0x5e: {  	_ =	shalt  }
0x5f: {  	_ =	shalt  }
0x60: {  	_ =	shalt  }
0x61: {  	_ =	shalt  }
0x62: {  	_ =	shalt  }
0x63: {  	_ =	shalt  }
0x64: {  	_ =	shalt  }
0x65: {  	_ =	shalt  }
0x66: {  	_ =	shalt  }
0x67: {  	_ =	shalt  }
0x68: {  	_ =	shalt  }
0x69: {  	_ =	shalt  }
0x6a: {  	_ =	shalt  }
0x6b: {  	_ =	shalt  }
0x6c: {  	_ =	shalt  }
0x6d: {  	_ =	shalt  }
0x6e: {  	_ =	shalt  }
0x6f: {  	_ =	shalt  }
0x70: {  	_ =	shalt  }
0x71: {  	_ =	shalt  }
0x72: {  	_ =	shalt  }
0x73: {  	_ =	shalt  }
0x74: {  	_ =	shalt  }
0x75: {  	_ =	shalt  }
0x76: {  	_ =	shalt  }
0x77: {  	_ =	shalt  }
0x78: {  	_ =	shalt  }
0x79: {  	_ =	shalt  }
0x7a: {  	_ =	shalt  }
0x7b: {  	_ =	shalt  }
0x7c: {  	_ =	shalt  }
0x7d: {  	_ =	shalt  }
0x7e: {  	_ =	shalt  }
0x7f: {  	_ =	shalt  }
0x80: {  	_ =	shalt  }
0x81: {  	_ =	shalt  }
0x82: {  	_ =	shalt  }
0x83: {  	_ =	shalt  }
0x84: {  	_ =	shalt  }
0x85: {  	_ =	shalt  }
0x86: {  	_ =	shalt  }
0x87: {  	_ =	shalt  }
.Lfunc_end0:
.L_simem_size_0:
called_computation_lowered:
.L_overlay_start_0:
0x88: {  	s2 =	sld [smem:$0x3FD9]  }
0x89: {  	s3 =	sld [smem:$0x3FFE];
	_ =	sdelay $0x1  }
0x8a: {  	s1 =	srdreg.scid  }
0x8b: {  	s0 =	sand.u32 $0x1, s1  }
0x8c: {  	s16 =	sshll.u32 s0, $0xA;
	s2 =	sadd.s32 s3, s2  }
0x8d: {  	s2 =	sadd.s32 s2, s16  }
0x8e: {  	[smem:$0x3FBF] =	sst s2  }
0x8f: {  	_ = 	snop  }
0x90: {  	(tm) =	ssettm $0x1  }
0x91: {  	s17 =	sld [smem:$0x3FFB];
	_ =	sdelay $0x3  }
0x92: {  	_ =	strace s17  }
0x93: {  	s2 =	sld [smem:$0x3FFC];
	_ =	sdelay $0x3  }
0x94: {  	_ =	strace s2  }
0x95: {  	s2 =	sld [smem:$0x3FFD];
	_ =	sdelay $0x3  }
0x96: {  	_ =	strace s2  }
0x97: {  	_ =	strace $0x8FFFFFFF  }
0x98: {  	s18 =	sld [smem:$0x3FDB];
	_ =	sdelay $0x1  }
0x99: {  	s19 =	simm.s32 $_scs_section_size  }
0x9a: {  	s4 =	simm.s32 $_size__tile_overlayer_lowered;
	s5 =	simm.s32 $_tile_overlayer_lowered  }
0x9b: {  	s22 =	simm.s32 $0x1BFF;
	s21 =	sshll.u32 s5, $0x1;
	s2 =	sadd.s32 s19, s18  }
0x9c: {  	s6 =	simm.s32 $0x0;
	s20 =	sshll.u32 s4, $0x1;
	s4 =	sadd.s32 s21, s2  }
0x9d: {  	[timem:s6], [sflag:s22] =	dma.local [hbm:s4], s20  }
0x9e: {  	_ =	swait.ge [sflag:s22], s20  }
0x9f: {  	s3 =	ssub.s32 $0x0, s20;
	[sflag:s22] =	ssyncset.done $0x0  }
0xa0: {  	[sflag:s22] =	ssyncadd.s32 s3;
	_ =	sdelay $0x1  }
0xa1: {  	s23 =	simm.s32 $0x1B8B  }
0xa2: {  	_ =	swait.ge [sflag:s23], $0x1  }
0xa3: {  	[sflag:s23] =	ssyncset.done $0x0  }
0xa4: {  	s25 =	simm.s32 $0x1B8E;
	s24 =	sld [smem:$0x3FFE];
	[sflag:s23] =	ssyncadd.s32 $0xFFFFFFFF  }
0xa5: {  	s26 =	simm.s32 $execute0_lowered;
	[smem:$0x3FD2] =	sst s25  }
0xa6: {  	s4 =	sshll.u32 s26, $0x1;
	_ =	strace $0x80000046;
	[dreg:$0x1] =	wrdreg $0xFFFFFFFF  }
0xa7: {  	s28 =	simm.s32 $_size_execute0_lowered;
	s2 =	sadd.s32 s2, s4;
	[dreg:$0x0] =	wrdreg $0x0  }
0xa8: {  	s4 =	sshll.u32 s28, $0x1;
	[dreg:$0x2] =	wrdreg s2  }
0xa9: {  	[dreg:$0x3] =	wrdreg s4  }
0xaa: {  	[dreg:$0x4] =	wrdreg $0xC0  }
0xab: {  	_ =	task [dreg:s6], $0x5FFFF  }
0xac: {  	[dreg:$0x1] =	wrdreg $0xFFFFFFFF  }
0xad: {  	[dreg:$0x0] =	wrdreg $0x60  }
0xae: {  	[dreg:$0x2] =	wrdreg s24  }
0xaf: {  	[dreg:$0x3] =	wrdreg $0x9  }
0xb0: {  	_ =	task.clear_ibuf [dreg:s6], $0x4FFFF;
	_ =	strace $0x90000046  }
0xb1: {  	s29 =	simm.s32 $0x9;
	_ =	strace $0x80000048  }
0xb2: {  	_ =	swait.ge [sflag:s29], $0x1  }
0xb3: {  	[sflag:s29] =	ssyncadd.s32 $0xFFFFFFFF  }
0xb4: {  	_ =	strace $0x90000048  }
0xb5: {  	_ =	sfence  }
0xb6: {  	s30 =	sld [smem:$0x0];
	_ =	sdelay $0x2  }
0xb7: {  	s31 =	sshll.u32 s1, $0xD;
	s1 =	sshrl.u32 s1, $0x2  }
0xb8: {  	s3 =	sand.u32 $0x4000, s31;
	s1 =	sadd.s32 s1, s30  }
0xb9: {  	s0 =	sor.u32 s3, s0;
	s1 =	sshll.u32 s1, $0x11  }
0xba: {  	s0 =	sor.u32 s1, s0  }
0xbb: {  	s0 =	sadd.s32 $0x8F2B, s0  }
0xbc: {  	[sflag:s0] =	ssyncadd.remote.s32 $0x1  }
0xbd: {  	_ =	sfence.sel $0xFFFF  }
0xbe: {  	[dreg:$0x0] =	wrdreg $0xFFFFFFFF;
	(pc) =	sbr.abs _section_cstart, $3  }
0xbf: {  	[dreg:$0x1] =	wrdreg $0xFFFFFFFF  }
0xc0: {  	_ =	task.clear_ibuf [dreg:s6], $0x2FFFF;
	_ =	strace $0x9FFFFFFF  }
0xc1: {  	(tm) =	ssettm $0x7FFFFFFF  }
tec
execute0_lowered:
.L_overlay_start_1:
0x0: {  	(tag) =	ssettag $0x1  }
0x1: {  	s0 =	srdreg.scid  }
0x2: {  	s4 =	rddreg [dreg:$0x0];
	s3 =	sand.u32 $0x1, s0  }
0x3: {  	s1 =	stileid.u32;
	s7 =	simm.s32 $0x2780;
	s2 =	sshll.u32 s3, $0x4  }
0x4: {  	s0 =	rddreg [dreg:$0x1];
	s3 =	ssub.s32 $0x2, s3;
	s5 =	sor.u32 s1, s2  }
0x5: {  	s2 =	simm.s32 $0x0;
	s6 =	sshrl.u32 s3, $0x1;
	s5 =	smul.u32 $0x4E2, s5  }
0x6: {  	s8 =	simm.s32 $0x0;
	[smem:$0x7FF] =	sst s2;
	s31 =	ssub.s32 s3, s6  }
0x7: {  	s6 =	simm.s32 $0x1;
	_ =	strace $0x80000047;
	s4 =	sadd.s32 s5, s4  }
0x8: {  	v0 =	vimm.f32 $0.0e+00;
	v1 =	vimm.f32 $1.000000000e+00;
	s5 =	smax.u32 s31, $0x1;
	s3 =	sadd.s32 $0xC600, s4;
	s4 =	sadd.s32 $0x16400, s4  }
.LBB2_1:
0x9: {  	[tilespmem:s2], [sflag:$0x1] =	stream.linear.gather [hbm4b:s3+s2], $0x2710, $0x38;
	[tilespmem:$0x4F00] =	vst v63  }
0xa: {  	_ =	swait.ge [sflag:s6], $0x2710  }
0xb: {  	[sflag:s6] =	ssyncset.done $0x0  }
0xc: {  	s11 =	simm.s32 $0x27A0;
	[sflag:s6] =	ssyncadd.s32 $0xFFFFD8F0  }
0xd: {  	[tilespmem:s11+$0xFFFFFFE0] =	vst v0  }
0xe: {  	[tilespmem:s11+$0x20] =	vst v0  }
0xf: {  	[tilespmem:s11+$0x10] =	vst v0  }
0x10: {  	s9 =	simm.s32 $0xFFFFFFFB;
	s12 =	simm.s32 $0x0;
	[tilespmem:s11+$0x0] =	vst v0  }
.LBB2_2:
0x11: {  	s12 =	sadd.s32 $0x5, s12  }
0x12: {  	[tilespmem:s11+$0xFFFFFFF0] =	vst v0;
	s11 =	sadd.s32 $0x50, s11;
	s10 =	simm.s32 $0x20;
	p0 =	slt.u32 s12, $0x26C  }
.Ltmp0:
0x13: {  	[tilespmem:s11+$0xFFFFFFE0] =	vst v0;
	(pc) =	sbr.rel @p0 .LBB2_2-.Ltmp0, $4  }
0x14: {  	_ = 	snop  }
0x15: {  	[tilespmem:s11+$0x20] =	vst v0  }
0x16: {  	[tilespmem:s11+$0x10] =	vst v0  }
0x17: {  	[tilespmem:s11+$0x0] =	vst v0  }
0x18: {  	[tilespmem:s11+$0xFFFFFFF0] =	vst v0  }
.LBB2_4:
0x19: {  	v2 =	vld [tilespmem:s10+$0xFFFFFFE0];
	_ =	sdelay $0x7  }
0x1a: {  	[tilespmem:v2+s7+$0x0] =	vst.idx.add.f32.msk $0xffff, v1  }
0x1b: {  	v2 =	vld [tilespmem:s10+$0xFFFFFFF0];
	_ =	sdelay $0x7  }
0x1c: {  	[tilespmem:v2+s7+$0x0] =	vst.idx.add.f32.msk $0xffff, v1  }
0x1d: {  	v2 =	vld [tilespmem:s10+$0x0];
	_ =	sdelay $0x7  }
0x1e: {  	[tilespmem:v2+s7+$0x0] =	vst.idx.add.f32.msk $0xffff, v1  }
0x1f: {  	v2 =	vld [tilespmem:s10+$0x10];
	_ =	sdelay $0x7  }
0x20: {  	[tilespmem:v2+s7+$0x0] =	vst.idx.add.f32.msk $0xffff, v1  }
0x21: {  	v2 =	vld [tilespmem:s10+$0x20];
	_ =	sdelay $0x1  }
0x22: {  	s9 =	sadd.s32 $0x5, s9  }
0x23: {  	p0 =	slt.u32 s9, $0x26C  }
.Ltmp1:
0x24: {  	_ = 	snop;
	(pc) =	sbr.rel @p0 .LBB2_4-.Ltmp1, $2  }
0x25: {  	_ =	sdelay $0x2  }
0x26: {  	s10 =	sadd.s32 $0x50, s10;
	[tilespmem:v2+s7+$0x0] =	vst.idx.add.f32.msk $0xffff, v1  }
0x27: {  	s8 =	sadd.s32 $0x1, s8  }
0x28: {  	p0 =	sne.s32 s8, s5  }
.Ltmp2:
0x29: {  	_ = 	snop;
	(pc) =	sbr.rel @p0 .LBB2_1-.Ltmp2, $4  }
0x2a: {  	[hbm4b:s4+s2] =	stream.linear.scatter [tilespmem:s7], [sflag:$0x1], $0x2710, $0x38;
	[tilespmem:$0x4F00] =	vst v63  }
0x2b: {  	_ =	swait.ge [sflag:s6], $0x2710  }
0x2c: {  	[sflag:s6] =	ssyncset.done $0x0  }
0x2d: {  	[sflag:s6] =	ssyncadd.s32 $0xFFFFD8F0  }
0x2e: {  	_ =	sfence.sel $0x180000  }
0x2f: {  	[bflag:$0x0] =	sbarrier.arrive $0xFFFF  }
0x30: {  	p0 =	sne.s32 s1, $0x0;
	_ =	strace $0x90000047  }
0x31: {  	s0 =	sadd.s32 @!p0 $0x100000, s0;
	[bflag:$0x2] =	sbarrier.arrive $0xFFFF  }
0x32: {  	[sflag:s0] =	ssyncadd.tile.s32 @!p0 $0x1;
	_ =	shalt  }
.Lfunc_end2:
_tile_overlayer_lowered:
.L_overlay_start_2:
0x33: {  	(tag) =	ssettag $0x2  }
0x34: {  	s0 =	rddreg [dreg:$0x0];
	s2 =	stileid.u32  }
0x35: {  	s1 =	rddreg [dreg:$0x1];
	p0 =	sne.s32 s2, $0x0  }
0x36: {  	s3 =	rddreg [dreg:$0x2];
	[bflag:$0x3] =	sbarrier.arrive $0xFFFF;
	s2 =	simm.s32 @!p0 $0x1C01  }
0x37: {  	[timem:s3], [sflag:s2] =	dma.local @!p0 [hbm:s0], s1  }
0x38: {  	s0 =	simm.s32 @!p0 $0x1  }
0x39: {  	_ =	swait.ge @!p0 [sflag:s0], s1  }
0x3a: {  	s1 =	ssub.s32 @!p0 $0x0, s1;
	[sflag:s0] =	ssyncset.done @!p0 $0x0  }
0x3b: {  	[sflag:s0] =	ssyncadd.s32 @!p0 s1  }
0x3c: {  	[bflag:$0x3] =	sbarrier.arrive $0xFFFF  }
0x3d: {  	_ =	shalt  }

</sc_bundles>
